<compile_context>
chip_gen: v7x
topology: tpu7x:2x2x1
jax: 0.10.2.dev20260603
libtpu: 0.0.44.dev20260713+nightly
codegen_flags: <defaults>
</compile_context>

<pallas_src>
import jax
import jax.numpy as jnp
from jax import lax
from jax.experimental import pallas as pl
from jax.experimental.pallas import tpu as pltpu
from jax.experimental.pallas import tpu_sc as plsc

N_NODES = 10000
CH = 128
N_EDGES = 320000

NC = 2
NS = 16
NW = NC * NS
LANES = 16

EDGES_PER_TILE = N_EDGES // NW
CHUNK = 64
NCHUNKS = 157
DEPTH = 4
NSLOT = 2 * DEPTH
EDGES_PAD = NW * NCHUNKS * CHUNK
N_TRASH = 128
ACC_ROWS = N_NODES + N_TRASH
STRIPE = 624
TAIL = N_NODES - NS * STRIPE


def _sc_mesh():
    return plsc.VectorSubcoreMesh(core_axis_name="c", subcore_axis_name="s")


def _hist_body(src_hbm, dst_hbm, hist_hbm, sp_hbm, dp_hbm,
               dst_v, hist_v, sp_v, dp_v, sem_d, sem_s, sem_p):
    c = lax.axis_index("c")
    s = lax.axis_index("s")
    wid = c * NS + s

    pltpu.async_copy(dst_hbm.at[pl.ds(wid * EDGES_PER_TILE, EDGES_PER_TILE)],
                     dst_v, sem_d)
    n_real = EDGES_PAD // NW

    @pl.when(wid < NW - 1)
    def _():
        pltpu.async_copy(src_hbm.at[pl.ds(wid * n_real, n_real)], sp_v, sem_s)
        pltpu.async_copy(dst_hbm.at[pl.ds(wid * n_real, n_real)], dp_v, sem_p)

    n_last = N_EDGES - (NW - 1) * n_real

    @pl.when(wid == NW - 1)
    def _():
        pltpu.async_copy(src_hbm.at[pl.ds((NW - 1) * n_real, n_last)],
                         sp_v.at[pl.ds(0, n_last)], sem_s)
        pltpu.async_copy(dst_hbm.at[pl.ds((NW - 1) * n_real, n_last)],
                         dp_v.at[pl.ds(0, n_last)], sem_p)

    def zero_step(i, _):
        hist_v[pl.ds(i * LANES, LANES)] = jnp.zeros((LANES,), jnp.float32)
        return 0

    lax.fori_loop(0, N_NODES // LANES, zero_step, 0)

    pltpu.make_async_copy(
        dst_hbm.at[pl.ds(wid * EDGES_PER_TILE, EDGES_PER_TILE)],
        dst_v, sem_d).wait()

    ones = jnp.ones((LANES,), jnp.float32)

    def count_step(i, _):
        idx = dst_v[pl.ds(i * LANES, LANES)]
        plsc.addupdate_scatter(hist_v, [idx], ones)
        return 0

    lax.fori_loop(0, EDGES_PER_TILE // LANES, count_step, 0)

    pltpu.sync_copy(hist_v, hist_hbm.at[wid])

    @pl.when(wid < NW - 1)
    def _():
        pltpu.make_async_copy(src_hbm.at[pl.ds(wid * n_real, n_real)],
                              sp_v, sem_s).wait()
        pltpu.make_async_copy(dst_hbm.at[pl.ds(wid * n_real, n_real)],
                              dp_v, sem_p).wait()

    @pl.when(wid == NW - 1)
    def _():
        pltpu.make_async_copy(src_hbm.at[pl.ds((NW - 1) * n_real, n_last)],
                              sp_v.at[pl.ds(0, n_last)], sem_s).wait()
        pltpu.make_async_copy(dst_hbm.at[pl.ds((NW - 1) * n_real, n_last)],
                              dp_v.at[pl.ds(0, n_last)], sem_p).wait()

        def pad_step(j, _):
            k = j * LANES + lax.iota(jnp.int32, LANES)
            sp_v[pl.ds(n_last + j * LANES, LANES)] = k
            dp_v[pl.ds(n_last + j * LANES, LANES)] = N_NODES + lax.rem(
                k, N_TRASH)
            return 0

        lax.fori_loop(0, (n_real - n_last) // LANES, pad_step, 0)

    pltpu.sync_copy(sp_v, sp_hbm.at[pl.ds(wid * n_real, n_real)])
    pltpu.sync_copy(dp_v, dp_hbm.at[pl.ds(wid * n_real, n_real)])


def _sc_histogram(src, dst):
    return pl.kernel(
        _hist_body,
        out_type=(
            jax.ShapeDtypeStruct((NW, N_NODES), jnp.float32),
            jax.ShapeDtypeStruct((EDGES_PAD,), jnp.int32),
            jax.ShapeDtypeStruct((EDGES_PAD,), jnp.int32),
        ),
        mesh=_sc_mesh(),
        scratch_types=[
            pltpu.VMEM((EDGES_PER_TILE,), jnp.int32),
            pltpu.VMEM((N_NODES,), jnp.float32),
            pltpu.VMEM((EDGES_PAD // NW,), jnp.int32),
            pltpu.VMEM((EDGES_PAD // NW,), jnp.int32),
            pltpu.SemaphoreType.DMA,
            pltpu.SemaphoreType.DMA,
            pltpu.SemaphoreType.DMA,
        ],
        compiler_params=pltpu.CompilerParams(needs_layout_passes=False),
    )(src, dst)


ROW_BLK = 2000


def _matmul_body(x_ref, w_ref, hist_ref, hp_ref):
    h = jnp.dot(x_ref[...], w_ref[...], preferred_element_type=jnp.float32)
    deg = 1.0 + jnp.sum(hist_ref[...], axis=1)
    dinv = lax.rsqrt(deg)
    hp_ref[...] = h * dinv[:, None]


def _tc_matmul_scale(x, W, hist):
    grid = (N_NODES // ROW_BLK,)
    return pl.pallas_call(
        _matmul_body,
        grid=grid,
        in_specs=[
            pl.BlockSpec((ROW_BLK, CH), lambda i: (i, 0)),
            pl.BlockSpec((CH, CH), lambda i: (0, 0)),
            pl.BlockSpec((ROW_BLK, NW), lambda i: (i, 0)),
        ],
        out_specs=pl.BlockSpec((ROW_BLK, CH), lambda i: (i, 0)),
        out_shape=jax.ShapeDtypeStruct((N_NODES, CH), jnp.float32),
    )(x, W, hist)


def _edge_body(hp_hbm, sp_hbm, dp_hbm, part_hbm,
               sslot, dslot, buf_a, buf_b, buf_c, buf_d, acc_sh,
               gs, ss, isem):
    c = lax.axis_index("c")
    s = lax.axis_index("s")
    wid = c * NS + s

    def zero_step(i, _):
        for j in range(CH // LANES):
            buf_a[i, pl.ds(j * LANES, LANES)] = jnp.zeros((LANES,), jnp.float32)
        return 0

    lax.fori_loop(0, CHUNK, zero_step, 0)
    for r in range(STRIPE // CHUNK):
        pltpu.sync_copy(buf_a, acc_sh.at[pl.ds(s * STRIPE + r * CHUNK, CHUNK)])
    pltpu.sync_copy(buf_a.at[pl.ds(0, STRIPE % CHUNK)],
                    acc_sh.at[pl.ds(s * STRIPE + (STRIPE // CHUNK) * CHUNK,
                                    STRIPE % CHUNK)])

    @pl.when(s == NS - 1)
    def _():
        pltpu.sync_copy(buf_a.at[pl.ds(0, TAIL)],
                        acc_sh.at[pl.ds(NS * STRIPE, TAIL)])

    @pl.when(s == 0)
    def _():
        for t in range(N_TRASH // CHUNK):
            pltpu.sync_copy(buf_a,
                            acc_sh.at[pl.ds(N_NODES + t * CHUNK, CHUNK)])

    plsc.subcore_barrier()

    ebase = wid * (EDGES_PAD // NW)

    def idx_fire(chunk, sem):
        m = chunk % NSLOT
        pltpu.async_copy(sp_hbm.at[pl.ds(ebase + chunk * CHUNK, CHUNK)],
                         sslot.at[m], sem.at[m])
        pltpu.async_copy(dp_hbm.at[pl.ds(ebase + chunk * CHUNK, CHUNK)],
                         dslot.at[m], sem.at[m])

    def idx_wait(chunk, sem):
        m = chunk % NSLOT
        pltpu.make_async_copy(sp_hbm.at[pl.ds(ebase + chunk * CHUNK, CHUNK)],
                              sslot.at[m], sem.at[m]).wait()
        pltpu.make_async_copy(dp_hbm.at[pl.ds(ebase + chunk * CHUNK, CHUNK)],
                              dslot.at[m], sem.at[m]).wait()

    def gather_start(chunk, buf, sem):
        return pltpu.async_copy(hp_hbm.at[sslot.at[chunk % NSLOT]], buf, sem)

    def gather_wait(chunk, buf, sem):
        pltpu.make_async_copy(hp_hbm.at[sslot.at[chunk % NSLOT]], buf,
                              sem).wait()

    def scatter_start(chunk, buf, sem):
        return pltpu.async_copy(buf, acc_sh.at[dslot.at[chunk % NSLOT]], sem,
                                add=True)

    bufs = (buf_a, buf_b, buf_c, buf_d)
    for k in range(DEPTH):
        pltpu.sync_copy(sp_hbm.at[pl.ds(ebase + k * CHUNK, CHUNK)],
                        sslot.at[k])
        pltpu.sync_copy(dp_hbm.at[pl.ds(ebase + k * CHUNK, CHUNK)],
                        dslot.at[k])
    for k in range(DEPTH, NSLOT):
        idx_fire(k, isem)
    for k in range(DEPTH):
        gather_start(k, bufs[k], gs.at[k])

    def pipe_step(i, _):
        c0 = DEPTH * i
        descs = []
        for k in range(DEPTH):
            gather_wait(c0 + k, bufs[k], gs.at[k])
            descs.append(scatter_start(c0 + k, bufs[k], ss.at[k]))
        for k in range(DEPTH):
            descs[k].wait()

            @pl.when(c0 + k + NSLOT < NCHUNKS)
            def _():
                idx_fire(c0 + k + NSLOT, isem)

            @pl.when(c0 + k + DEPTH < NCHUNKS)
            def _():
                idx_wait(c0 + k + DEPTH, isem)
                gather_start(c0 + k + DEPTH, bufs[k], gs.at[k])

        return 0

    lax.fori_loop(0, NCHUNKS // DEPTH, pipe_step, 0)
    gather_wait(NCHUNKS - 1, buf_a, gs.at[0])
    pltpu.sync_copy(buf_a, acc_sh.at[dslot.at[(NCHUNKS - 1) % NSLOT]],
                    add=True)
    plsc.subcore_barrier()

    pltpu.sync_copy(acc_sh.at[pl.ds(s * STRIPE, STRIPE)],
                    part_hbm.at[c, pl.ds(s * STRIPE, STRIPE)])

    @pl.when(s == NS - 1)
    def _():
        pltpu.sync_copy(acc_sh.at[pl.ds(NS * STRIPE, TAIL)],
                        part_hbm.at[c, pl.ds(NS * STRIPE, TAIL)])


def _sc_edge_pass(hp, sp, dp):
    return pl.kernel(
        _edge_body,
        out_type=jax.ShapeDtypeStruct((NC, N_NODES, CH), jnp.float32),
        mesh=_sc_mesh(),
        scratch_types=[
            pltpu.VMEM((NSLOT, CHUNK), jnp.int32),
            pltpu.VMEM((NSLOT, CHUNK), jnp.int32),
            pltpu.VMEM((CHUNK, CH), jnp.float32),
            pltpu.VMEM((CHUNK, CH), jnp.float32),
            pltpu.VMEM((CHUNK, CH), jnp.float32),
            pltpu.VMEM((CHUNK, CH), jnp.float32),
            pltpu.VMEM_SHARED((ACC_ROWS, CH), jnp.float32),
            pltpu.SemaphoreType.DMA((DEPTH,)),
            pltpu.SemaphoreType.DMA((DEPTH,)),
            pltpu.SemaphoreType.DMA((NSLOT,)),
        ],
        compiler_params=pltpu.CompilerParams(needs_layout_passes=False),
    )(hp, sp, dp)


def _final_body(part_ref, hp_ref, hist_ref, bias_ref, pw_ref, out_ref):
    deg = 1.0 + jnp.sum(hist_ref[...], axis=1)
    dinv = lax.rsqrt(deg)
    acc = part_ref[0] + part_ref[1] + hp_ref[...]
    o = acc * dinv[:, None] + bias_ref[...]
    out_ref[...] = jnp.where(o >= 0.0, o, pw_ref[...] * o)


def _tc_finalize(part, hp, hist, bias, prelu_w):
    grid = (N_NODES // ROW_BLK,)
    return pl.pallas_call(
        _final_body,
        grid=grid,
        in_specs=[
            pl.BlockSpec((NC, ROW_BLK, CH), lambda i: (0, i, 0)),
            pl.BlockSpec((ROW_BLK, CH), lambda i: (i, 0)),
            pl.BlockSpec((ROW_BLK, NW), lambda i: (i, 0)),
            pl.BlockSpec((1, CH), lambda i: (0, 0)),
            pl.BlockSpec((1, CH), lambda i: (0, 0)),
        ],
        out_specs=pl.BlockSpec((ROW_BLK, CH), lambda i: (i, 0)),
        out_shape=jax.ShapeDtypeStruct((N_NODES, CH), jnp.float32),
    )(part, hp, hist, bias, prelu_w)


def kernel(x, edge_index, W, bias, prelu_w):
    src = edge_index[0].astype(jnp.int32)
    dst = edge_index[1].astype(jnp.int32)
    hist, sp, dp = _sc_histogram(src, dst)
    hp = _tc_matmul_scale(x, W, hist.T)
    part = _sc_edge_pass(hp, sp, dp)
    return _tc_finalize(part, hp, hist.T,
                        bias.reshape(1, CH), prelu_w.reshape(1, CH))

# --- scband reference (transcript-rebuilt; emitter-appended) ---
"""Pipeline reference for scband-gcn-encoder-64441689309214 (READ-ONLY COPY).

The authoritative reference and input builder live on the scoring server;
editing this copy changes nothing except your own understanding.
"""

import jax, jax.numpy as jnp
import numpy as np

N_NODES = 10000
IN_CH = 128
NUM_HID = 128
N_EDGES = 320000

def setup_inputs(seed: int = 0) -> dict:
    key = jax.random.key(seed)
    k1, k2, k3, k4 = jax.random.split(key, 4)
    x = jax.random.normal(k1, (N_NODES, IN_CH), dtype=jnp.float32)
    edge_index = jax.random.randint(k2, (2, N_EDGES), 0, N_NODES, dtype=jnp.int64)
    # Glorot-initialized GCN weight, zero bias (PyG defaults)
    limit = float(np.sqrt(6.0 / (IN_CH + NUM_HID)))
    W = jax.random.uniform(k3, (IN_CH, NUM_HID), minval=-limit, maxval=limit, dtype=jnp.float32)
    bias = jnp.zeros((NUM_HID,), dtype=jnp.float32)
    # PReLU per-channel weight, init 0.25 (torch default)
    prelu_w = 0.25 * jnp.ones((NUM_HID,), dtype=jnp.float32)
    return {"x": x, "edge_index": edge_index, "W": W, "bias": bias, "prelu_w": prelu_w}

def reference(x, edge_index, W, bias, prelu_w):
    N = x.shape[0]
    src = edge_index[0]
    dst = edge_index[1]
    # GCNConv: add self-loops with weight 1
    loop = jnp.arange(N, dtype=edge_index.dtype)
    src = jnp.concatenate([src, loop])
    dst = jnp.concatenate([dst, loop])
    ew = jnp.ones(src.shape[0], dtype=x.dtype)
    # symmetric normalization: D^{-1/2} A_hat D^{-1/2}
    deg = jnp.zeros((N,), dtype=x.dtype).at[dst].add(ew)
    deg_inv_sqrt = jnp.where(deg > 0, jax.lax.rsqrt(jnp.where(deg > 0, deg, 1.0)), 0.0)
    norm = deg_inv_sqrt[src] * ew * deg_inv_sqrt[dst]
    # linear transform then propagate (scatter-add by dst)
    h = x @ W
    msg = h[src] * norm[:, None]
    out = jnp.zeros((N, h.shape[1]), dtype=x.dtype).at[dst].add(msg)
    out = out + bias
    # PReLU with per-channel weight
    out = jnp.where(out >= 0, out, prelu_w * out)
    return out

if __name__ == "__main__":
    import jax
    _d = setup_inputs()
    print(jax.jit(kernel)(*tuple(_d.values())))

</pallas_src>

<mosaic_0001>
#map = affine_map<(d0, d1) -> (0, 0)>
#map1 = affine_map<(d0, d1) -> (0)>
#map2 = affine_map<(d0, d1) -> (0, 0, 0)>
module attributes {stable_mosaic.version = 14 : i64} {
  func.func @_edge_body(%arg0: i32, %arg1: i32, %arg2: memref<10000x128xf32, #tpu.memory_space<hbm>>, %arg3: memref<321536xi32, #tpu.memory_space<hbm>>, %arg4: memref<321536xi32, #tpu.memory_space<hbm>>, %arg5: memref<2x10000x128xf32, #tpu.memory_space<hbm>>, %arg6: memref<8x64xi32, #tpu.memory_space<vmem>>, %arg7: memref<8x64xi32, #tpu.memory_space<vmem>>, %arg8: memref<64x128xf32, #tpu.memory_space<vmem>>, %arg9: memref<64x128xf32, #tpu.memory_space<vmem>>, %arg10: memref<64x128xf32, #tpu.memory_space<vmem>>, %arg11: memref<64x128xf32, #tpu.memory_space<vmem>>, %arg12: memref<10128x128xf32, #tpu.memory_space<vmem_shared>>, %arg13: memref<4x!tpu.dma_semaphore, #tpu.memory_space<semaphore_mem>>, %arg14: memref<4x!tpu.dma_semaphore, #tpu.memory_space<semaphore_mem>>, %arg15: memref<8x!tpu.dma_semaphore, #tpu.memory_space<semaphore_mem>>) attributes {dimension_semantics = [#tpu.dimension_semantics<core_parallel>, #tpu.dimension_semantics<subcore_parallel>], iteration_bounds = array<i64: 2, 16>, scalar_prefetch = 0 : i64, scratch_operands = 10 : i64, tpu.core_type = #tpu.core_type<sc_vector_subcore>, window_params = [{transform_indices = #map}, {transform_indices = #map1}, {transform_indices = #map1}, {transform_indices = #map2}]} {
    %mul3A = arith.constant 16 : i32
    %mul3A_0 = arith.muli %arg0, %mul3A : i32
    %add3A = arith.addi %mul3A_0, %arg1 : i32
    %scan3A = arith.constant 0 : i32
    %scan3A_1 = arith.constant 0 : i32
    %scan3A_2 = arith.constant 64 : i32
    %scan3A_3 = arith.addi %scan3A_1, %scan3A_2 : i32
    %scan3A_4 = arith.constant 1 : i32
    %scan3A_5 = scf.for %scan3A_257 = %scan3A_1 to %scan3A_3 step %scan3A_4 iter_args(%scan3A_258 = %scan3A) -> (i32)  : i32 {
      %broadcast_in_dim3A = arith.constant 0.000000e+00 : f32
      %broadcast_in_dim3A_259 = vector.broadcast %broadcast_in_dim3A : f32 to vector<16xf32>
      %swap3A = arith.index_cast %scan3A_257 : i32 to index
      %swap3A_260 = arith.constant 0 : index
      %swap3A_261 = tpu.vector_load %arg8[%swap3A, %swap3A_260] {strides = array<i32>} : memref<64x128xf32, #tpu.memory_space<vmem>>, vector<16xf32>,
      tpu.vector_store %arg8[%swap3A, %swap3A_260], %broadcast_in_dim3A_259 {strides = array<i32>} : memref<64x128xf32, #tpu.memory_space<vmem>>, vector<16xf32>,
      %broadcast_in_dim3A_262 = arith.constant 0.000000e+00 : f32
      %broadcast_in_dim3A_263 = vector.broadcast %broadcast_in_dim3A_262 : f32 to vector<16xf32>
      %swap3A_264 = arith.index_cast %scan3A_257 : i32 to index
      %swap3A_265 = arith.constant 16 : index
      %swap3A_266 = tpu.vector_load %arg8[%swap3A_264, %swap3A_265] {strides = array<i32>} : memref<64x128xf32, #tpu.memory_space<vmem>>, vector<16xf32>,
      tpu.vector_store %arg8[%swap3A_264, %swap3A_265], %broadcast_in_dim3A_263 {strides = array<i32>} : memref<64x128xf32, #tpu.memory_space<vmem>>, vector<16xf32>,
      %broadcast_in_dim3A_267 = arith.constant 0.000000e+00 : f32
      %broadcast_in_dim3A_268 = vector.broadcast %broadcast_in_dim3A_267 : f32 to vector<16xf32>
      %swap3A_269 = arith.index_cast %scan3A_257 : i32 to index
      %swap3A_270 = arith.constant 32 : index
      %swap3A_271 = tpu.vector_load %arg8[%swap3A_269, %swap3A_270] {strides = array<i32>} : memref<64x128xf32, #tpu.memory_space<vmem>>, vector<16xf32>,
      tpu.vector_store %arg8[%swap3A_269, %swap3A_270], %broadcast_in_dim3A_268 {strides = array<i32>} : memref<64x128xf32, #tpu.memory_space<vmem>>, vector<16xf32>,
      %broadcast_in_dim3A_272 = arith.constant 0.000000e+00 : f32
      %broadcast_in_dim3A_273 = vector.broadcast %broadcast_in_dim3A_272 : f32 to vector<16xf32>
      %swap3A_274 = arith.index_cast %scan3A_257 : i32 to index
      %swap3A_275 = arith.constant 48 : index
      %swap3A_276 = tpu.vector_load %arg8[%swap3A_274, %swap3A_275] {strides = array<i32>} : memref<64x128xf32, #tpu.memory_space<vmem>>, vector<16xf32>,
      tpu.vector_store %arg8[%swap3A_274, %swap3A_275], %broadcast_in_dim3A_273 {strides = array<i32>} : memref<64x128xf32, #tpu.memory_space<vmem>>, vector<16xf32>,
      %broadcast_in_dim3A_277 = arith.constant 0.000000e+00 : f32
      %broadcast_in_dim3A_278 = vector.broadcast %broadcast_in_dim3A_277 : f32 to vector<16xf32>
      %swap3A_279 = arith.index_cast %scan3A_257 : i32 to index
      %swap3A_280 = arith.constant 64 : index
      %swap3A_281 = tpu.vector_load %arg8[%swap3A_279, %swap3A_280] {strides = array<i32>} : memref<64x128xf32, #tpu.memory_space<vmem>>, vector<16xf32>,
      tpu.vector_store %arg8[%swap3A_279, %swap3A_280], %broadcast_in_dim3A_278 {strides = array<i32>} : memref<64x128xf32, #tpu.memory_space<vmem>>, vector<16xf32>,
      %broadcast_in_dim3A_282 = arith.constant 0.000000e+00 : f32
      %broadcast_in_dim3A_283 = vector.broadcast %broadcast_in_dim3A_282 : f32 to vector<16xf32>
      %swap3A_284 = arith.index_cast %scan3A_257 : i32 to index
      %swap3A_285 = arith.constant 80 : index
      %swap3A_286 = tpu.vector_load %arg8[%swap3A_284, %swap3A_285] {strides = array<i32>} : memref<64x128xf32, #tpu.memory_space<vmem>>, vector<16xf32>,
      tpu.vector_store %arg8[%swap3A_284, %swap3A_285], %broadcast_in_dim3A_283 {strides = array<i32>} : memref<64x128xf32, #tpu.memory_space<vmem>>, vector<16xf32>,
      %broadcast_in_dim3A_287 = arith.constant 0.000000e+00 : f32
      %broadcast_in_dim3A_288 = vector.broadcast %broadcast_in_dim3A_287 : f32 to vector<16xf32>
      %swap3A_289 = arith.index_cast %scan3A_257 : i32 to index
      %swap3A_290 = arith.constant 96 : index
      %swap3A_291 = tpu.vector_load %arg8[%swap3A_289, %swap3A_290] {strides = array<i32>} : memref<64x128xf32, #tpu.memory_space<vmem>>, vector<16xf32>,
      tpu.vector_store %arg8[%swap3A_289, %swap3A_290], %broadcast_in_dim3A_288 {strides = array<i32>} : memref<64x128xf32, #tpu.memory_space<vmem>>, vector<16xf32>,
      %broadcast_in_dim3A_292 = arith.constant 0.000000e+00 : f32
      %broadcast_in_dim3A_293 = vector.broadcast %broadcast_in_dim3A_292 : f32 to vector<16xf32>
      %swap3A_294 = arith.index_cast %scan3A_257 : i32 to index
      %swap3A_295 = arith.constant 112 : index
      %swap3A_296 = tpu.vector_load %arg8[%swap3A_294, %swap3A_295] {strides = array<i32>} : memref<64x128xf32, #tpu.memory_space<vmem>>, vector<16xf32>,
      tpu.vector_store %arg8[%swap3A_294, %swap3A_295], %broadcast_in_dim3A_293 {strides = array<i32>} : memref<64x128xf32, #tpu.memory_space<vmem>>, vector<16xf32>,
      %scan3A_297 = arith.constant 0 : i32
      scf.yield %scan3A_297 : i32
    }
    %scan3A_6 = arith.constant 64 : i32
    %mul3A_7 = arith.constant 624 : i32
    %mul3A_8 = arith.muli %arg1, %mul3A_7 : i32
    %add3A_9 = arith.constant 0 : i32
    %add3A_10 = arith.addi %mul3A_8, %add3A_9 : i32
    "tpu.region"() ({
      %run_scoped3A_257 = tpu.sem_alloc : memref<!tpu.dma_semaphore, #tpu.memory_space<semaphore_mem>>
      %dma_start3A_258 = arith.constant 0 : i32
      %dma_start3A_259 = tpu.memref_slice %arg12[%add3A_10, %dma_start3A_258] : memref<10128x128xf32, #tpu.memory_space<vmem_shared>> -> memref<64x128xf32, #tpu.memory_space<vmem_shared>>
      %dma_start3A_260 = arith.constant 0 : i32
      %dma_start3A_261 = tpu.memref_slice %arg12[%add3A_10, %dma_start3A_260] : memref<10128x128xf32, #tpu.memory_space<vmem_shared>> -> memref<64x128xf32, #tpu.memory_space<vmem_shared>>
      tpu.enqueue_dma source(%arg8 : memref<64x128xf32, #tpu.memory_space<vmem>>) target(%dma_start3A_261 : memref<64x128xf32, #tpu.memory_space<vmem_shared>>) target_semaphore(%run_scoped3A_257 : memref<!tpu.dma_semaphore, #tpu.memory_space<semaphore_mem>>)
      %dma_wait3A_262 = arith.constant 0 : i32
      %dma_wait3A_263 = tpu.memref_slice %arg12[%add3A_10, %dma_wait3A_262] : memref<10128x128xf32, #tpu.memory_space<vmem_shared>> -> memref<64x128xf32, #tpu.memory_space<vmem_shared>>
      %dma_wait3A_264 = arith.constant 0 : i32
      %dma_wait3A_265 = tpu.memref_slice %arg12[%add3A_10, %dma_wait3A_264] : memref<10128x128xf32, #tpu.memory_space<vmem_shared>> -> memref<64x128xf32, #tpu.memory_space<vmem_shared>>
      tpu.wait_dma2 semaphore(%run_scoped3A_257 : memref<!tpu.dma_semaphore, #tpu.memory_space<semaphore_mem>>) src(%arg8 : memref<64x128xf32, #tpu.memory_space<vmem>>) dst(%dma_wait3A_265 : memref<64x128xf32, #tpu.memory_space<vmem_shared>>)
      tpu.yield
    }) : () -> ()
    %mul3A_11 = arith.constant 624 : i32
    %mul3A_12 = arith.muli %arg1, %mul3A_11 : i32
    %add3A_13 = arith.constant 64 : i32
    %add3A_14 = arith.addi %mul3A_12, %add3A_13 : i32
    "tpu.region"() ({
      %run_scoped3A_257 = tpu.sem_alloc : memref<!tpu.dma_semaphore, #tpu.memory_space<semaphore_mem>>
      %dma_start3A_258 = arith.constant 0 : i32
      %dma_start3A_259 = tpu.memref_slice %arg12[%add3A_14, %dma_start3A_258] : memref<10128x128xf32, #tpu.memory_space<vmem_shared>> -> memref<64x128xf32, #tpu.memory_space<vmem_shared>>
      %dma_start3A_260 = arith.constant 0 : i32
      %dma_start3A_261 = tpu.memref_slice %arg12[%add3A_14, %dma_start3A_260] : memref<10128x128xf32, #tpu.memory_space<vmem_shared>> -> memref<64x128xf32, #tpu.memory_space<vmem_shared>>
      tpu.enqueue_dma source(%arg8 : memref<64x128xf32, #tpu.memory_space<vmem>>) target(%dma_start3A_261 : memref<64x128xf32, #tpu.memory_space<vmem_shared>>) target_semaphore(%run_scoped3A_257 : memref<!tpu.dma_semaphore, #tpu.memory_space<semaphore_mem>>)
      %dma_wait3A_262 = arith.constant 0 : i32
      %dma_wait3A_263 = tpu.memref_slice %arg12[%add3A_14, %dma_wait3A_262] : memref<10128x128xf32, #tpu.memory_space<vmem_shared>> -> memref<64x128xf32, #tpu.memory_space<vmem_shared>>
      %dma_wait3A_264 = arith.constant 0 : i32
      %dma_wait3A_265 = tpu.memref_slice %arg12[%add3A_14, %dma_wait3A_264] : memref<10128x128xf32, #tpu.memory_space<vmem_shared>> -> memref<64x128xf32, #tpu.memory_space<vmem_shared>>
      tpu.wait_dma2 semaphore(%run_scoped3A_257 : memref<!tpu.dma_semaphore, #tpu.memory_space<semaphore_mem>>) src(%arg8 : memref<64x128xf32, #tpu.memory_space<vmem>>) dst(%dma_wait3A_265 : memref<64x128xf32, #tpu.memory_space<vmem_shared>>)
      tpu.yield
    }) : () -> ()
    %mul3A_15 = arith.constant 624 : i32
    %mul3A_16 = arith.muli %arg1, %mul3A_15 : i32
    %add3A_17 = arith.constant 128 : i32
    %add3A_18 = arith.addi %mul3A_16, %add3A_17 : i32
    "tpu.region"() ({
      %run_scoped3A_257 = tpu.sem_alloc : memref<!tpu.dma_semaphore, #tpu.memory_space<semaphore_mem>>
      %dma_start3A_258 = arith.constant 0 : i32
      %dma_start3A_259 = tpu.memref_slice %arg12[%add3A_18, %dma_start3A_258] : memref<10128x128xf32, #tpu.memory_space<vmem_shared>> -> memref<64x128xf32, #tpu.memory_space<vmem_shared>>
      %dma_start3A_260 = arith.constant 0 : i32
      %dma_start3A_261 = tpu.memref_slice %arg12[%add3A_18, %dma_start3A_260] : memref<10128x128xf32, #tpu.memory_space<vmem_shared>> -> memref<64x128xf32, #tpu.memory_space<vmem_shared>>
      tpu.enqueue_dma source(%arg8 : memref<64x128xf32, #tpu.memory_space<vmem>>) target(%dma_start3A_261 : memref<64x128xf32, #tpu.memory_space<vmem_shared>>) target_semaphore(%run_scoped3A_257 : memref<!tpu.dma_semaphore, #tpu.memory_space<semaphore_mem>>)
      %dma_wait3A_262 = arith.constant 0 : i32
      %dma_wait3A_263 = tpu.memref_slice %arg12[%add3A_18, %dma_wait3A_262] : memref<10128x128xf32, #tpu.memory_space<vmem_shared>> -> memref<64x128xf32, #tpu.memory_space<vmem_shared>>
      %dma_wait3A_264 = arith.constant 0 : i32
      %dma_wait3A_265 = tpu.memref_slice %arg12[%add3A_18, %dma_wait3A_264] : memref<10128x128xf32, #tpu.memory_space<vmem_shared>> -> memref<64x128xf32, #tpu.memory_space<vmem_shared>>
      tpu.wait_dma2 semaphore(%run_scoped3A_257 : memref<!tpu.dma_semaphore, #tpu.memory_space<semaphore_mem>>) src(%arg8 : memref<64x128xf32, #tpu.memory_space<vmem>>) dst(%dma_wait3A_265 : memref<64x128xf32, #tpu.memory_space<vmem_shared>>)
      tpu.yield
    }) : () -> ()
    %mul3A_19 = arith.constant 624 : i32
    %mul3A_20 = arith.muli %arg1, %mul3A_19 : i32
    %add3A_21 = arith.constant 192 : i32
    %add3A_22 = arith.addi %mul3A_20, %add3A_21 : i32
    "tpu.region"() ({
      %run_scoped3A_257 = tpu.sem_alloc : memref<!tpu.dma_semaphore, #tpu.memory_space<semaphore_mem>>
      %dma_start3A_258 = arith.constant 0 : i32
      %dma_start3A_259 = tpu.memref_slice %arg12[%add3A_22, %dma_start3A_258] : memref<10128x128xf32, #tpu.memory_space<vmem_shared>> -> memref<64x128xf32, #tpu.memory_space<vmem_shared>>
      %dma_start3A_260 = arith.constant 0 : i32
      %dma_start3A_261 = tpu.memref_slice %arg12[%add3A_22, %dma_start3A_260] : memref<10128x128xf32, #tpu.memory_space<vmem_shared>> -> memref<64x128xf32, #tpu.memory_space<vmem_shared>>
      tpu.enqueue_dma source(%arg8 : memref<64x128xf32, #tpu.memory_space<vmem>>) target(%dma_start3A_261 : memref<64x128xf32, #tpu.memory_space<vmem_shared>>) target_semaphore(%run_scoped3A_257 : memref<!tpu.dma_semaphore, #tpu.memory_space<semaphore_mem>>)
      %dma_wait3A_262 = arith.constant 0 : i32
      %dma_wait3A_263 = tpu.memref_slice %arg12[%add3A_22, %dma_wait3A_262] : memref<10128x128xf32, #tpu.memory_space<vmem_shared>> -> memref<64x128xf32, #tpu.memory_space<vmem_shared>>
      %dma_wait3A_264 = arith.constant 0 : i32
      %dma_wait3A_265 = tpu.memref_slice %arg12[%add3A_22, %dma_wait3A_264] : memref<10128x128xf32, #tpu.memory_space<vmem_shared>> -> memref<64x128xf32, #tpu.memory_space<vmem_shared>>
      tpu.wait_dma2 semaphore(%run_scoped3A_257 : memref<!tpu.dma_semaphore, #tpu.memory_space<semaphore_mem>>) src(%arg8 : memref<64x128xf32, #tpu.memory_space<vmem>>) dst(%dma_wait3A_265 : memref<64x128xf32, #tpu.memory_space<vmem_shared>>)
      tpu.yield
    }) : () -> ()
    %mul3A_23 = arith.constant 624 : i32
    %mul3A_24 = arith.muli %arg1, %mul3A_23 : i32
    %add3A_25 = arith.constant 256 : i32
    %add3A_26 = arith.addi %mul3A_24, %add3A_25 : i32
    "tpu.region"() ({
      %run_scoped3A_257 = tpu.sem_alloc : memref<!tpu.dma_semaphore, #tpu.memory_space<semaphore_mem>>
      %dma_start3A_258 = arith.constant 0 : i32
      %dma_start3A_259 = tpu.memref_slice %arg12[%add3A_26, %dma_start3A_258] : memref<10128x128xf32, #tpu.memory_space<vmem_shared>> -> memref<64x128xf32, #tpu.memory_space<vmem_shared>>
      %dma_start3A_260 = arith.constant 0 : i32
      %dma_start3A_261 = tpu.memref_slice %arg12[%add3A_26, %dma_start3A_260] : memref<10128x128xf32, #tpu.memory_space<vmem_shared>> -> memref<64x128xf32, #tpu.memory_space<vmem_shared>>
      tpu.enqueue_dma source(%arg8 : memref<64x128xf32, #tpu.memory_space<vmem>>) target(%dma_start3A_261 : memref<64x128xf32, #tpu.memory_space<vmem_shared>>) target_semaphore(%run_scoped3A_257 : memref<!tpu.dma_semaphore, #tpu.memory_space<semaphore_mem>>)
      %dma_wait3A_262 = arith.constant 0 : i32
      %dma_wait3A_263 = tpu.memref_slice %arg12[%add3A_26, %dma_wait3A_262] : memref<10128x128xf32, #tpu.memory_space<vmem_shared>> -> memref<64x128xf32, #tpu.memory_space<vmem_shared>>
      %dma_wait3A_264 = arith.constant 0 : i32
      %dma_wait3A_265 = tpu.memref_slice %arg12[%add3A_26, %dma_wait3A_264] : memref<10128x128xf32, #tpu.memory_space<vmem_shared>> -> memref<64x128xf32, #tpu.memory_space<vmem_shared>>
      tpu.wait_dma2 semaphore(%run_scoped3A_257 : memref<!tpu.dma_semaphore, #tpu.memory_space<semaphore_mem>>) src(%arg8 : memref<64x128xf32, #tpu.memory_space<vmem>>) dst(%dma_wait3A_265 : memref<64x128xf32, #tpu.memory_space<vmem_shared>>)
      tpu.yield
    }) : () -> ()
    %mul3A_27 = arith.constant 624 : i32
    %mul3A_28 = arith.muli %arg1, %mul3A_27 : i32
    %add3A_29 = arith.constant 320 : i32
    %add3A_30 = arith.addi %mul3A_28, %add3A_29 : i32
    "tpu.region"() ({
      %run_scoped3A_257 = tpu.sem_alloc : memref<!tpu.dma_semaphore, #tpu.memory_space<semaphore_mem>>
      %dma_start3A_258 = arith.constant 0 : i32
      %dma_start3A_259 = tpu.memref_slice %arg12[%add3A_30, %dma_start3A_258] : memref<10128x128xf32, #tpu.memory_space<vmem_shared>> -> memref<64x128xf32, #tpu.memory_space<vmem_shared>>
      %dma_start3A_260 = arith.constant 0 : i32
      %dma_start3A_261 = tpu.memref_slice %arg12[%add3A_30, %dma_start3A_260] : memref<10128x128xf32, #tpu.memory_space<vmem_shared>> -> memref<64x128xf32, #tpu.memory_space<vmem_shared>>
      tpu.enqueue_dma source(%arg8 : memref<64x128xf32, #tpu.memory_space<vmem>>) target(%dma_start3A_261 : memref<64x128xf32, #tpu.memory_space<vmem_shared>>) target_semaphore(%run_scoped3A_257 : memref<!tpu.dma_semaphore, #tpu.memory_space<semaphore_mem>>)
      %dma_wait3A_262 = arith.constant 0 : i32
      %dma_wait3A_263 = tpu.memref_slice %arg12[%add3A_30, %dma_wait3A_262] : memref<10128x128xf32, #tpu.memory_space<vmem_shared>> -> memref<64x128xf32, #tpu.memory_space<vmem_shared>>
      %dma_wait3A_264 = arith.constant 0 : i32
      %dma_wait3A_265 = tpu.memref_slice %arg12[%add3A_30, %dma_wait3A_264] : memref<10128x128xf32, #tpu.memory_space<vmem_shared>> -> memref<64x128xf32, #tpu.memory_space<vmem_shared>>
      tpu.wait_dma2 semaphore(%run_scoped3A_257 : memref<!tpu.dma_semaphore, #tpu.memory_space<semaphore_mem>>) src(%arg8 : memref<64x128xf32, #tpu.memory_space<vmem>>) dst(%dma_wait3A_265 : memref<64x128xf32, #tpu.memory_space<vmem_shared>>)
      tpu.yield
    }) : () -> ()
    %mul3A_31 = arith.constant 624 : i32
    %mul3A_32 = arith.muli %arg1, %mul3A_31 : i32
    %add3A_33 = arith.constant 384 : i32
    %add3A_34 = arith.addi %mul3A_32, %add3A_33 : i32
    "tpu.region"() ({
      %run_scoped3A_257 = tpu.sem_alloc : memref<!tpu.dma_semaphore, #tpu.memory_space<semaphore_mem>>
      %dma_start3A_258 = arith.constant 0 : i32
      %dma_start3A_259 = tpu.memref_slice %arg12[%add3A_34, %dma_start3A_258] : memref<10128x128xf32, #tpu.memory_space<vmem_shared>> -> memref<64x128xf32, #tpu.memory_space<vmem_shared>>
      %dma_start3A_260 = arith.constant 0 : i32
      %dma_start3A_261 = tpu.memref_slice %arg12[%add3A_34, %dma_start3A_260] : memref<10128x128xf32, #tpu.memory_space<vmem_shared>> -> memref<64x128xf32, #tpu.memory_space<vmem_shared>>
      tpu.enqueue_dma source(%arg8 : memref<64x128xf32, #tpu.memory_space<vmem>>) target(%dma_start3A_261 : memref<64x128xf32, #tpu.memory_space<vmem_shared>>) target_semaphore(%run_scoped3A_257 : memref<!tpu.dma_semaphore, #tpu.memory_space<semaphore_mem>>)
      %dma_wait3A_262 = arith.constant 0 : i32
      %dma_wait3A_263 = tpu.memref_slice %arg12[%add3A_34, %dma_wait3A_262] : memref<10128x128xf32, #tpu.memory_space<vmem_shared>> -> memref<64x128xf32, #tpu.memory_space<vmem_shared>>
      %dma_wait3A_264 = arith.constant 0 : i32
      %dma_wait3A_265 = tpu.memref_slice %arg12[%add3A_34, %dma_wait3A_264] : memref<10128x128xf32, #tpu.memory_space<vmem_shared>> -> memref<64x128xf32, #tpu.memory_space<vmem_shared>>
      tpu.wait_dma2 semaphore(%run_scoped3A_257 : memref<!tpu.dma_semaphore, #tpu.memory_space<semaphore_mem>>) src(%arg8 : memref<64x128xf32, #tpu.memory_space<vmem>>) dst(%dma_wait3A_265 : memref<64x128xf32, #tpu.memory_space<vmem_shared>>)
      tpu.yield
    }) : () -> ()
    %mul3A_35 = arith.constant 624 : i32
    %mul3A_36 = arith.muli %arg1, %mul3A_35 : i32
    %add3A_37 = arith.constant 448 : i32
    %add3A_38 = arith.addi %mul3A_36, %add3A_37 : i32
    "tpu.region"() ({
      %run_scoped3A_257 = tpu.sem_alloc : memref<!tpu.dma_semaphore, #tpu.memory_space<semaphore_mem>>
      %dma_start3A_258 = arith.constant 0 : i32
      %dma_start3A_259 = tpu.memref_slice %arg12[%add3A_38, %dma_start3A_258] : memref<10128x128xf32, #tpu.memory_space<vmem_shared>> -> memref<64x128xf32, #tpu.memory_space<vmem_shared>>
      %dma_start3A_260 = arith.constant 0 : i32
      %dma_start3A_261 = tpu.memref_slice %arg12[%add3A_38, %dma_start3A_260] : memref<10128x128xf32, #tpu.memory_space<vmem_shared>> -> memref<64x128xf32, #tpu.memory_space<vmem_shared>>
      tpu.enqueue_dma source(%arg8 : memref<64x128xf32, #tpu.memory_space<vmem>>) target(%dma_start3A_261 : memref<64x128xf32, #tpu.memory_space<vmem_shared>>) target_semaphore(%run_scoped3A_257 : memref<!tpu.dma_semaphore, #tpu.memory_space<semaphore_mem>>)
      %dma_wait3A_262 = arith.constant 0 : i32
      %dma_wait3A_263 = tpu.memref_slice %arg12[%add3A_38, %dma_wait3A_262] : memref<10128x128xf32, #tpu.memory_space<vmem_shared>> -> memref<64x128xf32, #tpu.memory_space<vmem_shared>>
      %dma_wait3A_264 = arith.constant 0 : i32
      %dma_wait3A_265 = tpu.memref_slice %arg12[%add3A_38, %dma_wait3A_264] : memref<10128x128xf32, #tpu.memory_space<vmem_shared>> -> memref<64x128xf32, #tpu.memory_space<vmem_shared>>
      tpu.wait_dma2 semaphore(%run_scoped3A_257 : memref<!tpu.dma_semaphore, #tpu.memory_space<semaphore_mem>>) src(%arg8 : memref<64x128xf32, #tpu.memory_space<vmem>>) dst(%dma_wait3A_265 : memref<64x128xf32, #tpu.memory_space<vmem_shared>>)
      tpu.yield
    }) : () -> ()
    %mul3A_39 = arith.constant 624 : i32
    %mul3A_40 = arith.muli %arg1, %mul3A_39 : i32
    %add3A_41 = arith.constant 512 : i32
    %add3A_42 = arith.addi %mul3A_40, %add3A_41 : i32
    "tpu.region"() ({
      %run_scoped3A_257 = tpu.sem_alloc : memref<!tpu.dma_semaphore, #tpu.memory_space<semaphore_mem>>
      %dma_start3A_258 = arith.constant 0 : i32
      %dma_start3A_259 = tpu.memref_slice %arg12[%add3A_42, %dma_start3A_258] : memref<10128x128xf32, #tpu.memory_space<vmem_shared>> -> memref<64x128xf32, #tpu.memory_space<vmem_shared>>
      %dma_start3A_260 = arith.constant 0 : i32
      %dma_start3A_261 = tpu.memref_slice %arg12[%add3A_42, %dma_start3A_260] : memref<10128x128xf32, #tpu.memory_space<vmem_shared>> -> memref<64x128xf32, #tpu.memory_space<vmem_shared>>
      tpu.enqueue_dma source(%arg8 : memref<64x128xf32, #tpu.memory_space<vmem>>) target(%dma_start3A_261 : memref<64x128xf32, #tpu.memory_space<vmem_shared>>) target_semaphore(%run_scoped3A_257 : memref<!tpu.dma_semaphore, #tpu.memory_space<semaphore_mem>>)
      %dma_wait3A_262 = arith.constant 0 : i32
      %dma_wait3A_263 = tpu.memref_slice %arg12[%add3A_42, %dma_wait3A_262] : memref<10128x128xf32, #tpu.memory_space<vmem_shared>> -> memref<64x128xf32, #tpu.memory_space<vmem_shared>>
      %dma_wait3A_264 = arith.constant 0 : i32
      %dma_wait3A_265 = tpu.memref_slice %arg12[%add3A_42, %dma_wait3A_264] : memref<10128x128xf32, #tpu.memory_space<vmem_shared>> -> memref<64x128xf32, #tpu.memory_space<vmem_shared>>
      tpu.wait_dma2 semaphore(%run_scoped3A_257 : memref<!tpu.dma_semaphore, #tpu.memory_space<semaphore_mem>>) src(%arg8 : memref<64x128xf32, #tpu.memory_space<vmem>>) dst(%dma_wait3A_265 : memref<64x128xf32, #tpu.memory_space<vmem_shared>>)
      tpu.yield
    }) : () -> ()
    %mul3A_43 = arith.constant 624 : i32
    %mul3A_44 = arith.muli %arg1, %mul3A_43 : i32
    %add3A_45 = arith.constant 576 : i32
    %add3A_46 = arith.addi %mul3A_44, %add3A_45 : i32
    "tpu.region"() ({
      %run_scoped3A_257 = tpu.sem_alloc : memref<!tpu.dma_semaphore, #tpu.memory_space<semaphore_mem>>
      %dma_start3A_258 = arith.constant 0 : i32
      %dma_start3A_259 = arith.constant 0 : i32
      %dma_start3A_260 = tpu.memref_slice %arg8[%dma_start3A_258, %dma_start3A_259] : memref<64x128xf32, #tpu.memory_space<vmem>> -> memref<48x128xf32, #tpu.memory_space<vmem>>
      %dma_start3A_261 = arith.constant 0 : i32
      %dma_start3A_262 = tpu.memref_slice %arg12[%add3A_46, %dma_start3A_261] : memref<10128x128xf32, #tpu.memory_space<vmem_shared>> -> memref<48x128xf32, #tpu.memory_space<vmem_shared>>
      %dma_start3A_263 = arith.constant 0 : i32
      %dma_start3A_264 = tpu.memref_slice %arg12[%add3A_46, %dma_start3A_263] : memref<10128x128xf32, #tpu.memory_space<vmem_shared>> -> memref<48x128xf32, #tpu.memory_space<vmem_shared>>
      %dma_start3A_265 = arith.constant 0 : i32
      %dma_start3A_266 = arith.constant 0 : i32
      %dma_start3A_267 = tpu.memref_slice %arg8[%dma_start3A_265, %dma_start3A_266] : memref<64x128xf32, #tpu.memory_space<vmem>> -> memref<48x128xf32, #tpu.memory_space<vmem>>
      tpu.enqueue_dma source(%dma_start3A_267 : memref<48x128xf32, #tpu.memory_space<vmem>>) target(%dma_start3A_264 : memref<48x128xf32, #tpu.memory_space<vmem_shared>>) target_semaphore(%run_scoped3A_257 : memref<!tpu.dma_semaphore, #tpu.memory_space<semaphore_mem>>)
      %dma_wait3A_268 = arith.constant 0 : i32
      %dma_wait3A_269 = arith.constant 0 : i32
      %dma_wait3A_270 = tpu.memref_slice %arg8[%dma_wait3A_268, %dma_wait3A_269] : memref<64x128xf32, #tpu.memory_space<vmem>> -> memref<48x128xf32, #tpu.memory_space<vmem>>
      %dma_wait3A_271 = arith.constant 0 : i32
      %dma_wait3A_272 = tpu.memref_slice %arg12[%add3A_46, %dma_wait3A_271] : memref<10128x128xf32, #tpu.memory_space<vmem_shared>> -> memref<48x128xf32, #tpu.memory_space<vmem_shared>>
      %dma_wait3A_273 = arith.constant 0 : i32
      %dma_wait3A_274 = tpu.memref_slice %arg12[%add3A_46, %dma_wait3A_273] : memref<10128x128xf32, #tpu.memory_space<vmem_shared>> -> memref<48x128xf32, #tpu.memory_space<vmem_shared>>
      %dma_wait3A_275 = arith.constant 0 : i32
      %dma_wait3A_276 = arith.constant 0 : i32
      %dma_wait3A_277 = tpu.memref_slice %arg8[%dma_wait3A_275, %dma_wait3A_276] : memref<64x128xf32, #tpu.memory_space<vmem>> -> memref<48x128xf32, #tpu.memory_space<vmem>>
      tpu.wait_dma2 semaphore(%run_scoped3A_257 : memref<!tpu.dma_semaphore, #tpu.memory_space<semaphore_mem>>) src(%dma_wait3A_277 : memref<48x128xf32, #tpu.memory_space<vmem>>) dst(%dma_wait3A_274 : memref<48x128xf32, #tpu.memory_space<vmem_shared>>)
      tpu.yield
    }) : () -> ()
    %eq3A = arith.constant 15 : i32
    %eq3A_47 = arith.cmpi eq, %arg1, %eq3A : i32
    %convert_element_type3A = arith.extui %eq3A_47 : i1 to i32
    %cond3A = arith.constant 0 : i32
    %cond3A_48 = arith.cmpi ne, %convert_element_type3A, %cond3A : i32
    scf.if %cond3A_48 {
      "tpu.region"() ({
        %run_scoped3A_257 = tpu.sem_alloc : memref<!tpu.dma_semaphore, #tpu.memory_space<semaphore_mem>>
        %dma_start3A_258 = arith.constant 0 : i32
        %dma_start3A_259 = arith.constant 0 : i32
        %dma_start3A_260 = tpu.memref_slice %arg8[%dma_start3A_258, %dma_start3A_259] : memref<64x128xf32, #tpu.memory_space<vmem>> -> memref<16x128xf32, #tpu.memory_space<vmem>>
        %dma_start3A_261 = arith.constant 9984 : i32
        %dma_start3A_262 = arith.constant 0 : i32
        %dma_start3A_263 = tpu.memref_slice %arg12[%dma_start3A_261, %dma_start3A_262] : memref<10128x128xf32, #tpu.memory_space<vmem_shared>> -> memref<16x128xf32, #tpu.memory_space<vmem_shared>>
        %dma_start3A_264 = arith.constant 9984 : i32
        %dma_start3A_265 = arith.constant 0 : i32
        %dma_start3A_266 = tpu.memref_slice %arg12[%dma_start3A_264, %dma_start3A_265] : memref<10128x128xf32, #tpu.memory_space<vmem_shared>> -> memref<16x128xf32, #tpu.memory_space<vmem_shared>>
        %dma_start3A_267 = arith.constant 0 : i32
        %dma_start3A_268 = arith.constant 0 : i32
        %dma_start3A_269 = tpu.memref_slice %arg8[%dma_start3A_267, %dma_start3A_268] : memref<64x128xf32, #tpu.memory_space<vmem>> -> memref<16x128xf32, #tpu.memory_space<vmem>>
        tpu.enqueue_dma source(%dma_start3A_269 : memref<16x128xf32, #tpu.memory_space<vmem>>) target(%dma_start3A_266 : memref<16x128xf32, #tpu.memory_space<vmem_shared>>) target_semaphore(%run_scoped3A_257 : memref<!tpu.dma_semaphore, #tpu.memory_space<semaphore_mem>>)
        %dma_wait3A_270 = arith.constant 0 : i32
        %dma_wait3A_271 = arith.constant 0 : i32
        %dma_wait3A_272 = tpu.memref_slice %arg8[%dma_wait3A_270, %dma_wait3A_271] : memref<64x128xf32, #tpu.memory_space<vmem>> -> memref<16x128xf32, #tpu.memory_space<vmem>>
        %dma_wait3A_273 = arith.constant 9984 : i32
        %dma_wait3A_274 = arith.constant 0 : i32
        %dma_wait3A_275 = tpu.memref_slice %arg12[%dma_wait3A_273, %dma_wait3A_274] : memref<10128x128xf32, #tpu.memory_space<vmem_shared>> -> memref<16x128xf32, #tpu.memory_space<vmem_shared>>
        %dma_wait3A_276 = arith.constant 9984 : i32
        %dma_wait3A_277 = arith.constant 0 : i32
        %dma_wait3A_278 = tpu.memref_slice %arg12[%dma_wait3A_276, %dma_wait3A_277] : memref<10128x128xf32, #tpu.memory_space<vmem_shared>> -> memref<16x128xf32, #tpu.memory_space<vmem_shared>>
        %dma_wait3A_279 = arith.constant 0 : i32
        %dma_wait3A_280 = arith.constant 0 : i32
        %dma_wait3A_281 = tpu.memref_slice %arg8[%dma_wait3A_279, %dma_wait3A_280] : memref<64x128xf32, #tpu.memory_space<vmem>> -> memref<16x128xf32, #tpu.memory_space<vmem>>
        tpu.wait_dma2 semaphore(%run_scoped3A_257 : memref<!tpu.dma_semaphore, #tpu.memory_space<semaphore_mem>>) src(%dma_wait3A_281 : memref<16x128xf32, #tpu.memory_space<vmem>>) dst(%dma_wait3A_278 : memref<16x128xf32, #tpu.memory_space<vmem_shared>>)
        tpu.yield
      }) : () -> ()
    } else {
    }
    %eq3A_49 = arith.constant 0 : i32
    %eq3A_50 = arith.cmpi eq, %arg1, %eq3A_49 : i32
    %convert_element_type3A_51 = arith.extui %eq3A_50 : i1 to i32
    %cond3A_52 = arith.constant 0 : i32
    %cond3A_53 = arith.cmpi ne, %convert_element_type3A_51, %cond3A_52 : i32
    scf.if %cond3A_53 {
      "tpu.region"() ({
        %run_scoped3A_257 = tpu.sem_alloc : memref<!tpu.dma_semaphore, #tpu.memory_space<semaphore_mem>>
        %dma_start3A_258 = arith.constant 10000 : i32
        %dma_start3A_259 = arith.constant 0 : i32
        %dma_start3A_260 = tpu.memref_slice %arg12[%dma_start3A_258, %dma_start3A_259] : memref<10128x128xf32, #tpu.memory_space<vmem_shared>> -> memref<64x128xf32, #tpu.memory_space<vmem_shared>>
        %dma_start3A_261 = arith.constant 10000 : i32
        %dma_start3A_262 = arith.constant 0 : i32
        %dma_start3A_263 = tpu.memref_slice %arg12[%dma_start3A_261, %dma_start3A_262] : memref<10128x128xf32, #tpu.memory_space<vmem_shared>> -> memref<64x128xf32, #tpu.memory_space<vmem_shared>>
        tpu.enqueue_dma source(%arg8 : memref<64x128xf32, #tpu.memory_space<vmem>>) target(%dma_start3A_263 : memref<64x128xf32, #tpu.memory_space<vmem_shared>>) target_semaphore(%run_scoped3A_257 : memref<!tpu.dma_semaphore, #tpu.memory_space<semaphore_mem>>)
        %dma_wait3A_264 = arith.constant 10000 : i32
        %dma_wait3A_265 = arith.constant 0 : i32
        %dma_wait3A_266 = tpu.memref_slice %arg12[%dma_wait3A_264, %dma_wait3A_265] : memref<10128x128xf32, #tpu.memory_space<vmem_shared>> -> memref<64x128xf32, #tpu.memory_space<vmem_shared>>
        %dma_wait3A_267 = arith.constant 10000 : i32
        %dma_wait3A_268 = arith.constant 0 : i32
        %dma_wait3A_269 = tpu.memref_slice %arg12[%dma_wait3A_267, %dma_wait3A_268] : memref<10128x128xf32, #tpu.memory_space<vmem_shared>> -> memref<64x128xf32, #tpu.memory_space<vmem_shared>>
        tpu.wait_dma2 semaphore(%run_scoped3A_257 : memref<!tpu.dma_semaphore, #tpu.memory_space<semaphore_mem>>) src(%arg8 : memref<64x128xf32, #tpu.memory_space<vmem>>) dst(%dma_wait3A_269 : memref<64x128xf32, #tpu.memory_space<vmem_shared>>)
        tpu.yield
      }) : () -> ()
      "tpu.region"() ({
        %run_scoped3A_257 = tpu.sem_alloc : memref<!tpu.dma_semaphore, #tpu.memory_space<semaphore_mem>>
        %dma_start3A_258 = arith.constant 10064 : i32
        %dma_start3A_259 = arith.constant 0 : i32
        %dma_start3A_260 = tpu.memref_slice %arg12[%dma_start3A_258, %dma_start3A_259] : memref<10128x128xf32, #tpu.memory_space<vmem_shared>> -> memref<64x128xf32, #tpu.memory_space<vmem_shared>>
        %dma_start3A_261 = arith.constant 10064 : i32
        %dma_start3A_262 = arith.constant 0 : i32
        %dma_start3A_263 = tpu.memref_slice %arg12[%dma_start3A_261, %dma_start3A_262] : memref<10128x128xf32, #tpu.memory_space<vmem_shared>> -> memref<64x128xf32, #tpu.memory_space<vmem_shared>>
        tpu.enqueue_dma source(%arg8 : memref<64x128xf32, #tpu.memory_space<vmem>>) target(%dma_start3A_263 : memref<64x128xf32, #tpu.memory_space<vmem_shared>>) target_semaphore(%run_scoped3A_257 : memref<!tpu.dma_semaphore, #tpu.memory_space<semaphore_mem>>)
        %dma_wait3A_264 = arith.constant 10064 : i32
        %dma_wait3A_265 = arith.constant 0 : i32
        %dma_wait3A_266 = tpu.memref_slice %arg12[%dma_wait3A_264, %dma_wait3A_265] : memref<10128x128xf32, #tpu.memory_space<vmem_shared>> -> memref<64x128xf32, #tpu.memory_space<vmem_shared>>
        %dma_wait3A_267 = arith.constant 10064 : i32
        %dma_wait3A_268 = arith.constant 0 : i32
        %dma_wait3A_269 = tpu.memref_slice %arg12[%dma_wait3A_267, %dma_wait3A_268] : memref<10128x128xf32, #tpu.memory_space<vmem_shared>> -> memref<64x128xf32, #tpu.memory_space<vmem_shared>>
        tpu.wait_dma2 semaphore(%run_scoped3A_257 : memref<!tpu.dma_semaphore, #tpu.memory_space<semaphore_mem>>) src(%arg8 : memref<64x128xf32, #tpu.memory_space<vmem>>) dst(%dma_wait3A_269 : memref<64x128xf32, #tpu.memory_space<vmem_shared>>)
        tpu.yield
      }) : () -> ()
    } else {
    }
    %barrier3A = arith.constant 0 : index
    tpu.barrier barrier_id(%barrier3A)
    %mul3A_54 = arith.constant 10048 : i32
    %mul3A_55 = arith.muli %add3A, %mul3A_54 : i32
    %add3A_56 = arith.constant 0 : i32
    %add3A_57 = arith.addi %mul3A_55, %add3A_56 : i32
    %run_scoped3A = arith.constant 0 : i32
    "tpu.region"() ({
      %run_scoped3A_257 = tpu.sem_alloc : memref<!tpu.dma_semaphore, #tpu.memory_space<semaphore_mem>>
      %dma_start3A_258 = arith.constant 0 : i32
      %dma_start3A_259 = tpu.memref_slice %arg6[%run_scoped3A, %dma_start3A_258] : memref<8x64xi32, #tpu.memory_space<vmem>> -> memref<1x64xi32, #tpu.memory_space<vmem>>
      %dma_start3A_260 = tpu.memref_squeeze %dma_start3A_259 : memref<1x64xi32, #tpu.memory_space<vmem>> -> memref<64xi32, #tpu.memory_space<vmem>>
      %dma_start3A_261 = tpu.memref_slice %arg3[%add3A_57] : memref<321536xi32, #tpu.memory_space<hbm>> -> memref<64xi32, #tpu.memory_space<hbm>>
      %dma_start3A_262 = arith.constant 0 : i32
      %dma_start3A_263 = tpu.memref_slice %arg6[%run_scoped3A, %dma_start3A_262] : memref<8x64xi32, #tpu.memory_space<vmem>> -> memref<1x64xi32, #tpu.memory_space<vmem>>
      %dma_start3A_264 = tpu.memref_squeeze %dma_start3A_263 : memref<1x64xi32, #tpu.memory_space<vmem>> -> memref<64xi32, #tpu.memory_space<vmem>>
      %dma_start3A_265 = tpu.memref_slice %arg3[%add3A_57] : memref<321536xi32, #tpu.memory_space<hbm>> -> memref<64xi32, #tpu.memory_space<hbm>>
      tpu.enqueue_dma source(%dma_start3A_265 : memref<64xi32, #tpu.memory_space<hbm>>) target(%dma_start3A_264 : memref<64xi32, #tpu.memory_space<vmem>>) target_semaphore(%run_scoped3A_257 : memref<!tpu.dma_semaphore, #tpu.memory_space<semaphore_mem>>)
      %dma_wait3A_266 = arith.constant 0 : i32
      %dma_wait3A_267 = tpu.memref_slice %arg6[%run_scoped3A, %dma_wait3A_266] : memref<8x64xi32, #tpu.memory_space<vmem>> -> memref<1x64xi32, #tpu.memory_space<vmem>>
      %dma_wait3A_268 = tpu.memref_squeeze %dma_wait3A_267 : memref<1x64xi32, #tpu.memory_space<vmem>> -> memref<64xi32, #tpu.memory_space<vmem>>
      %dma_wait3A_269 = tpu.memref_slice %arg3[%add3A_57] : memref<321536xi32, #tpu.memory_space<hbm>> -> memref<64xi32, #tpu.memory_space<hbm>>
      %dma_wait3A_270 = arith.constant 0 : i32
      %dma_wait3A_271 = tpu.memref_slice %arg6[%run_scoped3A, %dma_wait3A_270] : memref<8x64xi32, #tpu.memory_space<vmem>> -> memref<1x64xi32, #tpu.memory_space<vmem>>
      %dma_wait3A_272 = tpu.memref_squeeze %dma_wait3A_271 : memref<1x64xi32, #tpu.memory_space<vmem>> -> memref<64xi32, #tpu.memory_space<vmem>>
      %dma_wait3A_273 = tpu.memref_slice %arg3[%add3A_57] : memref<321536xi32, #tpu.memory_space<hbm>> -> memref<64xi32, #tpu.memory_space<hbm>>
      tpu.wait_dma2 semaphore(%run_scoped3A_257 : memref<!tpu.dma_semaphore, #tpu.memory_space<semaphore_mem>>) src(%dma_wait3A_273 : memref<64xi32, #tpu.memory_space<hbm>>) dst(%dma_wait3A_272 : memref<64xi32, #tpu.memory_space<vmem>>)
      tpu.yield
    }) : () -> ()
    %add3A_58 = arith.constant 0 : i32
    %add3A_59 = arith.addi %mul3A_55, %add3A_58 : i32
    %run_scoped3A_60 = arith.constant 0 : i32
    "tpu.region"() ({
      %run_scoped3A_257 = tpu.sem_alloc : memref<!tpu.dma_semaphore, #tpu.memory_space<semaphore_mem>>
      %dma_start3A_258 = arith.constant 0 : i32
      %dma_start3A_259 = tpu.memref_slice %arg7[%run_scoped3A_60, %dma_start3A_258] : memref<8x64xi32, #tpu.memory_space<vmem>> -> memref<1x64xi32, #tpu.memory_space<vmem>>
      %dma_start3A_260 = tpu.memref_squeeze %dma_start3A_259 : memref<1x64xi32, #tpu.memory_space<vmem>> -> memref<64xi32, #tpu.memory_space<vmem>>
      %dma_start3A_261 = tpu.memref_slice %arg4[%add3A_59] : memref<321536xi32, #tpu.memory_space<hbm>> -> memref<64xi32, #tpu.memory_space<hbm>>
      %dma_start3A_262 = arith.constant 0 : i32
      %dma_start3A_263 = tpu.memref_slice %arg7[%run_scoped3A_60, %dma_start3A_262] : memref<8x64xi32, #tpu.memory_space<vmem>> -> memref<1x64xi32, #tpu.memory_space<vmem>>
      %dma_start3A_264 = tpu.memref_squeeze %dma_start3A_263 : memref<1x64xi32, #tpu.memory_space<vmem>> -> memref<64xi32, #tpu.memory_space<vmem>>
      %dma_start3A_265 = tpu.memref_slice %arg4[%add3A_59] : memref<321536xi32, #tpu.memory_space<hbm>> -> memref<64xi32, #tpu.memory_space<hbm>>
      tpu.enqueue_dma source(%dma_start3A_265 : memref<64xi32, #tpu.memory_space<hbm>>) target(%dma_start3A_264 : memref<64xi32, #tpu.memory_space<vmem>>) target_semaphore(%run_scoped3A_257 : memref<!tpu.dma_semaphore, #tpu.memory_space<semaphore_mem>>)
      %dma_wait3A_266 = arith.constant 0 : i32
      %dma_wait3A_267 = tpu.memref_slice %arg7[%run_scoped3A_60, %dma_wait3A_266] : memref<8x64xi32, #tpu.memory_space<vmem>> -> memref<1x64xi32, #tpu.memory_space<vmem>>
      %dma_wait3A_268 = tpu.memref_squeeze %dma_wait3A_267 : memref<1x64xi32, #tpu.memory_space<vmem>> -> memref<64xi32, #tpu.memory_space<vmem>>
      %dma_wait3A_269 = tpu.memref_slice %arg4[%add3A_59] : memref<321536xi32, #tpu.memory_space<hbm>> -> memref<64xi32, #tpu.memory_space<hbm>>
      %dma_wait3A_270 = arith.constant 0 : i32
      %dma_wait3A_271 = tpu.memref_slice %arg7[%run_scoped3A_60, %dma_wait3A_270] : memref<8x64xi32, #tpu.memory_space<vmem>> -> memref<1x64xi32, #tpu.memory_space<vmem>>
      %dma_wait3A_272 = tpu.memref_squeeze %dma_wait3A_271 : memref<1x64xi32, #tpu.memory_space<vmem>> -> memref<64xi32, #tpu.memory_space<vmem>>
      %dma_wait3A_273 = tpu.memref_slice %arg4[%add3A_59] : memref<321536xi32, #tpu.memory_space<hbm>> -> memref<64xi32, #tpu.memory_space<hbm>>
      tpu.wait_dma2 semaphore(%run_scoped3A_257 : memref<!tpu.dma_semaphore, #tpu.memory_space<semaphore_mem>>) src(%dma_wait3A_273 : memref<64xi32, #tpu.memory_space<hbm>>) dst(%dma_wait3A_272 : memref<64xi32, #tpu.memory_space<vmem>>)
      tpu.yield
    }) : () -> ()
    %add3A_61 = arith.constant 64 : i32
    %add3A_62 = arith.addi %mul3A_55, %add3A_61 : i32
    %run_scoped3A_63 = arith.constant 1 : i32
    "tpu.region"() ({
      %run_scoped3A_257 = tpu.sem_alloc : memref<!tpu.dma_semaphore, #tpu.memory_space<semaphore_mem>>
      %dma_start3A_258 = arith.constant 0 : i32
      %dma_start3A_259 = tpu.memref_slice %arg6[%run_scoped3A_63, %dma_start3A_258] : memref<8x64xi32, #tpu.memory_space<vmem>> -> memref<1x64xi32, #tpu.memory_space<vmem>>
      %dma_start3A_260 = tpu.memref_squeeze %dma_start3A_259 : memref<1x64xi32, #tpu.memory_space<vmem>> -> memref<64xi32, #tpu.memory_space<vmem>>
      %dma_start3A_261 = tpu.memref_slice %arg3[%add3A_62] : memref<321536xi32, #tpu.memory_space<hbm>> -> memref<64xi32, #tpu.memory_space<hbm>>
      %dma_start3A_262 = arith.constant 0 : i32
      %dma_start3A_263 = tpu.memref_slice %arg6[%run_scoped3A_63, %dma_start3A_262] : memref<8x64xi32, #tpu.memory_space<vmem>> -> memref<1x64xi32, #tpu.memory_space<vmem>>
      %dma_start3A_264 = tpu.memref_squeeze %dma_start3A_263 : memref<1x64xi32, #tpu.memory_space<vmem>> -> memref<64xi32, #tpu.memory_space<vmem>>
      %dma_start3A_265 = tpu.memref_slice %arg3[%add3A_62] : memref<321536xi32, #tpu.memory_space<hbm>> -> memref<64xi32, #tpu.memory_space<hbm>>
      tpu.enqueue_dma source(%dma_start3A_265 : memref<64xi32, #tpu.memory_space<hbm>>) target(%dma_start3A_264 : memref<64xi32, #tpu.memory_space<vmem>>) target_semaphore(%run_scoped3A_257 : memref<!tpu.dma_semaphore, #tpu.memory_space<semaphore_mem>>)
      %dma_wait3A_266 = arith.constant 0 : i32
      %dma_wait3A_267 = tpu.memref_slice %arg6[%run_scoped3A_63, %dma_wait3A_266] : memref<8x64xi32, #tpu.memory_space<vmem>> -> memref<1x64xi32, #tpu.memory_space<vmem>>
      %dma_wait3A_268 = tpu.memref_squeeze %dma_wait3A_267 : memref<1x64xi32, #tpu.memory_space<vmem>> -> memref<64xi32, #tpu.memory_space<vmem>>
      %dma_wait3A_269 = tpu.memref_slice %arg3[%add3A_62] : memref<321536xi32, #tpu.memory_space<hbm>> -> memref<64xi32, #tpu.memory_space<hbm>>
      %dma_wait3A_270 = arith.constant 0 : i32
      %dma_wait3A_271 = tpu.memref_slice %arg6[%run_scoped3A_63, %dma_wait3A_270] : memref<8x64xi32, #tpu.memory_space<vmem>> -> memref<1x64xi32, #tpu.memory_space<vmem>>
      %dma_wait3A_272 = tpu.memref_squeeze %dma_wait3A_271 : memref<1x64xi32, #tpu.memory_space<vmem>> -> memref<64xi32, #tpu.memory_space<vmem>>
      %dma_wait3A_273 = tpu.memref_slice %arg3[%add3A_62] : memref<321536xi32, #tpu.memory_space<hbm>> -> memref<64xi32, #tpu.memory_space<hbm>>
      tpu.wait_dma2 semaphore(%run_scoped3A_257 : memref<!tpu.dma_semaphore, #tpu.memory_space<semaphore_mem>>) src(%dma_wait3A_273 : memref<64xi32, #tpu.memory_space<hbm>>) dst(%dma_wait3A_272 : memref<64xi32, #tpu.memory_space<vmem>>)
      tpu.yield
    }) : () -> ()
    %add3A_64 = arith.constant 64 : i32
    %add3A_65 = arith.addi %mul3A_55, %add3A_64 : i32
    %run_scoped3A_66 = arith.constant 1 : i32
    "tpu.region"() ({
      %run_scoped3A_257 = tpu.sem_alloc : memref<!tpu.dma_semaphore, #tpu.memory_space<semaphore_mem>>
      %dma_start3A_258 = arith.constant 0 : i32
      %dma_start3A_259 = tpu.memref_slice %arg7[%run_scoped3A_66, %dma_start3A_258] : memref<8x64xi32, #tpu.memory_space<vmem>> -> memref<1x64xi32, #tpu.memory_space<vmem>>
      %dma_start3A_260 = tpu.memref_squeeze %dma_start3A_259 : memref<1x64xi32, #tpu.memory_space<vmem>> -> memref<64xi32, #tpu.memory_space<vmem>>
      %dma_start3A_261 = tpu.memref_slice %arg4[%add3A_65] : memref<321536xi32, #tpu.memory_space<hbm>> -> memref<64xi32, #tpu.memory_space<hbm>>
      %dma_start3A_262 = arith.constant 0 : i32
      %dma_start3A_263 = tpu.memref_slice %arg7[%run_scoped3A_66, %dma_start3A_262] : memref<8x64xi32, #tpu.memory_space<vmem>> -> memref<1x64xi32, #tpu.memory_space<vmem>>
      %dma_start3A_264 = tpu.memref_squeeze %dma_start3A_263 : memref<1x64xi32, #tpu.memory_space<vmem>> -> memref<64xi32, #tpu.memory_space<vmem>>
      %dma_start3A_265 = tpu.memref_slice %arg4[%add3A_65] : memref<321536xi32, #tpu.memory_space<hbm>> -> memref<64xi32, #tpu.memory_space<hbm>>
      tpu.enqueue_dma source(%dma_start3A_265 : memref<64xi32, #tpu.memory_space<hbm>>) target(%dma_start3A_264 : memref<64xi32, #tpu.memory_space<vmem>>) target_semaphore(%run_scoped3A_257 : memref<!tpu.dma_semaphore, #tpu.memory_space<semaphore_mem>>)
      %dma_wait3A_266 = arith.constant 0 : i32
      %dma_wait3A_267 = tpu.memref_slice %arg7[%run_scoped3A_66, %dma_wait3A_266] : memref<8x64xi32, #tpu.memory_space<vmem>> -> memref<1x64xi32, #tpu.memory_space<vmem>>
      %dma_wait3A_268 = tpu.memref_squeeze %dma_wait3A_267 : memref<1x64xi32, #tpu.memory_space<vmem>> -> memref<64xi32, #tpu.memory_space<vmem>>
      %dma_wait3A_269 = tpu.memref_slice %arg4[%add3A_65] : memref<321536xi32, #tpu.memory_space<hbm>> -> memref<64xi32, #tpu.memory_space<hbm>>
      %dma_wait3A_270 = arith.constant 0 : i32
      %dma_wait3A_271 = tpu.memref_slice %arg7[%run_scoped3A_66, %dma_wait3A_270] : memref<8x64xi32, #tpu.memory_space<vmem>> -> memref<1x64xi32, #tpu.memory_space<vmem>>
      %dma_wait3A_272 = tpu.memref_squeeze %dma_wait3A_271 : memref<1x64xi32, #tpu.memory_space<vmem>> -> memref<64xi32, #tpu.memory_space<vmem>>
      %dma_wait3A_273 = tpu.memref_slice %arg4[%add3A_65] : memref<321536xi32, #tpu.memory_space<hbm>> -> memref<64xi32, #tpu.memory_space<hbm>>
      tpu.wait_dma2 semaphore(%run_scoped3A_257 : memref<!tpu.dma_semaphore, #tpu.memory_space<semaphore_mem>>) src(%dma_wait3A_273 : memref<64xi32, #tpu.memory_space<hbm>>) dst(%dma_wait3A_272 : memref<64xi32, #tpu.memory_space<vmem>>)
      tpu.yield
    }) : () -> ()
    %add3A_67 = arith.constant 128 : i32
    %add3A_68 = arith.addi %mul3A_55, %add3A_67 : i32
    %run_scoped3A_69 = arith.constant 2 : i32
    "tpu.region"() ({
      %run_scoped3A_257 = tpu.sem_alloc : memref<!tpu.dma_semaphore, #tpu.memory_space<semaphore_mem>>
      %dma_start3A_258 = arith.constant 0 : i32
      %dma_start3A_259 = tpu.memref_slice %arg6[%run_scoped3A_69, %dma_start3A_258] : memref<8x64xi32, #tpu.memory_space<vmem>> -> memref<1x64xi32, #tpu.memory_space<vmem>>
      %dma_start3A_260 = tpu.memref_squeeze %dma_start3A_259 : memref<1x64xi32, #tpu.memory_space<vmem>> -> memref<64xi32, #tpu.memory_space<vmem>>
      %dma_start3A_261 = tpu.memref_slice %arg3[%add3A_68] : memref<321536xi32, #tpu.memory_space<hbm>> -> memref<64xi32, #tpu.memory_space<hbm>>
      %dma_start3A_262 = arith.constant 0 : i32
      %dma_start3A_263 = tpu.memref_slice %arg6[%run_scoped3A_69, %dma_start3A_262] : memref<8x64xi32, #tpu.memory_space<vmem>> -> memref<1x64xi32, #tpu.memory_space<vmem>>
      %dma_start3A_264 = tpu.memref_squeeze %dma_start3A_263 : memref<1x64xi32, #tpu.memory_space<vmem>> -> memref<64xi32, #tpu.memory_space<vmem>>
      %dma_start3A_265 = tpu.memref_slice %arg3[%add3A_68] : memref<321536xi32, #tpu.memory_space<hbm>> -> memref<64xi32, #tpu.memory_space<hbm>>
      tpu.enqueue_dma source(%dma_start3A_265 : memref<64xi32, #tpu.memory_space<hbm>>) target(%dma_start3A_264 : memref<64xi32, #tpu.memory_space<vmem>>) target_semaphore(%run_scoped3A_257 : memref<!tpu.dma_semaphore, #tpu.memory_space<semaphore_mem>>)
      %dma_wait3A_266 = arith.constant 0 : i32
      %dma_wait3A_267 = tpu.memref_slice %arg6[%run_scoped3A_69, %dma_wait3A_266] : memref<8x64xi32, #tpu.memory_space<vmem>> -> memref<1x64xi32, #tpu.memory_space<vmem>>
      %dma_wait3A_268 = tpu.memref_squeeze %dma_wait3A_267 : memref<1x64xi32, #tpu.memory_space<vmem>> -> memref<64xi32, #tpu.memory_space<vmem>>
      %dma_wait3A_269 = tpu.memref_slice %arg3[%add3A_68] : memref<321536xi32, #tpu.memory_space<hbm>> -> memref<64xi32, #tpu.memory_space<hbm>>
      %dma_wait3A_270 = arith.constant 0 : i32
      %dma_wait3A_271 = tpu.memref_slice %arg6[%run_scoped3A_69, %dma_wait3A_270] : memref<8x64xi32, #tpu.memory_space<vmem>> -> memref<1x64xi32, #tpu.memory_space<vmem>>
      %dma_wait3A_272 = tpu.memref_squeeze %dma_wait3A_271 : memref<1x64xi32, #tpu.memory_space<vmem>> -> memref<64xi32, #tpu.memory_space<vmem>>
      %dma_wait3A_273 = tpu.memref_slice %arg3[%add3A_68] : memref<321536xi32, #tpu.memory_space<hbm>> -> memref<64xi32, #tpu.memory_space<hbm>>
      tpu.wait_dma2 semaphore(%run_scoped3A_257 : memref<!tpu.dma_semaphore, #tpu.memory_space<semaphore_mem>>) src(%dma_wait3A_273 : memref<64xi32, #tpu.memory_space<hbm>>) dst(%dma_wait3A_272 : memref<64xi32, #tpu.memory_space<vmem>>)
      tpu.yield
    }) : () -> ()
    %add3A_70 = arith.constant 128 : i32
    %add3A_71 = arith.addi %mul3A_55, %add3A_70 : i32
    %run_scoped3A_72 = arith.constant 2 : i32
    "tpu.region"() ({
      %run_scoped3A_257 = tpu.sem_alloc : memref<!tpu.dma_semaphore, #tpu.memory_space<semaphore_mem>>
      %dma_start3A_258 = arith.constant 0 : i32
      %dma_start3A_259 = tpu.memref_slice %arg7[%run_scoped3A_72, %dma_start3A_258] : memref<8x64xi32, #tpu.memory_space<vmem>> -> memref<1x64xi32, #tpu.memory_space<vmem>>
      %dma_start3A_260 = tpu.memref_squeeze %dma_start3A_259 : memref<1x64xi32, #tpu.memory_space<vmem>> -> memref<64xi32, #tpu.memory_space<vmem>>
      %dma_start3A_261 = tpu.memref_slice %arg4[%add3A_71] : memref<321536xi32, #tpu.memory_space<hbm>> -> memref<64xi32, #tpu.memory_space<hbm>>
      %dma_start3A_262 = arith.constant 0 : i32
      %dma_start3A_263 = tpu.memref_slice %arg7[%run_scoped3A_72, %dma_start3A_262] : memref<8x64xi32, #tpu.memory_space<vmem>> -> memref<1x64xi32, #tpu.memory_space<vmem>>
      %dma_start3A_264 = tpu.memref_squeeze %dma_start3A_263 : memref<1x64xi32, #tpu.memory_space<vmem>> -> memref<64xi32, #tpu.memory_space<vmem>>
      %dma_start3A_265 = tpu.memref_slice %arg4[%add3A_71] : memref<321536xi32, #tpu.memory_space<hbm>> -> memref<64xi32, #tpu.memory_space<hbm>>
      tpu.enqueue_dma source(%dma_start3A_265 : memref<64xi32, #tpu.memory_space<hbm>>) target(%dma_start3A_264 : memref<64xi32, #tpu.memory_space<vmem>>) target_semaphore(%run_scoped3A_257 : memref<!tpu.dma_semaphore, #tpu.memory_space<semaphore_mem>>)
      %dma_wait3A_266 = arith.constant 0 : i32
      %dma_wait3A_267 = tpu.memref_slice %arg7[%run_scoped3A_72, %dma_wait3A_266] : memref<8x64xi32, #tpu.memory_space<vmem>> -> memref<1x64xi32, #tpu.memory_space<vmem>>
      %dma_wait3A_268 = tpu.memref_squeeze %dma_wait3A_267 : memref<1x64xi32, #tpu.memory_space<vmem>> -> memref<64xi32, #tpu.memory_space<vmem>>
      %dma_wait3A_269 = tpu.memref_slice %arg4[%add3A_71] : memref<321536xi32, #tpu.memory_space<hbm>> -> memref<64xi32, #tpu.memory_space<hbm>>
      %dma_wait3A_270 = arith.constant 0 : i32
      %dma_wait3A_271 = tpu.memref_slice %arg7[%run_scoped3A_72, %dma_wait3A_270] : memref<8x64xi32, #tpu.memory_space<vmem>> -> memref<1x64xi32, #tpu.memory_space<vmem>>
      %dma_wait3A_272 = tpu.memref_squeeze %dma_wait3A_271 : memref<1x64xi32, #tpu.memory_space<vmem>> -> memref<64xi32, #tpu.memory_space<vmem>>
      %dma_wait3A_273 = tpu.memref_slice %arg4[%add3A_71] : memref<321536xi32, #tpu.memory_space<hbm>> -> memref<64xi32, #tpu.memory_space<hbm>>
      tpu.wait_dma2 semaphore(%run_scoped3A_257 : memref<!tpu.dma_semaphore, #tpu.memory_space<semaphore_mem>>) src(%dma_wait3A_273 : memref<64xi32, #tpu.memory_space<hbm>>) dst(%dma_wait3A_272 : memref<64xi32, #tpu.memory_space<vmem>>)
      tpu.yield
    }) : () -> ()
    %add3A_73 = arith.constant 192 : i32
    %add3A_74 = arith.addi %mul3A_55, %add3A_73 : i32
    %run_scoped3A_75 = arith.constant 3 : i32
    "tpu.region"() ({
      %run_scoped3A_257 = tpu.sem_alloc : memref<!tpu.dma_semaphore, #tpu.memory_space<semaphore_mem>>
      %dma_start3A_258 = arith.constant 0 : i32
      %dma_start3A_259 = tpu.memref_slice %arg6[%run_scoped3A_75, %dma_start3A_258] : memref<8x64xi32, #tpu.memory_space<vmem>> -> memref<1x64xi32, #tpu.memory_space<vmem>>
      %dma_start3A_260 = tpu.memref_squeeze %dma_start3A_259 : memref<1x64xi32, #tpu.memory_space<vmem>> -> memref<64xi32, #tpu.memory_space<vmem>>
      %dma_start3A_261 = tpu.memref_slice %arg3[%add3A_74] : memref<321536xi32, #tpu.memory_space<hbm>> -> memref<64xi32, #tpu.memory_space<hbm>>
      %dma_start3A_262 = arith.constant 0 : i32
      %dma_start3A_263 = tpu.memref_slice %arg6[%run_scoped3A_75, %dma_start3A_262] : memref<8x64xi32, #tpu.memory_space<vmem>> -> memref<1x64xi32, #tpu.memory_space<vmem>>
      %dma_start3A_264 = tpu.memref_squeeze %dma_start3A_263 : memref<1x64xi32, #tpu.memory_space<vmem>> -> memref<64xi32, #tpu.memory_space<vmem>>
      %dma_start3A_265 = tpu.memref_slice %arg3[%add3A_74] : memref<321536xi32, #tpu.memory_space<hbm>> -> memref<64xi32, #tpu.memory_space<hbm>>
      tpu.enqueue_dma source(%dma_start3A_265 : memref<64xi32, #tpu.memory_space<hbm>>) target(%dma_start3A_264 : memref<64xi32, #tpu.memory_space<vmem>>) target_semaphore(%run_scoped3A_257 : memref<!tpu.dma_semaphore, #tpu.memory_space<semaphore_mem>>)
      %dma_wait3A_266 = arith.constant 0 : i32
      %dma_wait3A_267 = tpu.memref_slice %arg6[%run_scoped3A_75, %dma_wait3A_266] : memref<8x64xi32, #tpu.memory_space<vmem>> -> memref<1x64xi32, #tpu.memory_space<vmem>>
      %dma_wait3A_268 = tpu.memref_squeeze %dma_wait3A_267 : memref<1x64xi32, #tpu.memory_space<vmem>> -> memref<64xi32, #tpu.memory_space<vmem>>
      %dma_wait3A_269 = tpu.memref_slice %arg3[%add3A_74] : memref<321536xi32, #tpu.memory_space<hbm>> -> memref<64xi32, #tpu.memory_space<hbm>>
      %dma_wait3A_270 = arith.constant 0 : i32
      %dma_wait3A_271 = tpu.memref_slice %arg6[%run_scoped3A_75, %dma_wait3A_270] : memref<8x64xi32, #tpu.memory_space<vmem>> -> memref<1x64xi32, #tpu.memory_space<vmem>>
      %dma_wait3A_272 = tpu.memref_squeeze %dma_wait3A_271 : memref<1x64xi32, #tpu.memory_space<vmem>> -> memref<64xi32, #tpu.memory_space<vmem>>
      %dma_wait3A_273 = tpu.memref_slice %arg3[%add3A_74] : memref<321536xi32, #tpu.memory_space<hbm>> -> memref<64xi32, #tpu.memory_space<hbm>>
      tpu.wait_dma2 semaphore(%run_scoped3A_257 : memref<!tpu.dma_semaphore, #tpu.memory_space<semaphore_mem>>) src(%dma_wait3A_273 : memref<64xi32, #tpu.memory_space<hbm>>) dst(%dma_wait3A_272 : memref<64xi32, #tpu.memory_space<vmem>>)
      tpu.yield
    }) : () -> ()
    %add3A_76 = arith.constant 192 : i32
    %add3A_77 = arith.addi %mul3A_55, %add3A_76 : i32
    %run_scoped3A_78 = arith.constant 3 : i32
    "tpu.region"() ({
      %run_scoped3A_257 = tpu.sem_alloc : memref<!tpu.dma_semaphore, #tpu.memory_space<semaphore_mem>>
      %dma_start3A_258 = arith.constant 0 : i32
      %dma_start3A_259 = tpu.memref_slice %arg7[%run_scoped3A_78, %dma_start3A_258] : memref<8x64xi32, #tpu.memory_space<vmem>> -> memref<1x64xi32, #tpu.memory_space<vmem>>
      %dma_start3A_260 = tpu.memref_squeeze %dma_start3A_259 : memref<1x64xi32, #tpu.memory_space<vmem>> -> memref<64xi32, #tpu.memory_space<vmem>>
      %dma_start3A_261 = tpu.memref_slice %arg4[%add3A_77] : memref<321536xi32, #tpu.memory_space<hbm>> -> memref<64xi32, #tpu.memory_space<hbm>>
      %dma_start3A_262 = arith.constant 0 : i32
      %dma_start3A_263 = tpu.memref_slice %arg7[%run_scoped3A_78, %dma_start3A_262] : memref<8x64xi32, #tpu.memory_space<vmem>> -> memref<1x64xi32, #tpu.memory_space<vmem>>
      %dma_start3A_264 = tpu.memref_squeeze %dma_start3A_263 : memref<1x64xi32, #tpu.memory_space<vmem>> -> memref<64xi32, #tpu.memory_space<vmem>>
      %dma_start3A_265 = tpu.memref_slice %arg4[%add3A_77] : memref<321536xi32, #tpu.memory_space<hbm>> -> memref<64xi32, #tpu.memory_space<hbm>>
      tpu.enqueue_dma source(%dma_start3A_265 : memref<64xi32, #tpu.memory_space<hbm>>) target(%dma_start3A_264 : memref<64xi32, #tpu.memory_space<vmem>>) target_semaphore(%run_scoped3A_257 : memref<!tpu.dma_semaphore, #tpu.memory_space<semaphore_mem>>)
      %dma_wait3A_266 = arith.constant 0 : i32
      %dma_wait3A_267 = tpu.memref_slice %arg7[%run_scoped3A_78, %dma_wait3A_266] : memref<8x64xi32, #tpu.memory_space<vmem>> -> memref<1x64xi32, #tpu.memory_space<vmem>>
      %dma_wait3A_268 = tpu.memref_squeeze %dma_wait3A_267 : memref<1x64xi32, #tpu.memory_space<vmem>> -> memref<64xi32, #tpu.memory_space<vmem>>
      %dma_wait3A_269 = tpu.memref_slice %arg4[%add3A_77] : memref<321536xi32, #tpu.memory_space<hbm>> -> memref<64xi32, #tpu.memory_space<hbm>>
      %dma_wait3A_270 = arith.constant 0 : i32
      %dma_wait3A_271 = tpu.memref_slice %arg7[%run_scoped3A_78, %dma_wait3A_270] : memref<8x64xi32, #tpu.memory_space<vmem>> -> memref<1x64xi32, #tpu.memory_space<vmem>>
      %dma_wait3A_272 = tpu.memref_squeeze %dma_wait3A_271 : memref<1x64xi32, #tpu.memory_space<vmem>> -> memref<64xi32, #tpu.memory_space<vmem>>
      %dma_wait3A_273 = tpu.memref_slice %arg4[%add3A_77] : memref<321536xi32, #tpu.memory_space<hbm>> -> memref<64xi32, #tpu.memory_space<hbm>>
      tpu.wait_dma2 semaphore(%run_scoped3A_257 : memref<!tpu.dma_semaphore, #tpu.memory_space<semaphore_mem>>) src(%dma_wait3A_273 : memref<64xi32, #tpu.memory_space<hbm>>) dst(%dma_wait3A_272 : memref<64xi32, #tpu.memory_space<vmem>>)
      tpu.yield
    }) : () -> ()
    %add3A_79 = arith.constant 256 : i32
    %add3A_80 = arith.addi %mul3A_55, %add3A_79 : i32
    %dma_start3A = arith.constant 4 : i32
    %dma_start3A_81 = arith.constant 4 : i32
    %dma_start3A_82 = arith.constant 0 : i32
    %dma_start3A_83 = tpu.memref_slice %arg6[%dma_start3A, %dma_start3A_82] : memref<8x64xi32, #tpu.memory_space<vmem>> -> memref<1x64xi32, #tpu.memory_space<vmem>>
    %dma_start3A_84 = tpu.memref_squeeze %dma_start3A_83 : memref<1x64xi32, #tpu.memory_space<vmem>> -> memref<64xi32, #tpu.memory_space<vmem>>
    %dma_start3A_85 = tpu.memref_slice %arg3[%add3A_80] : memref<321536xi32, #tpu.memory_space<hbm>> -> memref<64xi32, #tpu.memory_space<hbm>>
    %dma_start3A_86 = tpu.memref_slice %arg15[%dma_start3A_81] : memref<8x!tpu.dma_semaphore, #tpu.memory_space<semaphore_mem>> -> memref<1x!tpu.dma_semaphore, #tpu.memory_space<semaphore_mem>>
    %dma_start3A_87 = tpu.memref_squeeze %dma_start3A_86 : memref<1x!tpu.dma_semaphore, #tpu.memory_space<semaphore_mem>> -> memref<!tpu.dma_semaphore, #tpu.memory_space<semaphore_mem>>
    %dma_start3A_88 = arith.constant 0 : i32
    %dma_start3A_89 = tpu.memref_slice %arg6[%dma_start3A, %dma_start3A_88] : memref<8x64xi32, #tpu.memory_space<vmem>> -> memref<1x64xi32, #tpu.memory_space<vmem>>
    %dma_start3A_90 = tpu.memref_squeeze %dma_start3A_89 : memref<1x64xi32, #tpu.memory_space<vmem>> -> memref<64xi32, #tpu.memory_space<vmem>>
    %dma_start3A_91 = tpu.memref_slice %arg3[%add3A_80] : memref<321536xi32, #tpu.memory_space<hbm>> -> memref<64xi32, #tpu.memory_space<hbm>>
    tpu.enqueue_dma source(%dma_start3A_91 : memref<64xi32, #tpu.memory_space<hbm>>) target(%dma_start3A_90 : memref<64xi32, #tpu.memory_space<vmem>>) target_semaphore(%dma_start3A_87 : memref<!tpu.dma_semaphore, #tpu.memory_space<semaphore_mem>>)
    %add3A_92 = arith.constant 256 : i32
    %add3A_93 = arith.addi %mul3A_55, %add3A_92 : i32
    %dma_start3A_94 = arith.constant 4 : i32
    %dma_start3A_95 = arith.constant 4 : i32
    %dma_start3A_96 = arith.constant 0 : i32
    %dma_start3A_97 = tpu.memref_slice %arg7[%dma_start3A_94, %dma_start3A_96] : memref<8x64xi32, #tpu.memory_space<vmem>> -> memref<1x64xi32, #tpu.memory_space<vmem>>
    %dma_start3A_98 = tpu.memref_squeeze %dma_start3A_97 : memref<1x64xi32, #tpu.memory_space<vmem>> -> memref<64xi32, #tpu.memory_space<vmem>>
    %dma_start3A_99 = tpu.memref_slice %arg4[%add3A_93] : memref<321536xi32, #tpu.memory_space<hbm>> -> memref<64xi32, #tpu.memory_space<hbm>>
    %dma_start3A_100 = tpu.memref_slice %arg15[%dma_start3A_95] : memref<8x!tpu.dma_semaphore, #tpu.memory_space<semaphore_mem>> -> memref<1x!tpu.dma_semaphore, #tpu.memory_space<semaphore_mem>>
    %dma_start3A_101 = tpu.memref_squeeze %dma_start3A_100 : memref<1x!tpu.dma_semaphore, #tpu.memory_space<semaphore_mem>> -> memref<!tpu.dma_semaphore, #tpu.memory_space<semaphore_mem>>
    %dma_start3A_102 = arith.constant 0 : i32
    %dma_start3A_103 = tpu.memref_slice %arg7[%dma_start3A_94, %dma_start3A_102] : memref<8x64xi32, #tpu.memory_space<vmem>> -> memref<1x64xi32, #tpu.memory_space<vmem>>
    %dma_start3A_104 = tpu.memref_squeeze %dma_start3A_103 : memref<1x64xi32, #tpu.memory_space<vmem>> -> memref<64xi32, #tpu.memory_space<vmem>>
    %dma_start3A_105 = tpu.memref_slice %arg4[%add3A_93] : memref<321536xi32, #tpu.memory_space<hbm>> -> memref<64xi32, #tpu.memory_space<hbm>>
    tpu.enqueue_dma source(%dma_start3A_105 : memref<64xi32, #tpu.memory_space<hbm>>) target(%dma_start3A_104 : memref<64xi32, #tpu.memory_space<vmem>>) target_semaphore(%dma_start3A_101 : memref<!tpu.dma_semaphore, #tpu.memory_space<semaphore_mem>>)
    %add3A_106 = arith.constant 320 : i32
    %add3A_107 = arith.addi %mul3A_55, %add3A_106 : i32
    %dma_start3A_108 = arith.constant 5 : i32
    %dma_start3A_109 = arith.constant 5 : i32
    %dma_start3A_110 = arith.constant 0 : i32
    %dma_start3A_111 = tpu.memref_slice %arg6[%dma_start3A_108, %dma_start3A_110] : memref<8x64xi32, #tpu.memory_space<vmem>> -> memref<1x64xi32, #tpu.memory_space<vmem>>
    %dma_start3A_112 = tpu.memref_squeeze %dma_start3A_111 : memref<1x64xi32, #tpu.memory_space<vmem>> -> memref<64xi32, #tpu.memory_space<vmem>>
    %dma_start3A_113 = tpu.memref_slice %arg3[%add3A_107] : memref<321536xi32, #tpu.memory_space<hbm>> -> memref<64xi32, #tpu.memory_space<hbm>>
    %dma_start3A_114 = tpu.memref_slice %arg15[%dma_start3A_109] : memref<8x!tpu.dma_semaphore, #tpu.memory_space<semaphore_mem>> -> memref<1x!tpu.dma_semaphore, #tpu.memory_space<semaphore_mem>>
    %dma_start3A_115 = tpu.memref_squeeze %dma_start3A_114 : memref<1x!tpu.dma_semaphore, #tpu.memory_space<semaphore_mem>> -> memref<!tpu.dma_semaphore, #tpu.memory_space<semaphore_mem>>
    %dma_start3A_116 = arith.constant 0 : i32
    %dma_start3A_117 = tpu.memref_slice %arg6[%dma_start3A_108, %dma_start3A_116] : memref<8x64xi32, #tpu.memory_space<vmem>> -> memref<1x64xi32, #tpu.memory_space<vmem>>
    %dma_start3A_118 = tpu.memref_squeeze %dma_start3A_117 : memref<1x64xi32, #tpu.memory_space<vmem>> -> memref<64xi32, #tpu.memory_space<vmem>>
    %dma_start3A_119 = tpu.memref_slice %arg3[%add3A_107] : memref<321536xi32, #tpu.memory_space<hbm>> -> memref<64xi32, #tpu.memory_space<hbm>>
    tpu.enqueue_dma source(%dma_start3A_119 : memref<64xi32, #tpu.memory_space<hbm>>) target(%dma_start3A_118 : memref<64xi32, #tpu.memory_space<vmem>>) target_semaphore(%dma_start3A_115 : memref<!tpu.dma_semaphore, #tpu.memory_space<semaphore_mem>>)
    %add3A_120 = arith.constant 320 : i32
    %add3A_121 = arith.addi %mul3A_55, %add3A_120 : i32
    %dma_start3A_122 = arith.constant 5 : i32
    %dma_start3A_123 = arith.constant 5 : i32
    %dma_start3A_124 = arith.constant 0 : i32
    %dma_start3A_125 = tpu.memref_slice %arg7[%dma_start3A_122, %dma_start3A_124] : memref<8x64xi32, #tpu.memory_space<vmem>> -> memref<1x64xi32, #tpu.memory_space<vmem>>
    %dma_start3A_126 = tpu.memref_squeeze %dma_start3A_125 : memref<1x64xi32, #tpu.memory_space<vmem>> -> memref<64xi32, #tpu.memory_space<vmem>>
    %dma_start3A_127 = tpu.memref_slice %arg4[%add3A_121] : memref<321536xi32, #tpu.memory_space<hbm>> -> memref<64xi32, #tpu.memory_space<hbm>>
    %dma_start3A_128 = tpu.memref_slice %arg15[%dma_start3A_123] : memref<8x!tpu.dma_semaphore, #tpu.memory_space<semaphore_mem>> -> memref<1x!tpu.dma_semaphore, #tpu.memory_space<semaphore_mem>>
    %dma_start3A_129 = tpu.memref_squeeze %dma_start3A_128 : memref<1x!tpu.dma_semaphore, #tpu.memory_space<semaphore_mem>> -> memref<!tpu.dma_semaphore, #tpu.memory_space<semaphore_mem>>
    %dma_start3A_130 = arith.constant 0 : i32
    %dma_start3A_131 = tpu.memref_slice %arg7[%dma_start3A_122, %dma_start3A_130] : memref<8x64xi32, #tpu.memory_space<vmem>> -> memref<1x64xi32, #tpu.memory_space<vmem>>
    %dma_start3A_132 = tpu.memref_squeeze %dma_start3A_131 : memref<1x64xi32, #tpu.memory_space<vmem>> -> memref<64xi32, #tpu.memory_space<vmem>>
    %dma_start3A_133 = tpu.memref_slice %arg4[%add3A_121] : memref<321536xi32, #tpu.memory_space<hbm>> -> memref<64xi32, #tpu.memory_space<hbm>>
    tpu.enqueue_dma source(%dma_start3A_133 : memref<64xi32, #tpu.memory_space<hbm>>) target(%dma_start3A_132 : memref<64xi32, #tpu.memory_space<vmem>>) target_semaphore(%dma_start3A_129 : memref<!tpu.dma_semaphore, #tpu.memory_space<semaphore_mem>>)
    %add3A_134 = arith.constant 384 : i32
    %add3A_135 = arith.addi %mul3A_55, %add3A_134 : i32
    %dma_start3A_136 = arith.constant 6 : i32
    %dma_start3A_137 = arith.constant 6 : i32
    %dma_start3A_138 = arith.constant 0 : i32
    %dma_start3A_139 = tpu.memref_slice %arg6[%dma_start3A_136, %dma_start3A_138] : memref<8x64xi32, #tpu.memory_space<vmem>> -> memref<1x64xi32, #tpu.memory_space<vmem>>
    %dma_start3A_140 = tpu.memref_squeeze %dma_start3A_139 : memref<1x64xi32, #tpu.memory_space<vmem>> -> memref<64xi32, #tpu.memory_space<vmem>>
    %dma_start3A_141 = tpu.memref_slice %arg3[%add3A_135] : memref<321536xi32, #tpu.memory_space<hbm>> -> memref<64xi32, #tpu.memory_space<hbm>>
    %dma_start3A_142 = tpu.memref_slice %arg15[%dma_start3A_137] : memref<8x!tpu.dma_semaphore, #tpu.memory_space<semaphore_mem>> -> memref<1x!tpu.dma_semaphore, #tpu.memory_space<semaphore_mem>>
    %dma_start3A_143 = tpu.memref_squeeze %dma_start3A_142 : memref<1x!tpu.dma_semaphore, #tpu.memory_space<semaphore_mem>> -> memref<!tpu.dma_semaphore, #tpu.memory_space<semaphore_mem>>
    %dma_start3A_144 = arith.constant 0 : i32
    %dma_start3A_145 = tpu.memref_slice %arg6[%dma_start3A_136, %dma_start3A_144] : memref<8x64xi32, #tpu.memory_space<vmem>> -> memref<1x64xi32, #tpu.memory_space<vmem>>
    %dma_start3A_146 = tpu.memref_squeeze %dma_start3A_145 : memref<1x64xi32, #tpu.memory_space<vmem>> -> memref<64xi32, #tpu.memory_space<vmem>>
    %dma_start3A_147 = tpu.memref_slice %arg3[%add3A_135] : memref<321536xi32, #tpu.memory_space<hbm>> -> memref<64xi32, #tpu.memory_space<hbm>>
    tpu.enqueue_dma source(%dma_start3A_147 : memref<64xi32, #tpu.memory_space<hbm>>) target(%dma_start3A_146 : memref<64xi32, #tpu.memory_space<vmem>>) target_semaphore(%dma_start3A_143 : memref<!tpu.dma_semaphore, #tpu.memory_space<semaphore_mem>>)
    %add3A_148 = arith.constant 384 : i32
    %add3A_149 = arith.addi %mul3A_55, %add3A_148 : i32
    %dma_start3A_150 = arith.constant 6 : i32
    %dma_start3A_151 = arith.constant 6 : i32
    %dma_start3A_152 = arith.constant 0 : i32
    %dma_start3A_153 = tpu.memref_slice %arg7[%dma_start3A_150, %dma_start3A_152] : memref<8x64xi32, #tpu.memory_space<vmem>> -> memref<1x64xi32, #tpu.memory_space<vmem>>
    %dma_start3A_154 = tpu.memref_squeeze %dma_start3A_153 : memref<1x64xi32, #tpu.memory_space<vmem>> -> memref<64xi32, #tpu.memory_space<vmem>>
    %dma_start3A_155 = tpu.memref_slice %arg4[%add3A_149] : memref<321536xi32, #tpu.memory_space<hbm>> -> memref<64xi32, #tpu.memory_space<hbm>>
    %dma_start3A_156 = tpu.memref_slice %arg15[%dma_start3A_151] : memref<8x!tpu.dma_semaphore, #tpu.memory_space<semaphore_mem>> -> memref<1x!tpu.dma_semaphore, #tpu.memory_space<semaphore_mem>>
    %dma_start3A_157 = tpu.memref_squeeze %dma_start3A_156 : memref<1x!tpu.dma_semaphore, #tpu.memory_space<semaphore_mem>> -> memref<!tpu.dma_semaphore, #tpu.memory_space<semaphore_mem>>
    %dma_start3A_158 = arith.constant 0 : i32
    %dma_start3A_159 = tpu.memref_slice %arg7[%dma_start3A_150, %dma_start3A_158] : memref<8x64xi32, #tpu.memory_space<vmem>> -> memref<1x64xi32, #tpu.memory_space<vmem>>
    %dma_start3A_160 = tpu.memref_squeeze %dma_start3A_159 : memref<1x64xi32, #tpu.memory_space<vmem>> -> memref<64xi32, #tpu.memory_space<vmem>>
    %dma_start3A_161 = tpu.memref_slice %arg4[%add3A_149] : memref<321536xi32, #tpu.memory_space<hbm>> -> memref<64xi32, #tpu.memory_space<hbm>>
    tpu.enqueue_dma source(%dma_start3A_161 : memref<64xi32, #tpu.memory_space<hbm>>) target(%dma_start3A_160 : memref<64xi32, #tpu.memory_space<vmem>>) target_semaphore(%dma_start3A_157 : memref<!tpu.dma_semaphore, #tpu.memory_space<semaphore_mem>>)
    %add3A_162 = arith.constant 448 : i32
    %add3A_163 = arith.addi %mul3A_55, %add3A_162 : i32
    %dma_start3A_164 = arith.constant 7 : i32
    %dma_start3A_165 = arith.constant 7 : i32
    %dma_start3A_166 = arith.constant 0 : i32
    %dma_start3A_167 = tpu.memref_slice %arg6[%dma_start3A_164, %dma_start3A_166] : memref<8x64xi32, #tpu.memory_space<vmem>> -> memref<1x64xi32, #tpu.memory_space<vmem>>
    %dma_start3A_168 = tpu.memref_squeeze %dma_start3A_167 : memref<1x64xi32, #tpu.memory_space<vmem>> -> memref<64xi32, #tpu.memory_space<vmem>>
    %dma_start3A_169 = tpu.memref_slice %arg3[%add3A_163] : memref<321536xi32, #tpu.memory_space<hbm>> -> memref<64xi32, #tpu.memory_space<hbm>>
    %dma_start3A_170 = tpu.memref_slice %arg15[%dma_start3A_165] : memref<8x!tpu.dma_semaphore, #tpu.memory_space<semaphore_mem>> -> memref<1x!tpu.dma_semaphore, #tpu.memory_space<semaphore_mem>>
    %dma_start3A_171 = tpu.memref_squeeze %dma_start3A_170 : memref<1x!tpu.dma_semaphore, #tpu.memory_space<semaphore_mem>> -> memref<!tpu.dma_semaphore, #tpu.memory_space<semaphore_mem>>
    %dma_start3A_172 = arith.constant 0 : i32
    %dma_start3A_173 = tpu.memref_slice %arg6[%dma_start3A_164, %dma_start3A_172] : memref<8x64xi32, #tpu.memory_space<vmem>> -> memref<1x64xi32, #tpu.memory_space<vmem>>
    %dma_start3A_174 = tpu.memref_squeeze %dma_start3A_173 : memref<1x64xi32, #tpu.memory_space<vmem>> -> memref<64xi32, #tpu.memory_space<vmem>>
    %dma_start3A_175 = tpu.memref_slice %arg3[%add3A_163] : memref<321536xi32, #tpu.memory_space<hbm>> -> memref<64xi32, #tpu.memory_space<hbm>>
    tpu.enqueue_dma source(%dma_start3A_175 : memref<64xi32, #tpu.memory_space<hbm>>) target(%dma_start3A_174 : memref<64xi32, #tpu.memory_space<vmem>>) target_semaphore(%dma_start3A_171 : memref<!tpu.dma_semaphore, #tpu.memory_space<semaphore_mem>>)
    %add3A_176 = arith.constant 448 : i32
    %add3A_177 = arith.addi %mul3A_55, %add3A_176 : i32
    %dma_start3A_178 = arith.constant 7 : i32
    %dma_start3A_179 = arith.constant 7 : i32
    %dma_start3A_180 = arith.constant 0 : i32
    %dma_start3A_181 = tpu.memref_slice %arg7[%dma_start3A_178, %dma_start3A_180] : memref<8x64xi32, #tpu.memory_space<vmem>> -> memref<1x64xi32, #tpu.memory_space<vmem>>
    %dma_start3A_182 = tpu.memref_squeeze %dma_start3A_181 : memref<1x64xi32, #tpu.memory_space<vmem>> -> memref<64xi32, #tpu.memory_space<vmem>>
    %dma_start3A_183 = tpu.memref_slice %arg4[%add3A_177] : memref<321536xi32, #tpu.memory_space<hbm>> -> memref<64xi32, #tpu.memory_space<hbm>>
    %dma_start3A_184 = tpu.memref_slice %arg15[%dma_start3A_179] : memref<8x!tpu.dma_semaphore, #tpu.memory_space<semaphore_mem>> -> memref<1x!tpu.dma_semaphore, #tpu.memory_space<semaphore_mem>>
    %dma_start3A_185 = tpu.memref_squeeze %dma_start3A_184 : memref<1x!tpu.dma_semaphore, #tpu.memory_space<semaphore_mem>> -> memref<!tpu.dma_semaphore, #tpu.memory_space<semaphore_mem>>
    %dma_start3A_186 = arith.constant 0 : i32
    %dma_start3A_187 = tpu.memref_slice %arg7[%dma_start3A_178, %dma_start3A_186] : memref<8x64xi32, #tpu.memory_space<vmem>> -> memref<1x64xi32, #tpu.memory_space<vmem>>
    %dma_start3A_188 = tpu.memref_squeeze %dma_start3A_187 : memref<1x64xi32, #tpu.memory_space<vmem>> -> memref<64xi32, #tpu.memory_space<vmem>>
    %dma_start3A_189 = tpu.memref_slice %arg4[%add3A_177] : memref<321536xi32, #tpu.memory_space<hbm>> -> memref<64xi32, #tpu.memory_space<hbm>>
    tpu.enqueue_dma source(%dma_start3A_189 : memref<64xi32, #tpu.memory_space<hbm>>) target(%dma_start3A_188 : memref<64xi32, #tpu.memory_space<vmem>>) target_semaphore(%dma_start3A_185 : memref<!tpu.dma_semaphore, #tpu.memory_space<semaphore_mem>>)
    %dma_start3A_190 = arith.constant 0 : i32
    %dma_start3A_191 = arith.constant 0 : i32
    %dma_start3A_192 = arith.constant 0 : i32
    %dma_start3A_193 = tpu.memref_slice %arg6[%dma_start3A_190, %dma_start3A_192] : memref<8x64xi32, #tpu.memory_space<vmem>> -> memref<1x64xi32, #tpu.memory_space<vmem>>
    %dma_start3A_194 = tpu.memref_squeeze %dma_start3A_193 : memref<1x64xi32, #tpu.memory_space<vmem>> -> memref<64xi32, #tpu.memory_space<vmem>>
    %dma_start3A_195 = arith.constant 0 : i32
    %dma_start3A_196 = arith.constant 0 : i32
    %dma_start3A_197 = tpu.memref_slice %arg2[%dma_start3A_195, %dma_start3A_196] : memref<10000x128xf32, #tpu.memory_space<hbm>> -> memref<10000x128xf32, #tpu.memory_space<hbm>>
    %dma_start3A_198 = tpu.memref_slice %arg13[%dma_start3A_191] : memref<4x!tpu.dma_semaphore, #tpu.memory_space<semaphore_mem>> -> memref<1x!tpu.dma_semaphore, #tpu.memory_space<semaphore_mem>>
    %dma_start3A_199 = tpu.memref_squeeze %dma_start3A_198 : memref<1x!tpu.dma_semaphore, #tpu.memory_space<semaphore_mem>> -> memref<!tpu.dma_semaphore, #tpu.memory_space<semaphore_mem>>
    tpu.enqueue_indirect_dma source(%dma_start3A_197 : memref<10000x128xf32, #tpu.memory_space<hbm>>) target(%arg8 : memref<64x128xf32, #tpu.memory_space<vmem>>) offsets(%dma_start3A_194 : memref<64xi32, #tpu.memory_space<vmem>>) semaphore(%dma_start3A_199 : memref<!tpu.dma_semaphore, #tpu.memory_space<semaphore_mem>>)
    %dma_start3A_200 = arith.constant 1 : i32
    %dma_start3A_201 = arith.constant 1 : i32
    %dma_start3A_202 = arith.constant 0 : i32
    %dma_start3A_203 = tpu.memref_slice %arg6[%dma_start3A_200, %dma_start3A_202] : memref<8x64xi32, #tpu.memory_space<vmem>> -> memref<1x64xi32, #tpu.memory_space<vmem>>
    %dma_start3A_204 = tpu.memref_squeeze %dma_start3A_203 : memref<1x64xi32, #tpu.memory_space<vmem>> -> memref<64xi32, #tpu.memory_space<vmem>>
    %dma_start3A_205 = arith.constant 0 : i32
    %dma_start3A_206 = arith.constant 0 : i32
    %dma_start3A_207 = tpu.memref_slice %arg2[%dma_start3A_205, %dma_start3A_206] : memref<10000x128xf32, #tpu.memory_space<hbm>> -> memref<10000x128xf32, #tpu.memory_space<hbm>>
    %dma_start3A_208 = tpu.memref_slice %arg13[%dma_start3A_201] : memref<4x!tpu.dma_semaphore, #tpu.memory_space<semaphore_mem>> -> memref<1x!tpu.dma_semaphore, #tpu.memory_space<semaphore_mem>>
    %dma_start3A_209 = tpu.memref_squeeze %dma_start3A_208 : memref<1x!tpu.dma_semaphore, #tpu.memory_space<semaphore_mem>> -> memref<!tpu.dma_semaphore, #tpu.memory_space<semaphore_mem>>
    tpu.enqueue_indirect_dma source(%dma_start3A_207 : memref<10000x128xf32, #tpu.memory_space<hbm>>) target(%arg9 : memref<64x128xf32, #tpu.memory_space<vmem>>) offsets(%dma_start3A_204 : memref<64xi32, #tpu.memory_space<vmem>>) semaphore(%dma_start3A_209 : memref<!tpu.dma_semaphore, #tpu.memory_space<semaphore_mem>>)
    %dma_start3A_210 = arith.constant 2 : i32
    %dma_start3A_211 = arith.constant 2 : i32
    %dma_start3A_212 = arith.constant 0 : i32
    %dma_start3A_213 = tpu.memref_slice %arg6[%dma_start3A_210, %dma_start3A_212] : memref<8x64xi32, #tpu.memory_space<vmem>> -> memref<1x64xi32, #tpu.memory_space<vmem>>
    %dma_start3A_214 = tpu.memref_squeeze %dma_start3A_213 : memref<1x64xi32, #tpu.memory_space<vmem>> -> memref<64xi32, #tpu.memory_space<vmem>>
    %dma_start3A_215 = arith.constant 0 : i32
    %dma_start3A_216 = arith.constant 0 : i32
    %dma_start3A_217 = tpu.memref_slice %arg2[%dma_start3A_215, %dma_start3A_216] : memref<10000x128xf32, #tpu.memory_space<hbm>> -> memref<10000x128xf32, #tpu.memory_space<hbm>>
    %dma_start3A_218 = tpu.memref_slice %arg13[%dma_start3A_211] : memref<4x!tpu.dma_semaphore, #tpu.memory_space<semaphore_mem>> -> memref<1x!tpu.dma_semaphore, #tpu.memory_space<semaphore_mem>>
    %dma_start3A_219 = tpu.memref_squeeze %dma_start3A_218 : memref<1x!tpu.dma_semaphore, #tpu.memory_space<semaphore_mem>> -> memref<!tpu.dma_semaphore, #tpu.memory_space<semaphore_mem>>
    tpu.enqueue_indirect_dma source(%dma_start3A_217 : memref<10000x128xf32, #tpu.memory_space<hbm>>) target(%arg10 : memref<64x128xf32, #tpu.memory_space<vmem>>) offsets(%dma_start3A_214 : memref<64xi32, #tpu.memory_space<vmem>>) semaphore(%dma_start3A_219 : memref<!tpu.dma_semaphore, #tpu.memory_space<semaphore_mem>>)
    %dma_start3A_220 = arith.constant 3 : i32
    %dma_start3A_221 = arith.constant 3 : i32
    %dma_start3A_222 = arith.constant 0 : i32
    %dma_start3A_223 = tpu.memref_slice %arg6[%dma_start3A_220, %dma_start3A_222] : memref<8x64xi32, #tpu.memory_space<vmem>> -> memref<1x64xi32, #tpu.memory_space<vmem>>
    %dma_start3A_224 = tpu.memref_squeeze %dma_start3A_223 : memref<1x64xi32, #tpu.memory_space<vmem>> -> memref<64xi32, #tpu.memory_space<vmem>>
    %dma_start3A_225 = arith.constant 0 : i32
    %dma_start3A_226 = arith.constant 0 : i32
    %dma_start3A_227 = tpu.memref_slice %arg2[%dma_start3A_225, %dma_start3A_226] : memref<10000x128xf32, #tpu.memory_space<hbm>> -> memref<10000x128xf32, #tpu.memory_space<hbm>>
    %dma_start3A_228 = tpu.memref_slice %arg13[%dma_start3A_221] : memref<4x!tpu.dma_semaphore, #tpu.memory_space<semaphore_mem>> -> memref<1x!tpu.dma_semaphore, #tpu.memory_space<semaphore_mem>>
    %dma_start3A_229 = tpu.memref_squeeze %dma_start3A_228 : memref<1x!tpu.dma_semaphore, #tpu.memory_space<semaphore_mem>> -> memref<!tpu.dma_semaphore, #tpu.memory_space<semaphore_mem>>
    tpu.enqueue_indirect_dma source(%dma_start3A_227 : memref<10000x128xf32, #tpu.memory_space<hbm>>) target(%arg11 : memref<64x128xf32, #tpu.memory_space<vmem>>) offsets(%dma_start3A_224 : memref<64xi32, #tpu.memory_space<vmem>>) semaphore(%dma_start3A_229 : memref<!tpu.dma_semaphore, #tpu.memory_space<semaphore_mem>>)
    %scan3A_230 = arith.constant 0 : i32
    %scan3A_231 = arith.constant 0 : i32
    %scan3A_232 = arith.constant 39 : i32
    %scan3A_233 = arith.addi %scan3A_231, %scan3A_232 : i32
    %scan3A_234 = arith.constant 1 : i32
    %scan3A_235 = scf.for %scan3A_257 = %scan3A_231 to %scan3A_233 step %scan3A_234 iter_args(%scan3A_258 = %scan3A_230) -> (i32)  : i32 {
      %mul3A_259 = arith.constant 4 : i32
      %mul3A_260 = arith.muli %mul3A_259, %scan3A_257 : i32
      %add3A_261 = arith.constant 0 : i32
      %add3A_262 = arith.addi %mul3A_260, %add3A_261 : i32
      %jit3A = arith.constant 8 : i32
      %eq3A_263 = arith.constant 0 : i32
      %eq3A_264 = arith.cmpi eq, %jit3A, %eq3A_263 : i32
      %jit3A_265 = arith.constant 1 : i32
      %select_n3A = arith.select %eq3A_264, %jit3A_265, %jit3A : i32
      %rem3A = arith.remsi %add3A_262, %select_n3A : i32
      %ne3A = arith.constant 0 : i32
      %ne3A_266 = arith.cmpi ne, %rem3A, %ne3A : i32
      %lt3A = arith.constant 0 : i32
      %lt3A_267 = arith.cmpi slt, %rem3A, %lt3A : i32
      %lt3A_268 = arith.constant 0 : i32
      %lt3A_269 = arith.cmpi slt, %select_n3A, %lt3A_268 : i32
      %ne3A_270 = arith.xori %lt3A_267, %lt3A_269 : i1
      %and3A = arith.andi %ne3A_270, %ne3A_266 : i1
      %add3A_271 = arith.addi %rem3A, %select_n3A : i32
      %select_n3A_272 = arith.select %and3A, %add3A_271, %rem3A : i32
      %dma_wait3A_273 = arith.constant 0 : i32
      %dma_wait3A_274 = arith.constant 0 : i32
      %dma_wait3A_275 = tpu.memref_slice %arg6[%select_n3A_272, %dma_wait3A_274] : memref<8x64xi32, #tpu.memory_space<vmem>> -> memref<1x64xi32, #tpu.memory_space<vmem>>
      %dma_wait3A_276 = tpu.memref_squeeze %dma_wait3A_275 : memref<1x64xi32, #tpu.memory_space<vmem>> -> memref<64xi32, #tpu.memory_space<vmem>>
      %dma_wait3A_277 = arith.constant 0 : i32
      %dma_wait3A_278 = arith.constant 0 : i32
      %dma_wait3A_279 = tpu.memref_slice %arg2[%dma_wait3A_277, %dma_wait3A_278] : memref<10000x128xf32, #tpu.memory_space<hbm>> -> memref<10000x128xf32, #tpu.memory_space<hbm>>
      %dma_wait3A_280 = tpu.memref_slice %arg13[%dma_wait3A_273] : memref<4x!tpu.dma_semaphore, #tpu.memory_space<semaphore_mem>> -> memref<1x!tpu.dma_semaphore, #tpu.memory_space<semaphore_mem>>
      %dma_wait3A_281 = tpu.memref_squeeze %dma_wait3A_280 : memref<1x!tpu.dma_semaphore, #tpu.memory_space<semaphore_mem>> -> memref<!tpu.dma_semaphore, #tpu.memory_space<semaphore_mem>>
      tpu.wait_indirect_dma semaphore(%dma_wait3A_281 : memref<!tpu.dma_semaphore, #tpu.memory_space<semaphore_mem>>) src(%dma_wait3A_279 : memref<10000x128xf32, #tpu.memory_space<hbm>>) dst(%arg8 : memref<64x128xf32, #tpu.memory_space<vmem>>)
      %add3A_282 = arith.constant 0 : i32
      %add3A_283 = arith.addi %mul3A_260, %add3A_282 : i32
      %jit3A_284 = arith.constant 8 : i32
      %eq3A_285 = arith.constant 0 : i32
      %eq3A_286 = arith.cmpi eq, %jit3A_284, %eq3A_285 : i32
      %jit3A_287 = arith.constant 1 : i32
      %select_n3A_288 = arith.select %eq3A_286, %jit3A_287, %jit3A_284 : i32
      %rem3A_289 = arith.remsi %add3A_283, %select_n3A_288 : i32
      %ne3A_290 = arith.constant 0 : i32
      %ne3A_291 = arith.cmpi ne, %rem3A_289, %ne3A_290 : i32
      %lt3A_292 = arith.constant 0 : i32
      %lt3A_293 = arith.cmpi slt, %rem3A_289, %lt3A_292 : i32
      %lt3A_294 = arith.constant 0 : i32
      %lt3A_295 = arith.cmpi slt, %select_n3A_288, %lt3A_294 : i32
      %ne3A_296 = arith.xori %lt3A_293, %lt3A_295 : i1
      %and3A_297 = arith.andi %ne3A_296, %ne3A_291 : i1
      %add3A_298 = arith.addi %rem3A_289, %select_n3A_288 : i32
      %select_n3A_299 = arith.select %and3A_297, %add3A_298, %rem3A_289 : i32
      %dma_start3A_300 = arith.constant 0 : i32
      %dma_start3A_301 = arith.constant 0 : i32
      %dma_start3A_302 = tpu.memref_slice %arg7[%select_n3A_299, %dma_start3A_301] : memref<8x64xi32, #tpu.memory_space<vmem>> -> memref<1x64xi32, #tpu.memory_space<vmem>>
      %dma_start3A_303 = tpu.memref_squeeze %dma_start3A_302 : memref<1x64xi32, #tpu.memory_space<vmem>> -> memref<64xi32, #tpu.memory_space<vmem>>
      %dma_start3A_304 = arith.constant 0 : i32
      %dma_start3A_305 = arith.constant 0 : i32
      %dma_start3A_306 = tpu.memref_slice %arg12[%dma_start3A_304, %dma_start3A_305] : memref<10128x128xf32, #tpu.memory_space<vmem_shared>> -> memref<10128x128xf32, #tpu.memory_space<vmem_shared>>
      %dma_start3A_307 = tpu.memref_slice %arg14[%dma_start3A_300] : memref<4x!tpu.dma_semaphore, #tpu.memory_space<semaphore_mem>> -> memref<1x!tpu.dma_semaphore, #tpu.memory_space<semaphore_mem>>
      %dma_start3A_308 = tpu.memref_squeeze %dma_start3A_307 : memref<1x!tpu.dma_semaphore, #tpu.memory_space<semaphore_mem>> -> memref<!tpu.dma_semaphore, #tpu.memory_space<semaphore_mem>>
      tpu.enqueue_indirect_dma source(%arg8 : memref<64x128xf32, #tpu.memory_space<vmem>>) target(%dma_start3A_306 : memref<10128x128xf32, #tpu.memory_space<vmem_shared>>) offsets(%dma_start3A_303 : memref<64xi32, #tpu.memory_space<vmem>>) semaphore(%dma_start3A_308 : memref<!tpu.dma_semaphore, #tpu.memory_space<semaphore_mem>>) {add = true}
      %add3A_309 = arith.constant 1 : i32
      %add3A_310 = arith.addi %mul3A_260, %add3A_309 : i32
      %jit3A_311 = arith.constant 8 : i32
      %eq3A_312 = arith.constant 0 : i32
      %eq3A_313 = arith.cmpi eq, %jit3A_311, %eq3A_312 : i32
      %jit3A_314 = arith.constant 1 : i32
      %select_n3A_315 = arith.select %eq3A_313, %jit3A_314, %jit3A_311 : i32
      %rem3A_316 = arith.remsi %add3A_310, %select_n3A_315 : i32
      %ne3A_317 = arith.constant 0 : i32
      %ne3A_318 = arith.cmpi ne, %rem3A_316, %ne3A_317 : i32
      %lt3A_319 = arith.constant 0 : i32
      %lt3A_320 = arith.cmpi slt, %rem3A_316, %lt3A_319 : i32
      %lt3A_321 = arith.constant 0 : i32
      %lt3A_322 = arith.cmpi slt, %select_n3A_315, %lt3A_321 : i32
      %ne3A_323 = arith.xori %lt3A_320, %lt3A_322 : i1
      %and3A_324 = arith.andi %ne3A_323, %ne3A_318 : i1
      %add3A_325 = arith.addi %rem3A_316, %select_n3A_315 : i32
      %select_n3A_326 = arith.select %and3A_324, %add3A_325, %rem3A_316 : i32
      %dma_wait3A_327 = arith.constant 1 : i32
      %dma_wait3A_328 = arith.constant 0 : i32
      %dma_wait3A_329 = tpu.memref_slice %arg6[%select_n3A_326, %dma_wait3A_328] : memref<8x64xi32, #tpu.memory_space<vmem>> -> memref<1x64xi32, #tpu.memory_space<vmem>>
      %dma_wait3A_330 = tpu.memref_squeeze %dma_wait3A_329 : memref<1x64xi32, #tpu.memory_space<vmem>> -> memref<64xi32, #tpu.memory_space<vmem>>
      %dma_wait3A_331 = arith.constant 0 : i32
      %dma_wait3A_332 = arith.constant 0 : i32
      %dma_wait3A_333 = tpu.memref_slice %arg2[%dma_wait3A_331, %dma_wait3A_332] : memref<10000x128xf32, #tpu.memory_space<hbm>> -> memref<10000x128xf32, #tpu.memory_space<hbm>>
      %dma_wait3A_334 = tpu.memref_slice %arg13[%dma_wait3A_327] : memref<4x!tpu.dma_semaphore, #tpu.memory_space<semaphore_mem>> -> memref<1x!tpu.dma_semaphore, #tpu.memory_space<semaphore_mem>>
      %dma_wait3A_335 = tpu.memref_squeeze %dma_wait3A_334 : memref<1x!tpu.dma_semaphore, #tpu.memory_space<semaphore_mem>> -> memref<!tpu.dma_semaphore, #tpu.memory_space<semaphore_mem>>
      tpu.wait_indirect_dma semaphore(%dma_wait3A_335 : memref<!tpu.dma_semaphore, #tpu.memory_space<semaphore_mem>>) src(%dma_wait3A_333 : memref<10000x128xf32, #tpu.memory_space<hbm>>) dst(%arg9 : memref<64x128xf32, #tpu.memory_space<vmem>>)
      %add3A_336 = arith.constant 1 : i32
      %add3A_337 = arith.addi %mul3A_260, %add3A_336 : i32
      %jit3A_338 = arith.constant 8 : i32
      %eq3A_339 = arith.constant 0 : i32
      %eq3A_340 = arith.cmpi eq, %jit3A_338, %eq3A_339 : i32
      %jit3A_341 = arith.constant 1 : i32
      %select_n3A_342 = arith.select %eq3A_340, %jit3A_341, %jit3A_338 : i32
      %rem3A_343 = arith.remsi %add3A_337, %select_n3A_342 : i32
      %ne3A_344 = arith.constant 0 : i32
      %ne3A_345 = arith.cmpi ne, %rem3A_343, %ne3A_344 : i32
      %lt3A_346 = arith.constant 0 : i32
      %lt3A_347 = arith.cmpi slt, %rem3A_343, %lt3A_346 : i32
      %lt3A_348 = arith.constant 0 : i32
      %lt3A_349 = arith.cmpi slt, %select_n3A_342, %lt3A_348 : i32
      %ne3A_350 = arith.xori %lt3A_347, %lt3A_349 : i1
      %and3A_351 = arith.andi %ne3A_350, %ne3A_345 : i1
      %add3A_352 = arith.addi %rem3A_343, %select_n3A_342 : i32
      %select_n3A_353 = arith.select %and3A_351, %add3A_352, %rem3A_343 : i32
      %dma_start3A_354 = arith.constant 1 : i32
      %dma_start3A_355 = arith.constant 0 : i32
      %dma_start3A_356 = tpu.memref_slice %arg7[%select_n3A_353, %dma_start3A_355] : memref<8x64xi32, #tpu.memory_space<vmem>> -> memref<1x64xi32, #tpu.memory_space<vmem>>
      %dma_start3A_357 = tpu.memref_squeeze %dma_start3A_356 : memref<1x64xi32, #tpu.memory_space<vmem>> -> memref<64xi32, #tpu.memory_space<vmem>>
      %dma_start3A_358 = arith.constant 0 : i32
      %dma_start3A_359 = arith.constant 0 : i32
      %dma_start3A_360 = tpu.memref_slice %arg12[%dma_start3A_358, %dma_start3A_359] : memref<10128x128xf32, #tpu.memory_space<vmem_shared>> -> memref<10128x128xf32, #tpu.memory_space<vmem_shared>>
      %dma_start3A_361 = tpu.memref_slice %arg14[%dma_start3A_354] : memref<4x!tpu.dma_semaphore, #tpu.memory_space<semaphore_mem>> -> memref<1x!tpu.dma_semaphore, #tpu.memory_space<semaphore_mem>>
      %dma_start3A_362 = tpu.memref_squeeze %dma_start3A_361 : memref<1x!tpu.dma_semaphore, #tpu.memory_space<semaphore_mem>> -> memref<!tpu.dma_semaphore, #tpu.memory_space<semaphore_mem>>
      tpu.enqueue_indirect_dma source(%arg9 : memref<64x128xf32, #tpu.memory_space<vmem>>) target(%dma_start3A_360 : memref<10128x128xf32, #tpu.memory_space<vmem_shared>>) offsets(%dma_start3A_357 : memref<64xi32, #tpu.memory_space<vmem>>) semaphore(%dma_start3A_362 : memref<!tpu.dma_semaphore, #tpu.memory_space<semaphore_mem>>) {add = true}
      %add3A_363 = arith.constant 2 : i32
      %add3A_364 = arith.addi %mul3A_260, %add3A_363 : i32
      %jit3A_365 = arith.constant 8 : i32
      %eq3A_366 = arith.constant 0 : i32
      %eq3A_367 = arith.cmpi eq, %jit3A_365, %eq3A_366 : i32
      %jit3A_368 = arith.constant 1 : i32
      %select_n3A_369 = arith.select %eq3A_367, %jit3A_368, %jit3A_365 : i32
      %rem3A_370 = arith.remsi %add3A_364, %select_n3A_369 : i32
      %ne3A_371 = arith.constant 0 : i32
      %ne3A_372 = arith.cmpi ne, %rem3A_370, %ne3A_371 : i32
      %lt3A_373 = arith.constant 0 : i32
      %lt3A_374 = arith.cmpi slt, %rem3A_370, %lt3A_373 : i32
      %lt3A_375 = arith.constant 0 : i32
      %lt3A_376 = arith.cmpi slt, %select_n3A_369, %lt3A_375 : i32
      %ne3A_377 = arith.xori %lt3A_374, %lt3A_376 : i1
      %and3A_378 = arith.andi %ne3A_377, %ne3A_372 : i1
      %add3A_379 = arith.addi %rem3A_370, %select_n3A_369 : i32
      %select_n3A_380 = arith.select %and3A_378, %add3A_379, %rem3A_370 : i32
      %dma_wait3A_381 = arith.constant 2 : i32
      %dma_wait3A_382 = arith.constant 0 : i32
      %dma_wait3A_383 = tpu.memref_slice %arg6[%select_n3A_380, %dma_wait3A_382] : memref<8x64xi32, #tpu.memory_space<vmem>> -> memref<1x64xi32, #tpu.memory_space<vmem>>
      %dma_wait3A_384 = tpu.memref_squeeze %dma_wait3A_383 : memref<1x64xi32, #tpu.memory_space<vmem>> -> memref<64xi32, #tpu.memory_space<vmem>>
      %dma_wait3A_385 = arith.constant 0 : i32
      %dma_wait3A_386 = arith.constant 0 : i32
      %dma_wait3A_387 = tpu.memref_slice %arg2[%dma_wait3A_385, %dma_wait3A_386] : memref<10000x128xf32, #tpu.memory_space<hbm>> -> memref<10000x128xf32, #tpu.memory_space<hbm>>
      %dma_wait3A_388 = tpu.memref_slice %arg13[%dma_wait3A_381] : memref<4x!tpu.dma_semaphore, #tpu.memory_space<semaphore_mem>> -> memref<1x!tpu.dma_semaphore, #tpu.memory_space<semaphore_mem>>
      %dma_wait3A_389 = tpu.memref_squeeze %dma_wait3A_388 : memref<1x!tpu.dma_semaphore, #tpu.memory_space<semaphore_mem>> -> memref<!tpu.dma_semaphore, #tpu.memory_space<semaphore_mem>>
      tpu.wait_indirect_dma semaphore(%dma_wait3A_389 : memref<!tpu.dma_semaphore, #tpu.memory_space<semaphore_mem>>) src(%dma_wait3A_387 : memref<10000x128xf32, #tpu.memory_space<hbm>>) dst(%arg10 : memref<64x128xf32, #tpu.memory_space<vmem>>)
      %add3A_390 = arith.constant 2 : i32
      %add3A_391 = arith.addi %mul3A_260, %add3A_390 : i32
      %jit3A_392 = arith.constant 8 : i32
      %eq3A_393 = arith.constant 0 : i32
      %eq3A_394 = arith.cmpi eq, %jit3A_392, %eq3A_393 : i32
      %jit3A_395 = arith.constant 1 : i32
      %select_n3A_396 = arith.select %eq3A_394, %jit3A_395, %jit3A_392 : i32
      %rem3A_397 = arith.remsi %add3A_391, %select_n3A_396 : i32
      %ne3A_398 = arith.constant 0 : i32
      %ne3A_399 = arith.cmpi ne, %rem3A_397, %ne3A_398 : i32
      %lt3A_400 = arith.constant 0 : i32
      %lt3A_401 = arith.cmpi slt, %rem3A_397, %lt3A_400 : i32
      %lt3A_402 = arith.constant 0 : i32
      %lt3A_403 = arith.cmpi slt, %select_n3A_396, %lt3A_402 : i32
      %ne3A_404 = arith.xori %lt3A_401, %lt3A_403 : i1
      %and3A_405 = arith.andi %ne3A_404, %ne3A_399 : i1
      %add3A_406 = arith.addi %rem3A_397, %select_n3A_396 : i32
      %select_n3A_407 = arith.select %and3A_405, %add3A_406, %rem3A_397 : i32
      %dma_start3A_408 = arith.constant 2 : i32
      %dma_start3A_409 = arith.constant 0 : i32
      %dma_start3A_410 = tpu.memref_slice %arg7[%select_n3A_407, %dma_start3A_409] : memref<8x64xi32, #tpu.memory_space<vmem>> -> memref<1x64xi32, #tpu.memory_space<vmem>>
      %dma_start3A_411 = tpu.memref_squeeze %dma_start3A_410 : memref<1x64xi32, #tpu.memory_space<vmem>> -> memref<64xi32, #tpu.memory_space<vmem>>
      %dma_start3A_412 = arith.constant 0 : i32
      %dma_start3A_413 = arith.constant 0 : i32
      %dma_start3A_414 = tpu.memref_slice %arg12[%dma_start3A_412, %dma_start3A_413] : memref<10128x128xf32, #tpu.memory_space<vmem_shared>> -> memref<10128x128xf32, #tpu.memory_space<vmem_shared>>
      %dma_start3A_415 = tpu.memref_slice %arg14[%dma_start3A_408] : memref<4x!tpu.dma_semaphore, #tpu.memory_space<semaphore_mem>> -> memref<1x!tpu.dma_semaphore, #tpu.memory_space<semaphore_mem>>
      %dma_start3A_416 = tpu.memref_squeeze %dma_start3A_415 : memref<1x!tpu.dma_semaphore, #tpu.memory_space<semaphore_mem>> -> memref<!tpu.dma_semaphore, #tpu.memory_space<semaphore_mem>>
      tpu.enqueue_indirect_dma source(%arg10 : memref<64x128xf32, #tpu.memory_space<vmem>>) target(%dma_start3A_414 : memref<10128x128xf32, #tpu.memory_space<vmem_shared>>) offsets(%dma_start3A_411 : memref<64xi32, #tpu.memory_space<vmem>>) semaphore(%dma_start3A_416 : memref<!tpu.dma_semaphore, #tpu.memory_space<semaphore_mem>>) {add = true}
      %add3A_417 = arith.constant 3 : i32
      %add3A_418 = arith.addi %mul3A_260, %add3A_417 : i32
      %jit3A_419 = arith.constant 8 : i32
      %eq3A_420 = arith.constant 0 : i32
      %eq3A_421 = arith.cmpi eq, %jit3A_419, %eq3A_420 : i32
      %jit3A_422 = arith.constant 1 : i32
      %select_n3A_423 = arith.select %eq3A_421, %jit3A_422, %jit3A_419 : i32
      %rem3A_424 = arith.remsi %add3A_418, %select_n3A_423 : i32
      %ne3A_425 = arith.constant 0 : i32
      %ne3A_426 = arith.cmpi ne, %rem3A_424, %ne3A_425 : i32
      %lt3A_427 = arith.constant 0 : i32
      %lt3A_428 = arith.cmpi slt, %rem3A_424, %lt3A_427 : i32
      %lt3A_429 = arith.constant 0 : i32
      %lt3A_430 = arith.cmpi slt, %select_n3A_423, %lt3A_429 : i32
      %ne3A_431 = arith.xori %lt3A_428, %lt3A_430 : i1
      %and3A_432 = arith.andi %ne3A_431, %ne3A_426 : i1
      %add3A_433 = arith.addi %rem3A_424, %select_n3A_423 : i32
      %select_n3A_434 = arith.select %and3A_432, %add3A_433, %rem3A_424 : i32
      %dma_wait3A_435 = arith.constant 3 : i32
      %dma_wait3A_436 = arith.constant 0 : i32
      %dma_wait3A_437 = tpu.memref_slice %arg6[%select_n3A_434, %dma_wait3A_436] : memref<8x64xi32, #tpu.memory_space<vmem>> -> memref<1x64xi32, #tpu.memory_space<vmem>>
      %dma_wait3A_438 = tpu.memref_squeeze %dma_wait3A_437 : memref<1x64xi32, #tpu.memory_space<vmem>> -> memref<64xi32, #tpu.memory_space<vmem>>
      %dma_wait3A_439 = arith.constant 0 : i32
      %dma_wait3A_440 = arith.constant 0 : i32
      %dma_wait3A_441 = tpu.memref_slice %arg2[%dma_wait3A_439, %dma_wait3A_440] : memref<10000x128xf32, #tpu.memory_space<hbm>> -> memref<10000x128xf32, #tpu.memory_space<hbm>>
      %dma_wait3A_442 = tpu.memref_slice %arg13[%dma_wait3A_435] : memref<4x!tpu.dma_semaphore, #tpu.memory_space<semaphore_mem>> -> memref<1x!tpu.dma_semaphore, #tpu.memory_space<semaphore_mem>>
      %dma_wait3A_443 = tpu.memref_squeeze %dma_wait3A_442 : memref<1x!tpu.dma_semaphore, #tpu.memory_space<semaphore_mem>> -> memref<!tpu.dma_semaphore, #tpu.memory_space<semaphore_mem>>
      tpu.wait_indirect_dma semaphore(%dma_wait3A_443 : memref<!tpu.dma_semaphore, #tpu.memory_space<semaphore_mem>>) src(%dma_wait3A_441 : memref<10000x128xf32, #tpu.memory_space<hbm>>) dst(%arg11 : memref<64x128xf32, #tpu.memory_space<vmem>>)
      %add3A_444 = arith.constant 3 : i32
      %add3A_445 = arith.addi %mul3A_260, %add3A_444 : i32
      %jit3A_446 = arith.constant 8 : i32
      %eq3A_447 = arith.constant 0 : i32
      %eq3A_448 = arith.cmpi eq, %jit3A_446, %eq3A_447 : i32
      %jit3A_449 = arith.constant 1 : i32
      %select_n3A_450 = arith.select %eq3A_448, %jit3A_449, %jit3A_446 : i32
      %rem3A_451 = arith.remsi %add3A_445, %select_n3A_450 : i32
      %ne3A_452 = arith.constant 0 : i32
      %ne3A_453 = arith.cmpi ne, %rem3A_451, %ne3A_452 : i32
      %lt3A_454 = arith.constant 0 : i32
      %lt3A_455 = arith.cmpi slt, %rem3A_451, %lt3A_454 : i32
      %lt3A_456 = arith.constant 0 : i32
      %lt3A_457 = arith.cmpi slt, %select_n3A_450, %lt3A_456 : i32
      %ne3A_458 = arith.xori %lt3A_455, %lt3A_457 : i1
      %and3A_459 = arith.andi %ne3A_458, %ne3A_453 : i1
      %add3A_460 = arith.addi %rem3A_451, %select_n3A_450 : i32
      %select_n3A_461 = arith.select %and3A_459, %add3A_460, %rem3A_451 : i32
      %dma_start3A_462 = arith.constant 3 : i32
      %dma_start3A_463 = arith.constant 0 : i32
      %dma_start3A_464 = tpu.memref_slice %arg7[%select_n3A_461, %dma_start3A_463] : memref<8x64xi32, #tpu.memory_space<vmem>> -> memref<1x64xi32, #tpu.memory_space<vmem>>
      %dma_start3A_465 = tpu.memref_squeeze %dma_start3A_464 : memref<1x64xi32, #tpu.memory_space<vmem>> -> memref<64xi32, #tpu.memory_space<vmem>>
      %dma_start3A_466 = arith.constant 0 : i32
      %dma_start3A_467 = arith.constant 0 : i32
      %dma_start3A_468 = tpu.memref_slice %arg12[%dma_start3A_466, %dma_start3A_467] : memref<10128x128xf32, #tpu.memory_space<vmem_shared>> -> memref<10128x128xf32, #tpu.memory_space<vmem_shared>>
      %dma_start3A_469 = tpu.memref_slice %arg14[%dma_start3A_462] : memref<4x!tpu.dma_semaphore, #tpu.memory_space<semaphore_mem>> -> memref<1x!tpu.dma_semaphore, #tpu.memory_space<semaphore_mem>>
      %dma_start3A_470 = tpu.memref_squeeze %dma_start3A_469 : memref<1x!tpu.dma_semaphore, #tpu.memory_space<semaphore_mem>> -> memref<!tpu.dma_semaphore, #tpu.memory_space<semaphore_mem>>
      tpu.enqueue_indirect_dma source(%arg11 : memref<64x128xf32, #tpu.memory_space<vmem>>) target(%dma_start3A_468 : memref<10128x128xf32, #tpu.memory_space<vmem_shared>>) offsets(%dma_start3A_465 : memref<64xi32, #tpu.memory_space<vmem>>) semaphore(%dma_start3A_470 : memref<!tpu.dma_semaphore, #tpu.memory_space<semaphore_mem>>) {add = true}
      %dma_wait3A_471 = arith.constant 0 : i32
      %dma_wait3A_472 = arith.constant 0 : i32
      %dma_wait3A_473 = tpu.memref_slice %arg7[%select_n3A_299, %dma_wait3A_472] : memref<8x64xi32, #tpu.memory_space<vmem>> -> memref<1x64xi32, #tpu.memory_space<vmem>>
      %dma_wait3A_474 = tpu.memref_squeeze %dma_wait3A_473 : memref<1x64xi32, #tpu.memory_space<vmem>> -> memref<64xi32, #tpu.memory_space<vmem>>
      %dma_wait3A_475 = arith.constant 0 : i32
      %dma_wait3A_476 = arith.constant 0 : i32
      %dma_wait3A_477 = tpu.memref_slice %arg12[%dma_wait3A_475, %dma_wait3A_476] : memref<10128x128xf32, #tpu.memory_space<vmem_shared>> -> memref<10128x128xf32, #tpu.memory_space<vmem_shared>>
      %dma_wait3A_478 = tpu.memref_slice %arg14[%dma_wait3A_471] : memref<4x!tpu.dma_semaphore, #tpu.memory_space<semaphore_mem>> -> memref<1x!tpu.dma_semaphore, #tpu.memory_space<semaphore_mem>>
      %dma_wait3A_479 = tpu.memref_squeeze %dma_wait3A_478 : memref<1x!tpu.dma_semaphore, #tpu.memory_space<semaphore_mem>> -> memref<!tpu.dma_semaphore, #tpu.memory_space<semaphore_mem>>
      tpu.wait_indirect_dma semaphore(%dma_wait3A_479 : memref<!tpu.dma_semaphore, #tpu.memory_space<semaphore_mem>>) src(%arg8 : memref<64x128xf32, #tpu.memory_space<vmem>>) dst(%dma_wait3A_477 : memref<10128x128xf32, #tpu.memory_space<vmem_shared>>)
      %add3A_480 = arith.constant 0 : i32
      %add3A_481 = arith.addi %mul3A_260, %add3A_480 : i32
      %add3A_482 = arith.constant 8 : i32
      %add3A_483 = arith.addi %add3A_481, %add3A_482 : i32
      %lt3A_484 = arith.constant 157 : i32
      %lt3A_485 = arith.cmpi slt, %add3A_483, %lt3A_484 : i32
      %convert_element_type3A_486 = arith.extui %lt3A_485 : i1 to i32
      %cond3A_487 = arith.constant 0 : i32
      %cond3A_488 = arith.cmpi ne, %convert_element_type3A_486, %cond3A_487 : i32
      scf.if %cond3A_488 {
        %add3A_580 = arith.constant 0 : i32
        %add3A_581 = arith.addi %mul3A_260, %add3A_580 : i32
        %add3A_582 = arith.constant 8 : i32
        %add3A_583 = arith.addi %add3A_581, %add3A_582 : i32
        %jit3A_584 = arith.constant 8 : i32
        %eq3A_585 = arith.constant 0 : i32
        %eq3A_586 = arith.cmpi eq, %jit3A_584, %eq3A_585 : i32
        %jit3A_587 = arith.constant 1 : i32
        %select_n3A_588 = arith.select %eq3A_586, %jit3A_587, %jit3A_584 : i32
        %rem3A_589 = arith.remsi %add3A_583, %select_n3A_588 : i32
        %ne3A_590 = arith.constant 0 : i32
        %ne3A_591 = arith.cmpi ne, %rem3A_589, %ne3A_590 : i32
        %lt3A_592 = arith.constant 0 : i32
        %lt3A_593 = arith.cmpi slt, %rem3A_589, %lt3A_592 : i32
        %lt3A_594 = arith.constant 0 : i32
        %lt3A_595 = arith.cmpi slt, %select_n3A_588, %lt3A_594 : i32
        %ne3A_596 = arith.xori %lt3A_593, %lt3A_595 : i1
        %and3A_597 = arith.andi %ne3A_596, %ne3A_591 : i1
        %add3A_598 = arith.addi %rem3A_589, %select_n3A_588 : i32
        %select_n3A_599 = arith.select %and3A_597, %add3A_598, %rem3A_589 : i32
        %mul3A_600 = arith.constant 64 : i32
        %mul3A_601 = arith.muli %add3A_583, %mul3A_600 : i32
        %add3A_602 = arith.addi %mul3A_55, %mul3A_601 : i32
        %dma_start3A_603 = arith.constant 0 : i32
        %dma_start3A_604 = tpu.memref_slice %arg6[%select_n3A_599, %dma_start3A_603] : memref<8x64xi32, #tpu.memory_space<vmem>> -> memref<1x64xi32, #tpu.memory_space<vmem>>
        %dma_start3A_605 = tpu.memref_squeeze %dma_start3A_604 : memref<1x64xi32, #tpu.memory_space<vmem>> -> memref<64xi32, #tpu.memory_space<vmem>>
        %dma_start3A_606 = tpu.memref_slice %arg3[%add3A_602] : memref<321536xi32, #tpu.memory_space<hbm>> -> memref<64xi32, #tpu.memory_space<hbm>>
        %dma_start3A_607 = tpu.memref_slice %arg15[%select_n3A_599] : memref<8x!tpu.dma_semaphore, #tpu.memory_space<semaphore_mem>> -> memref<1x!tpu.dma_semaphore, #tpu.memory_space<semaphore_mem>>
        %dma_start3A_608 = tpu.memref_squeeze %dma_start3A_607 : memref<1x!tpu.dma_semaphore, #tpu.memory_space<semaphore_mem>> -> memref<!tpu.dma_semaphore, #tpu.memory_space<semaphore_mem>>
        %dma_start3A_609 = arith.constant 0 : i32
        %dma_start3A_610 = tpu.memref_slice %arg6[%select_n3A_599, %dma_start3A_609] : memref<8x64xi32, #tpu.memory_space<vmem>> -> memref<1x64xi32, #tpu.memory_space<vmem>>
        %dma_start3A_611 = tpu.memref_squeeze %dma_start3A_610 : memref<1x64xi32, #tpu.memory_space<vmem>> -> memref<64xi32, #tpu.memory_space<vmem>>
        %dma_start3A_612 = tpu.memref_slice %arg3[%add3A_602] : memref<321536xi32, #tpu.memory_space<hbm>> -> memref<64xi32, #tpu.memory_space<hbm>>
        tpu.enqueue_dma source(%dma_start3A_612 : memref<64xi32, #tpu.memory_space<hbm>>) target(%dma_start3A_611 : memref<64xi32, #tpu.memory_space<vmem>>) target_semaphore(%dma_start3A_608 : memref<!tpu.dma_semaphore, #tpu.memory_space<semaphore_mem>>)
        %mul3A_613 = arith.constant 64 : i32
        %mul3A_614 = arith.muli %add3A_583, %mul3A_613 : i32
        %add3A_615 = arith.addi %mul3A_55, %mul3A_614 : i32
        %dma_start3A_616 = arith.constant 0 : i32
        %dma_start3A_617 = tpu.memref_slice %arg7[%select_n3A_599, %dma_start3A_616] : memref<8x64xi32, #tpu.memory_space<vmem>> -> memref<1x64xi32, #tpu.memory_space<vmem>>
        %dma_start3A_618 = tpu.memref_squeeze %dma_start3A_617 : memref<1x64xi32, #tpu.memory_space<vmem>> -> memref<64xi32, #tpu.memory_space<vmem>>
        %dma_start3A_619 = tpu.memref_slice %arg4[%add3A_615] : memref<321536xi32, #tpu.memory_space<hbm>> -> memref<64xi32, #tpu.memory_space<hbm>>
        %dma_start3A_620 = tpu.memref_slice %arg15[%select_n3A_599] : memref<8x!tpu.dma_semaphore, #tpu.memory_space<semaphore_mem>> -> memref<1x!tpu.dma_semaphore, #tpu.memory_space<semaphore_mem>>
        %dma_start3A_621 = tpu.memref_squeeze %dma_start3A_620 : memref<1x!tpu.dma_semaphore, #tpu.memory_space<semaphore_mem>> -> memref<!tpu.dma_semaphore, #tpu.memory_space<semaphore_mem>>
        %dma_start3A_622 = arith.constant 0 : i32
        %dma_start3A_623 = tpu.memref_slice %arg7[%select_n3A_599, %dma_start3A_622] : memref<8x64xi32, #tpu.memory_space<vmem>> -> memref<1x64xi32, #tpu.memory_space<vmem>>
        %dma_start3A_624 = tpu.memref_squeeze %dma_start3A_623 : memref<1x64xi32, #tpu.memory_space<vmem>> -> memref<64xi32, #tpu.memory_space<vmem>>
        %dma_start3A_625 = tpu.memref_slice %arg4[%add3A_615] : memref<321536xi32, #tpu.memory_space<hbm>> -> memref<64xi32, #tpu.memory_space<hbm>>
        tpu.enqueue_dma source(%dma_start3A_625 : memref<64xi32, #tpu.memory_space<hbm>>) target(%dma_start3A_624 : memref<64xi32, #tpu.memory_space<vmem>>) target_semaphore(%dma_start3A_621 : memref<!tpu.dma_semaphore, #tpu.memory_space<semaphore_mem>>)
      } else {
      }
      %add3A_489 = arith.constant 0 : i32
      %add3A_490 = arith.addi %mul3A_260, %add3A_489 : i32
      %add3A_491 = arith.constant 4 : i32
      %add3A_492 = arith.addi %add3A_490, %add3A_491 : i32
      %lt3A_493 = arith.constant 157 : i32
      %lt3A_494 = arith.cmpi slt, %add3A_492, %lt3A_493 : i32
      %convert_element_type3A_495 = arith.extui %lt3A_494 : i1 to i32
      %cond3A_496 = arith.constant 0 : i32
      %cond3A_497 = arith.cmpi ne, %convert_element_type3A_495, %cond3A_496 : i32
      scf.if %cond3A_497 {
        %add3A_580 = arith.constant 0 : i32
        %add3A_581 = arith.addi %mul3A_260, %add3A_580 : i32
        %add3A_582 = arith.constant 4 : i32
        %add3A_583 = arith.addi %add3A_581, %add3A_582 : i32
        %jit3A_584 = arith.constant 8 : i32
        %eq3A_585 = arith.constant 0 : i32
        %eq3A_586 = arith.cmpi eq, %jit3A_584, %eq3A_585 : i32
        %jit3A_587 = arith.constant 1 : i32
        %select_n3A_588 = arith.select %eq3A_586, %jit3A_587, %jit3A_584 : i32
        %rem3A_589 = arith.remsi %add3A_583, %select_n3A_588 : i32
        %ne3A_590 = arith.constant 0 : i32
        %ne3A_591 = arith.cmpi ne, %rem3A_589, %ne3A_590 : i32
        %lt3A_592 = arith.constant 0 : i32
        %lt3A_593 = arith.cmpi slt, %rem3A_589, %lt3A_592 : i32
        %lt3A_594 = arith.constant 0 : i32
        %lt3A_595 = arith.cmpi slt, %select_n3A_588, %lt3A_594 : i32
        %ne3A_596 = arith.xori %lt3A_593, %lt3A_595 : i1
        %and3A_597 = arith.andi %ne3A_596, %ne3A_591 : i1
        %add3A_598 = arith.addi %rem3A_589, %select_n3A_588 : i32
        %select_n3A_599 = arith.select %and3A_597, %add3A_598, %rem3A_589 : i32
        %mul3A_600 = arith.constant 64 : i32
        %mul3A_601 = arith.muli %add3A_583, %mul3A_600 : i32
        %add3A_602 = arith.addi %mul3A_55, %mul3A_601 : i32
        %dma_wait3A_603 = arith.constant 0 : i32
        %dma_wait3A_604 = tpu.memref_slice %arg6[%select_n3A_599, %dma_wait3A_603] : memref<8x64xi32, #tpu.memory_space<vmem>> -> memref<1x64xi32, #tpu.memory_space<vmem>>
        %dma_wait3A_605 = tpu.memref_squeeze %dma_wait3A_604 : memref<1x64xi32, #tpu.memory_space<vmem>> -> memref<64xi32, #tpu.memory_space<vmem>>
        %dma_wait3A_606 = tpu.memref_slice %arg3[%add3A_602] : memref<321536xi32, #tpu.memory_space<hbm>> -> memref<64xi32, #tpu.memory_space<hbm>>
        %dma_wait3A_607 = tpu.memref_slice %arg15[%select_n3A_599] : memref<8x!tpu.dma_semaphore, #tpu.memory_space<semaphore_mem>> -> memref<1x!tpu.dma_semaphore, #tpu.memory_space<semaphore_mem>>
        %dma_wait3A_608 = tpu.memref_squeeze %dma_wait3A_607 : memref<1x!tpu.dma_semaphore, #tpu.memory_space<semaphore_mem>> -> memref<!tpu.dma_semaphore, #tpu.memory_space<semaphore_mem>>
        %dma_wait3A_609 = arith.constant 0 : i32
        %dma_wait3A_610 = tpu.memref_slice %arg6[%select_n3A_599, %dma_wait3A_609] : memref<8x64xi32, #tpu.memory_space<vmem>> -> memref<1x64xi32, #tpu.memory_space<vmem>>
        %dma_wait3A_611 = tpu.memref_squeeze %dma_wait3A_610 : memref<1x64xi32, #tpu.memory_space<vmem>> -> memref<64xi32, #tpu.memory_space<vmem>>
        %dma_wait3A_612 = tpu.memref_slice %arg3[%add3A_602] : memref<321536xi32, #tpu.memory_space<hbm>> -> memref<64xi32, #tpu.memory_space<hbm>>
        tpu.wait_dma2 semaphore(%dma_wait3A_608 : memref<!tpu.dma_semaphore, #tpu.memory_space<semaphore_mem>>) src(%dma_wait3A_612 : memref<64xi32, #tpu.memory_space<hbm>>) dst(%dma_wait3A_611 : memref<64xi32, #tpu.memory_space<vmem>>)
        %mul3A_613 = arith.constant 64 : i32
        %mul3A_614 = arith.muli %add3A_583, %mul3A_613 : i32
        %add3A_615 = arith.addi %mul3A_55, %mul3A_614 : i32
        %dma_wait3A_616 = arith.constant 0 : i32
        %dma_wait3A_617 = tpu.memref_slice %arg7[%select_n3A_599, %dma_wait3A_616] : memref<8x64xi32, #tpu.memory_space<vmem>> -> memref<1x64xi32, #tpu.memory_space<vmem>>
        %dma_wait3A_618 = tpu.memref_squeeze %dma_wait3A_617 : memref<1x64xi32, #tpu.memory_space<vmem>> -> memref<64xi32, #tpu.memory_space<vmem>>
        %dma_wait3A_619 = tpu.memref_slice %arg4[%add3A_615] : memref<321536xi32, #tpu.memory_space<hbm>> -> memref<64xi32, #tpu.memory_space<hbm>>
        %dma_wait3A_620 = tpu.memref_slice %arg15[%select_n3A_599] : memref<8x!tpu.dma_semaphore, #tpu.memory_space<semaphore_mem>> -> memref<1x!tpu.dma_semaphore, #tpu.memory_space<semaphore_mem>>
        %dma_wait3A_621 = tpu.memref_squeeze %dma_wait3A_620 : memref<1x!tpu.dma_semaphore, #tpu.memory_space<semaphore_mem>> -> memref<!tpu.dma_semaphore, #tpu.memory_space<semaphore_mem>>
        %dma_wait3A_622 = arith.constant 0 : i32
        %dma_wait3A_623 = tpu.memref_slice %arg7[%select_n3A_599, %dma_wait3A_622] : memref<8x64xi32, #tpu.memory_space<vmem>> -> memref<1x64xi32, #tpu.memory_space<vmem>>
        %dma_wait3A_624 = tpu.memref_squeeze %dma_wait3A_623 : memref<1x64xi32, #tpu.memory_space<vmem>> -> memref<64xi32, #tpu.memory_space<vmem>>
        %dma_wait3A_625 = tpu.memref_slice %arg4[%add3A_615] : memref<321536xi32, #tpu.memory_space<hbm>> -> memref<64xi32, #tpu.memory_space<hbm>>
        tpu.wait_dma2 semaphore(%dma_wait3A_621 : memref<!tpu.dma_semaphore, #tpu.memory_space<semaphore_mem>>) src(%dma_wait3A_625 : memref<64xi32, #tpu.memory_space<hbm>>) dst(%dma_wait3A_624 : memref<64xi32, #tpu.memory_space<vmem>>)
        %add3A_626 = arith.constant 0 : i32
        %add3A_627 = arith.addi %mul3A_260, %add3A_626 : i32
        %add3A_628 = arith.constant 4 : i32
        %add3A_629 = arith.addi %add3A_627, %add3A_628 : i32
        %jit3A_630 = arith.constant 8 : i32
        %eq3A_631 = arith.constant 0 : i32
        %eq3A_632 = arith.cmpi eq, %jit3A_630, %eq3A_631 : i32
        %jit3A_633 = arith.constant 1 : i32
        %select_n3A_634 = arith.select %eq3A_632, %jit3A_633, %jit3A_630 : i32
        %rem3A_635 = arith.remsi %add3A_629, %select_n3A_634 : i32
        %ne3A_636 = arith.constant 0 : i32
        %ne3A_637 = arith.cmpi ne, %rem3A_635, %ne3A_636 : i32
        %lt3A_638 = arith.constant 0 : i32
        %lt3A_639 = arith.cmpi slt, %rem3A_635, %lt3A_638 : i32
        %lt3A_640 = arith.constant 0 : i32
        %lt3A_641 = arith.cmpi slt, %select_n3A_634, %lt3A_640 : i32
        %ne3A_642 = arith.xori %lt3A_639, %lt3A_641 : i1
        %and3A_643 = arith.andi %ne3A_642, %ne3A_637 : i1
        %add3A_644 = arith.addi %rem3A_635, %select_n3A_634 : i32
        %select_n3A_645 = arith.select %and3A_643, %add3A_644, %rem3A_635 : i32
        %dma_start3A_646 = arith.constant 0 : i32
        %dma_start3A_647 = arith.constant 0 : i32
        %dma_start3A_648 = tpu.memref_slice %arg6[%select_n3A_645, %dma_start3A_647] : memref<8x64xi32, #tpu.memory_space<vmem>> -> memref<1x64xi32, #tpu.memory_space<vmem>>
        %dma_start3A_649 = tpu.memref_squeeze %dma_start3A_648 : memref<1x64xi32, #tpu.memory_space<vmem>> -> memref<64xi32, #tpu.memory_space<vmem>>
        %dma_start3A_650 = arith.constant 0 : i32
        %dma_start3A_651 = arith.constant 0 : i32
        %dma_start3A_652 = tpu.memref_slice %arg2[%dma_start3A_650, %dma_start3A_651] : memref<10000x128xf32, #tpu.memory_space<hbm>> -> memref<10000x128xf32, #tpu.memory_space<hbm>>
        %dma_start3A_653 = tpu.memref_slice %arg13[%dma_start3A_646] : memref<4x!tpu.dma_semaphore, #tpu.memory_space<semaphore_mem>> -> memref<1x!tpu.dma_semaphore, #tpu.memory_space<semaphore_mem>>
        %dma_start3A_654 = tpu.memref_squeeze %dma_start3A_653 : memref<1x!tpu.dma_semaphore, #tpu.memory_space<semaphore_mem>> -> memref<!tpu.dma_semaphore, #tpu.memory_space<semaphore_mem>>
        tpu.enqueue_indirect_dma source(%dma_start3A_652 : memref<10000x128xf32, #tpu.memory_space<hbm>>) target(%arg8 : memref<64x128xf32, #tpu.memory_space<vmem>>) offsets(%dma_start3A_649 : memref<64xi32, #tpu.memory_space<vmem>>) semaphore(%dma_start3A_654 : memref<!tpu.dma_semaphore, #tpu.memory_space<semaphore_mem>>)
      } else {
      }
      %dma_wait3A_498 = arith.constant 1 : i32
      %dma_wait3A_499 = arith.constant 0 : i32
      %dma_wait3A_500 = tpu.memref_slice %arg7[%select_n3A_353, %dma_wait3A_499] : memref<8x64xi32, #tpu.memory_space<vmem>> -> memref<1x64xi32, #tpu.memory_space<vmem>>
      %dma_wait3A_501 = tpu.memref_squeeze %dma_wait3A_500 : memref<1x64xi32, #tpu.memory_space<vmem>> -> memref<64xi32, #tpu.memory_space<vmem>>
      %dma_wait3A_502 = arith.constant 0 : i32
      %dma_wait3A_503 = arith.constant 0 : i32
      %dma_wait3A_504 = tpu.memref_slice %arg12[%dma_wait3A_502, %dma_wait3A_503] : memref<10128x128xf32, #tpu.memory_space<vmem_shared>> -> memref<10128x128xf32, #tpu.memory_space<vmem_shared>>
      %dma_wait3A_505 = tpu.memref_slice %arg14[%dma_wait3A_498] : memref<4x!tpu.dma_semaphore, #tpu.memory_space<semaphore_mem>> -> memref<1x!tpu.dma_semaphore, #tpu.memory_space<semaphore_mem>>
      %dma_wait3A_506 = tpu.memref_squeeze %dma_wait3A_505 : memref<1x!tpu.dma_semaphore, #tpu.memory_space<semaphore_mem>> -> memref<!tpu.dma_semaphore, #tpu.memory_space<semaphore_mem>>
      tpu.wait_indirect_dma semaphore(%dma_wait3A_506 : memref<!tpu.dma_semaphore, #tpu.memory_space<semaphore_mem>>) src(%arg9 : memref<64x128xf32, #tpu.memory_space<vmem>>) dst(%dma_wait3A_504 : memref<10128x128xf32, #tpu.memory_space<vmem_shared>>)
      %add3A_507 = arith.constant 1 : i32
      %add3A_508 = arith.addi %mul3A_260, %add3A_507 : i32
      %add3A_509 = arith.constant 8 : i32
      %add3A_510 = arith.addi %add3A_508, %add3A_509 : i32
      %lt3A_511 = arith.constant 157 : i32
      %lt3A_512 = arith.cmpi slt, %add3A_510, %lt3A_511 : i32
      %convert_element_type3A_513 = arith.extui %lt3A_512 : i1 to i32
      %cond3A_514 = arith.constant 0 : i32
      %cond3A_515 = arith.cmpi ne, %convert_element_type3A_513, %cond3A_514 : i32
      scf.if %cond3A_515 {
        %add3A_580 = arith.constant 1 : i32
        %add3A_581 = arith.addi %mul3A_260, %add3A_580 : i32
        %add3A_582 = arith.constant 8 : i32
        %add3A_583 = arith.addi %add3A_581, %add3A_582 : i32
        %jit3A_584 = arith.constant 8 : i32
        %eq3A_585 = arith.constant 0 : i32
        %eq3A_586 = arith.cmpi eq, %jit3A_584, %eq3A_585 : i32
        %jit3A_587 = arith.constant 1 : i32
        %select_n3A_588 = arith.select %eq3A_586, %jit3A_587, %jit3A_584 : i32
        %rem3A_589 = arith.remsi %add3A_583, %select_n3A_588 : i32
        %ne3A_590 = arith.constant 0 : i32
        %ne3A_591 = arith.cmpi ne, %rem3A_589, %ne3A_590 : i32
        %lt3A_592 = arith.constant 0 : i32
        %lt3A_593 = arith.cmpi slt, %rem3A_589, %lt3A_592 : i32
        %lt3A_594 = arith.constant 0 : i32
        %lt3A_595 = arith.cmpi slt, %select_n3A_588, %lt3A_594 : i32
        %ne3A_596 = arith.xori %lt3A_593, %lt3A_595 : i1
        %and3A_597 = arith.andi %ne3A_596, %ne3A_591 : i1
        %add3A_598 = arith.addi %rem3A_589, %select_n3A_588 : i32
        %select_n3A_599 = arith.select %and3A_597, %add3A_598, %rem3A_589 : i32
        %mul3A_600 = arith.constant 64 : i32
        %mul3A_601 = arith.muli %add3A_583, %mul3A_600 : i32
        %add3A_602 = arith.addi %mul3A_55, %mul3A_601 : i32
        %dma_start3A_603 = arith.constant 0 : i32
        %dma_start3A_604 = tpu.memref_slice %arg6[%select_n3A_599, %dma_start3A_603] : memref<8x64xi32, #tpu.memory_space<vmem>> -> memref<1x64xi32, #tpu.memory_space<vmem>>
        %dma_start3A_605 = tpu.memref_squeeze %dma_start3A_604 : memref<1x64xi32, #tpu.memory_space<vmem>> -> memref<64xi32, #tpu.memory_space<vmem>>
        %dma_start3A_606 = tpu.memref_slice %arg3[%add3A_602] : memref<321536xi32, #tpu.memory_space<hbm>> -> memref<64xi32, #tpu.memory_space<hbm>>
        %dma_start3A_607 = tpu.memref_slice %arg15[%select_n3A_599] : memref<8x!tpu.dma_semaphore, #tpu.memory_space<semaphore_mem>> -> memref<1x!tpu.dma_semaphore, #tpu.memory_space<semaphore_mem>>
        %dma_start3A_608 = tpu.memref_squeeze %dma_start3A_607 : memref<1x!tpu.dma_semaphore, #tpu.memory_space<semaphore_mem>> -> memref<!tpu.dma_semaphore, #tpu.memory_space<semaphore_mem>>
        %dma_start3A_609 = arith.constant 0 : i32
        %dma_start3A_610 = tpu.memref_slice %arg6[%select_n3A_599, %dma_start3A_609] : memref<8x64xi32, #tpu.memory_space<vmem>> -> memref<1x64xi32, #tpu.memory_space<vmem>>
        %dma_start3A_611 = tpu.memref_squeeze %dma_start3A_610 : memref<1x64xi32, #tpu.memory_space<vmem>> -> memref<64xi32, #tpu.memory_space<vmem>>
        %dma_start3A_612 = tpu.memref_slice %arg3[%add3A_602] : memref<321536xi32, #tpu.memory_space<hbm>> -> memref<64xi32, #tpu.memory_space<hbm>>
        tpu.enqueue_dma source(%dma_start3A_612 : memref<64xi32, #tpu.memory_space<hbm>>) target(%dma_start3A_611 : memref<64xi32, #tpu.memory_space<vmem>>) target_semaphore(%dma_start3A_608 : memref<!tpu.dma_semaphore, #tpu.memory_space<semaphore_mem>>)
        %mul3A_613 = arith.constant 64 : i32
        %mul3A_614 = arith.muli %add3A_583, %mul3A_613 : i32
        %add3A_615 = arith.addi %mul3A_55, %mul3A_614 : i32
        %dma_start3A_616 = arith.constant 0 : i32
        %dma_start3A_617 = tpu.memref_slice %arg7[%select_n3A_599, %dma_start3A_616] : memref<8x64xi32, #tpu.memory_space<vmem>> -> memref<1x64xi32, #tpu.memory_space<vmem>>
        %dma_start3A_618 = tpu.memref_squeeze %dma_start3A_617 : memref<1x64xi32, #tpu.memory_space<vmem>> -> memref<64xi32, #tpu.memory_space<vmem>>
        %dma_start3A_619 = tpu.memref_slice %arg4[%add3A_615] : memref<321536xi32, #tpu.memory_space<hbm>> -> memref<64xi32, #tpu.memory_space<hbm>>
        %dma_start3A_620 = tpu.memref_slice %arg15[%select_n3A_599] : memref<8x!tpu.dma_semaphore, #tpu.memory_space<semaphore_mem>> -> memref<1x!tpu.dma_semaphore, #tpu.memory_space<semaphore_mem>>
        %dma_start3A_621 = tpu.memref_squeeze %dma_start3A_620 : memref<1x!tpu.dma_semaphore, #tpu.memory_space<semaphore_mem>> -> memref<!tpu.dma_semaphore, #tpu.memory_space<semaphore_mem>>
        %dma_start3A_622 = arith.constant 0 : i32
        %dma_start3A_623 = tpu.memref_slice %arg7[%select_n3A_599, %dma_start3A_622] : memref<8x64xi32, #tpu.memory_space<vmem>> -> memref<1x64xi32, #tpu.memory_space<vmem>>
        %dma_start3A_624 = tpu.memref_squeeze %dma_start3A_623 : memref<1x64xi32, #tpu.memory_space<vmem>> -> memref<64xi32, #tpu.memory_space<vmem>>
        %dma_start3A_625 = tpu.memref_slice %arg4[%add3A_615] : memref<321536xi32, #tpu.memory_space<hbm>> -> memref<64xi32, #tpu.memory_space<hbm>>
        tpu.enqueue_dma source(%dma_start3A_625 : memref<64xi32, #tpu.memory_space<hbm>>) target(%dma_start3A_624 : memref<64xi32, #tpu.memory_space<vmem>>) target_semaphore(%dma_start3A_621 : memref<!tpu.dma_semaphore, #tpu.memory_space<semaphore_mem>>)
      } else {
      }
      %add3A_516 = arith.constant 1 : i32
      %add3A_517 = arith.addi %mul3A_260, %add3A_516 : i32
      %add3A_518 = arith.constant 4 : i32
      %add3A_519 = arith.addi %add3A_517, %add3A_518 : i32
      %lt3A_520 = arith.constant 157 : i32
      %lt3A_521 = arith.cmpi slt, %add3A_519, %lt3A_520 : i32
      %convert_element_type3A_522 = arith.extui %lt3A_521 : i1 to i32
      %cond3A_523 = arith.constant 0 : i32
      %cond3A_524 = arith.cmpi ne, %convert_element_type3A_522, %cond3A_523 : i32
      scf.if %cond3A_524 {
        %add3A_580 = arith.constant 1 : i32
        %add3A_581 = arith.addi %mul3A_260, %add3A_580 : i32
        %add3A_582 = arith.constant 4 : i32
        %add3A_583 = arith.addi %add3A_581, %add3A_582 : i32
        %jit3A_584 = arith.constant 8 : i32
        %eq3A_585 = arith.constant 0 : i32
        %eq3A_586 = arith.cmpi eq, %jit3A_584, %eq3A_585 : i32
        %jit3A_587 = arith.constant 1 : i32
        %select_n3A_588 = arith.select %eq3A_586, %jit3A_587, %jit3A_584 : i32
        %rem3A_589 = arith.remsi %add3A_583, %select_n3A_588 : i32
        %ne3A_590 = arith.constant 0 : i32
        %ne3A_591 = arith.cmpi ne, %rem3A_589, %ne3A_590 : i32
        %lt3A_592 = arith.constant 0 : i32
        %lt3A_593 = arith.cmpi slt, %rem3A_589, %lt3A_592 : i32
        %lt3A_594 = arith.constant 0 : i32
        %lt3A_595 = arith.cmpi slt, %select_n3A_588, %lt3A_594 : i32
        %ne3A_596 = arith.xori %lt3A_593, %lt3A_595 : i1
        %and3A_597 = arith.andi %ne3A_596, %ne3A_591 : i1
        %add3A_598 = arith.addi %rem3A_589, %select_n3A_588 : i32
        %select_n3A_599 = arith.select %and3A_597, %add3A_598, %rem3A_589 : i32
        %mul3A_600 = arith.constant 64 : i32
        %mul3A_601 = arith.muli %add3A_583, %mul3A_600 : i32
        %add3A_602 = arith.addi %mul3A_55, %mul3A_601 : i32
        %dma_wait3A_603 = arith.constant 0 : i32
        %dma_wait3A_604 = tpu.memref_slice %arg6[%select_n3A_599, %dma_wait3A_603] : memref<8x64xi32, #tpu.memory_space<vmem>> -> memref<1x64xi32, #tpu.memory_space<vmem>>
        %dma_wait3A_605 = tpu.memref_squeeze %dma_wait3A_604 : memref<1x64xi32, #tpu.memory_space<vmem>> -> memref<64xi32, #tpu.memory_space<vmem>>
        %dma_wait3A_606 = tpu.memref_slice %arg3[%add3A_602] : memref<321536xi32, #tpu.memory_space<hbm>> -> memref<64xi32, #tpu.memory_space<hbm>>
        %dma_wait3A_607 = tpu.memref_slice %arg15[%select_n3A_599] : memref<8x!tpu.dma_semaphore, #tpu.memory_space<semaphore_mem>> -> memref<1x!tpu.dma_semaphore, #tpu.memory_space<semaphore_mem>>
        %dma_wait3A_608 = tpu.memref_squeeze %dma_wait3A_607 : memref<1x!tpu.dma_semaphore, #tpu.memory_space<semaphore_mem>> -> memref<!tpu.dma_semaphore, #tpu.memory_space<semaphore_mem>>
        %dma_wait3A_609 = arith.constant 0 : i32
        %dma_wait3A_610 = tpu.memref_slice %arg6[%select_n3A_599, %dma_wait3A_609] : memref<8x64xi32, #tpu.memory_space<vmem>> -> memref<1x64xi32, #tpu.memory_space<vmem>>
        %dma_wait3A_611 = tpu.memref_squeeze %dma_wait3A_610 : memref<1x64xi32, #tpu.memory_space<vmem>> -> memref<64xi32, #tpu.memory_space<vmem>>
        %dma_wait3A_612 = tpu.memref_slice %arg3[%add3A_602] : memref<321536xi32, #tpu.memory_space<hbm>> -> memref<64xi32, #tpu.memory_space<hbm>>
        tpu.wait_dma2 semaphore(%dma_wait3A_608 : memref<!tpu.dma_semaphore, #tpu.memory_space<semaphore_mem>>) src(%dma_wait3A_612 : memref<64xi32, #tpu.memory_space<hbm>>) dst(%dma_wait3A_611 : memref<64xi32, #tpu.memory_space<vmem>>)
        %mul3A_613 = arith.constant 64 : i32
        %mul3A_614 = arith.muli %add3A_583, %mul3A_613 : i32
        %add3A_615 = arith.addi %mul3A_55, %mul3A_614 : i32
        %dma_wait3A_616 = arith.constant 0 : i32
        %dma_wait3A_617 = tpu.memref_slice %arg7[%select_n3A_599, %dma_wait3A_616] : memref<8x64xi32, #tpu.memory_space<vmem>> -> memref<1x64xi32, #tpu.memory_space<vmem>>
        %dma_wait3A_618 = tpu.memref_squeeze %dma_wait3A_617 : memref<1x64xi32, #tpu.memory_space<vmem>> -> memref<64xi32, #tpu.memory_space<vmem>>
        %dma_wait3A_619 = tpu.memref_slice %arg4[%add3A_615] : memref<321536xi32, #tpu.memory_space<hbm>> -> memref<64xi32, #tpu.memory_space<hbm>>
        %dma_wait3A_620 = tpu.memref_slice %arg15[%select_n3A_599] : memref<8x!tpu.dma_semaphore, #tpu.memory_space<semaphore_mem>> -> memref<1x!tpu.dma_semaphore, #tpu.memory_space<semaphore_mem>>
        %dma_wait3A_621 = tpu.memref_squeeze %dma_wait3A_620 : memref<1x!tpu.dma_semaphore, #tpu.memory_space<semaphore_mem>> -> memref<!tpu.dma_semaphore, #tpu.memory_space<semaphore_mem>>
        %dma_wait3A_622 = arith.constant 0 : i32
        %dma_wait3A_623 = tpu.memref_slice %arg7[%select_n3A_599, %dma_wait3A_622] : memref<8x64xi32, #tpu.memory_space<vmem>> -> memref<1x64xi32, #tpu.memory_space<vmem>>
        %dma_wait3A_624 = tpu.memref_squeeze %dma_wait3A_623 : memref<1x64xi32, #tpu.memory_space<vmem>> -> memref<64xi32, #tpu.memory_space<vmem>>
        %dma_wait3A_625 = tpu.memref_slice %arg4[%add3A_615] : memref<321536xi32, #tpu.memory_space<hbm>> -> memref<64xi32, #tpu.memory_space<hbm>>
        tpu.wait_dma2 semaphore(%dma_wait3A_621 : memref<!tpu.dma_semaphore, #tpu.memory_space<semaphore_mem>>) src(%dma_wait3A_625 : memref<64xi32, #tpu.memory_space<hbm>>) dst(%dma_wait3A_624 : memref<64xi32, #tpu.memory_space<vmem>>)
        %add3A_626 = arith.constant 1 : i32
        %add3A_627 = arith.addi %mul3A_260, %add3A_626 : i32
        %add3A_628 = arith.constant 4 : i32
        %add3A_629 = arith.addi %add3A_627, %add3A_628 : i32
        %jit3A_630 = arith.constant 8 : i32
        %eq3A_631 = arith.constant 0 : i32
        %eq3A_632 = arith.cmpi eq, %jit3A_630, %eq3A_631 : i32
        %jit3A_633 = arith.constant 1 : i32
        %select_n3A_634 = arith.select %eq3A_632, %jit3A_633, %jit3A_630 : i32
        %rem3A_635 = arith.remsi %add3A_629, %select_n3A_634 : i32
        %ne3A_636 = arith.constant 0 : i32
        %ne3A_637 = arith.cmpi ne, %rem3A_635, %ne3A_636 : i32
        %lt3A_638 = arith.constant 0 : i32
        %lt3A_639 = arith.cmpi slt, %rem3A_635, %lt3A_638 : i32
        %lt3A_640 = arith.constant 0 : i32
        %lt3A_641 = arith.cmpi slt, %select_n3A_634, %lt3A_640 : i32
        %ne3A_642 = arith.xori %lt3A_639, %lt3A_641 : i1
        %and3A_643 = arith.andi %ne3A_642, %ne3A_637 : i1
        %add3A_644 = arith.addi %rem3A_635, %select_n3A_634 : i32
        %select_n3A_645 = arith.select %and3A_643, %add3A_644, %rem3A_635 : i32
        %dma_start3A_646 = arith.constant 1 : i32
        %dma_start3A_647 = arith.constant 0 : i32
        %dma_start3A_648 = tpu.memref_slice %arg6[%select_n3A_645, %dma_start3A_647] : memref<8x64xi32, #tpu.memory_space<vmem>> -> memref<1x64xi32, #tpu.memory_space<vmem>>
        %dma_start3A_649 = tpu.memref_squeeze %dma_start3A_648 : memref<1x64xi32, #tpu.memory_space<vmem>> -> memref<64xi32, #tpu.memory_space<vmem>>
        %dma_start3A_650 = arith.constant 0 : i32
        %dma_start3A_651 = arith.constant 0 : i32
        %dma_start3A_652 = tpu.memref_slice %arg2[%dma_start3A_650, %dma_start3A_651] : memref<10000x128xf32, #tpu.memory_space<hbm>> -> memref<10000x128xf32, #tpu.memory_space<hbm>>
        %dma_start3A_653 = tpu.memref_slice %arg13[%dma_start3A_646] : memref<4x!tpu.dma_semaphore, #tpu.memory_space<semaphore_mem>> -> memref<1x!tpu.dma_semaphore, #tpu.memory_space<semaphore_mem>>
        %dma_start3A_654 = tpu.memref_squeeze %dma_start3A_653 : memref<1x!tpu.dma_semaphore, #tpu.memory_space<semaphore_mem>> -> memref<!tpu.dma_semaphore, #tpu.memory_space<semaphore_mem>>
        tpu.enqueue_indirect_dma source(%dma_start3A_652 : memref<10000x128xf32, #tpu.memory_space<hbm>>) target(%arg9 : memref<64x128xf32, #tpu.memory_space<vmem>>) offsets(%dma_start3A_649 : memref<64xi32, #tpu.memory_space<vmem>>) semaphore(%dma_start3A_654 : memref<!tpu.dma_semaphore, #tpu.memory_space<semaphore_mem>>)
      } else {
      }
      %dma_wait3A_525 = arith.constant 2 : i32
      %dma_wait3A_526 = arith.constant 0 : i32
      %dma_wait3A_527 = tpu.memref_slice %arg7[%select_n3A_407, %dma_wait3A_526] : memref<8x64xi32, #tpu.memory_space<vmem>> -> memref<1x64xi32, #tpu.memory_space<vmem>>
      %dma_wait3A_528 = tpu.memref_squeeze %dma_wait3A_527 : memref<1x64xi32, #tpu.memory_space<vmem>> -> memref<64xi32, #tpu.memory_space<vmem>>
      %dma_wait3A_529 = arith.constant 0 : i32
      %dma_wait3A_530 = arith.constant 0 : i32
      %dma_wait3A_531 = tpu.memref_slice %arg12[%dma_wait3A_529, %dma_wait3A_530] : memref<10128x128xf32, #tpu.memory_space<vmem_shared>> -> memref<10128x128xf32, #tpu.memory_space<vmem_shared>>
      %dma_wait3A_532 = tpu.memref_slice %arg14[%dma_wait3A_525] : memref<4x!tpu.dma_semaphore, #tpu.memory_space<semaphore_mem>> -> memref<1x!tpu.dma_semaphore, #tpu.memory_space<semaphore_mem>>
      %dma_wait3A_533 = tpu.memref_squeeze %dma_wait3A_532 : memref<1x!tpu.dma_semaphore, #tpu.memory_space<semaphore_mem>> -> memref<!tpu.dma_semaphore, #tpu.memory_space<semaphore_mem>>
      tpu.wait_indirect_dma semaphore(%dma_wait3A_533 : memref<!tpu.dma_semaphore, #tpu.memory_space<semaphore_mem>>) src(%arg10 : memref<64x128xf32, #tpu.memory_space<vmem>>) dst(%dma_wait3A_531 : memref<10128x128xf32, #tpu.memory_space<vmem_shared>>)
      %add3A_534 = arith.constant 2 : i32
      %add3A_535 = arith.addi %mul3A_260, %add3A_534 : i32
      %add3A_536 = arith.constant 8 : i32
      %add3A_537 = arith.addi %add3A_535, %add3A_536 : i32
      %lt3A_538 = arith.constant 157 : i32
      %lt3A_539 = arith.cmpi slt, %add3A_537, %lt3A_538 : i32
      %convert_element_type3A_540 = arith.extui %lt3A_539 : i1 to i32
      %cond3A_541 = arith.constant 0 : i32
      %cond3A_542 = arith.cmpi ne, %convert_element_type3A_540, %cond3A_541 : i32
      scf.if %cond3A_542 {
        %add3A_580 = arith.constant 2 : i32
        %add3A_581 = arith.addi %mul3A_260, %add3A_580 : i32
        %add3A_582 = arith.constant 8 : i32
        %add3A_583 = arith.addi %add3A_581, %add3A_582 : i32
        %jit3A_584 = arith.constant 8 : i32
        %eq3A_585 = arith.constant 0 : i32
        %eq3A_586 = arith.cmpi eq, %jit3A_584, %eq3A_585 : i32
        %jit3A_587 = arith.constant 1 : i32
        %select_n3A_588 = arith.select %eq3A_586, %jit3A_587, %jit3A_584 : i32
        %rem3A_589 = arith.remsi %add3A_583, %select_n3A_588 : i32
        %ne3A_590 = arith.constant 0 : i32
        %ne3A_591 = arith.cmpi ne, %rem3A_589, %ne3A_590 : i32
        %lt3A_592 = arith.constant 0 : i32
        %lt3A_593 = arith.cmpi slt, %rem3A_589, %lt3A_592 : i32
        %lt3A_594 = arith.constant 0 : i32
        %lt3A_595 = arith.cmpi slt, %select_n3A_588, %lt3A_594 : i32
        %ne3A_596 = arith.xori %lt3A_593, %lt3A_595 : i1
        %and3A_597 = arith.andi %ne3A_596, %ne3A_591 : i1
        %add3A_598 = arith.addi %rem3A_589, %select_n3A_588 : i32
        %select_n3A_599 = arith.select %and3A_597, %add3A_598, %rem3A_589 : i32
        %mul3A_600 = arith.constant 64 : i32
        %mul3A_601 = arith.muli %add3A_583, %mul3A_600 : i32
        %add3A_602 = arith.addi %mul3A_55, %mul3A_601 : i32
        %dma_start3A_603 = arith.constant 0 : i32
        %dma_start3A_604 = tpu.memref_slice %arg6[%select_n3A_599, %dma_start3A_603] : memref<8x64xi32, #tpu.memory_space<vmem>> -> memref<1x64xi32, #tpu.memory_space<vmem>>
        %dma_start3A_605 = tpu.memref_squeeze %dma_start3A_604 : memref<1x64xi32, #tpu.memory_space<vmem>> -> memref<64xi32, #tpu.memory_space<vmem>>
        %dma_start3A_606 = tpu.memref_slice %arg3[%add3A_602] : memref<321536xi32, #tpu.memory_space<hbm>> -> memref<64xi32, #tpu.memory_space<hbm>>
        %dma_start3A_607 = tpu.memref_slice %arg15[%select_n3A_599] : memref<8x!tpu.dma_semaphore, #tpu.memory_space<semaphore_mem>> -> memref<1x!tpu.dma_semaphore, #tpu.memory_space<semaphore_mem>>
        %dma_start3A_608 = tpu.memref_squeeze %dma_start3A_607 : memref<1x!tpu.dma_semaphore, #tpu.memory_space<semaphore_mem>> -> memref<!tpu.dma_semaphore, #tpu.memory_space<semaphore_mem>>
        %dma_start3A_609 = arith.constant 0 : i32
        %dma_start3A_610 = tpu.memref_slice %arg6[%select_n3A_599, %dma_start3A_609] : memref<8x64xi32, #tpu.memory_space<vmem>> -> memref<1x64xi32, #tpu.memory_space<vmem>>
        %dma_start3A_611 = tpu.memref_squeeze %dma_start3A_610 : memref<1x64xi32, #tpu.memory_space<vmem>> -> memref<64xi32, #tpu.memory_space<vmem>>
        %dma_start3A_612 = tpu.memref_slice %arg3[%add3A_602] : memref<321536xi32, #tpu.memory_space<hbm>> -> memref<64xi32, #tpu.memory_space<hbm>>
        tpu.enqueue_dma source(%dma_start3A_612 : memref<64xi32, #tpu.memory_space<hbm>>) target(%dma_start3A_611 : memref<64xi32, #tpu.memory_space<vmem>>) target_semaphore(%dma_start3A_608 : memref<!tpu.dma_semaphore, #tpu.memory_space<semaphore_mem>>)
        %mul3A_613 = arith.constant 64 : i32
        %mul3A_614 = arith.muli %add3A_583, %mul3A_613 : i32
        %add3A_615 = arith.addi %mul3A_55, %mul3A_614 : i32
        %dma_start3A_616 = arith.constant 0 : i32
        %dma_start3A_617 = tpu.memref_slice %arg7[%select_n3A_599, %dma_start3A_616] : memref<8x64xi32, #tpu.memory_space<vmem>> -> memref<1x64xi32, #tpu.memory_space<vmem>>
        %dma_start3A_618 = tpu.memref_squeeze %dma_start3A_617 : memref<1x64xi32, #tpu.memory_space<vmem>> -> memref<64xi32, #tpu.memory_space<vmem>>
        %dma_start3A_619 = tpu.memref_slice %arg4[%add3A_615] : memref<321536xi32, #tpu.memory_space<hbm>> -> memref<64xi32, #tpu.memory_space<hbm>>
        %dma_start3A_620 = tpu.memref_slice %arg15[%select_n3A_599] : memref<8x!tpu.dma_semaphore, #tpu.memory_space<semaphore_mem>> -> memref<1x!tpu.dma_semaphore, #tpu.memory_space<semaphore_mem>>
        %dma_start3A_621 = tpu.memref_squeeze %dma_start3A_620 : memref<1x!tpu.dma_semaphore, #tpu.memory_space<semaphore_mem>> -> memref<!tpu.dma_semaphore, #tpu.memory_space<semaphore_mem>>
        %dma_start3A_622 = arith.constant 0 : i32
        %dma_start3A_623 = tpu.memref_slice %arg7[%select_n3A_599, %dma_start3A_622] : memref<8x64xi32, #tpu.memory_space<vmem>> -> memref<1x64xi32, #tpu.memory_space<vmem>>
        %dma_start3A_624 = tpu.memref_squeeze %dma_start3A_623 : memref<1x64xi32, #tpu.memory_space<vmem>> -> memref<64xi32, #tpu.memory_space<vmem>>
        %dma_start3A_625 = tpu.memref_slice %arg4[%add3A_615] : memref<321536xi32, #tpu.memory_space<hbm>> -> memref<64xi32, #tpu.memory_space<hbm>>
        tpu.enqueue_dma source(%dma_start3A_625 : memref<64xi32, #tpu.memory_space<hbm>>) target(%dma_start3A_624 : memref<64xi32, #tpu.memory_space<vmem>>) target_semaphore(%dma_start3A_621 : memref<!tpu.dma_semaphore, #tpu.memory_space<semaphore_mem>>)
      } else {
      }
      %add3A_543 = arith.constant 2 : i32
      %add3A_544 = arith.addi %mul3A_260, %add3A_543 : i32
      %add3A_545 = arith.constant 4 : i32
      %add3A_546 = arith.addi %add3A_544, %add3A_545 : i32
      %lt3A_547 = arith.constant 157 : i32
      %lt3A_548 = arith.cmpi slt, %add3A_546, %lt3A_547 : i32
      %convert_element_type3A_549 = arith.extui %lt3A_548 : i1 to i32
      %cond3A_550 = arith.constant 0 : i32
      %cond3A_551 = arith.cmpi ne, %convert_element_type3A_549, %cond3A_550 : i32
      scf.if %cond3A_551 {
        %add3A_580 = arith.constant 2 : i32
        %add3A_581 = arith.addi %mul3A_260, %add3A_580 : i32
        %add3A_582 = arith.constant 4 : i32
        %add3A_583 = arith.addi %add3A_581, %add3A_582 : i32
        %jit3A_584 = arith.constant 8 : i32
        %eq3A_585 = arith.constant 0 : i32
        %eq3A_586 = arith.cmpi eq, %jit3A_584, %eq3A_585 : i32
        %jit3A_587 = arith.constant 1 : i32
        %select_n3A_588 = arith.select %eq3A_586, %jit3A_587, %jit3A_584 : i32
        %rem3A_589 = arith.remsi %add3A_583, %select_n3A_588 : i32
        %ne3A_590 = arith.constant 0 : i32
        %ne3A_591 = arith.cmpi ne, %rem3A_589, %ne3A_590 : i32
        %lt3A_592 = arith.constant 0 : i32
        %lt3A_593 = arith.cmpi slt, %rem3A_589, %lt3A_592 : i32
        %lt3A_594 = arith.constant 0 : i32
        %lt3A_595 = arith.cmpi slt, %select_n3A_588, %lt3A_594 : i32
        %ne3A_596 = arith.xori %lt3A_593, %lt3A_595 : i1
        %and3A_597 = arith.andi %ne3A_596, %ne3A_591 : i1
        %add3A_598 = arith.addi %rem3A_589, %select_n3A_588 : i32
        %select_n3A_599 = arith.select %and3A_597, %add3A_598, %rem3A_589 : i32
        %mul3A_600 = arith.constant 64 : i32
        %mul3A_601 = arith.muli %add3A_583, %mul3A_600 : i32
        %add3A_602 = arith.addi %mul3A_55, %mul3A_601 : i32
        %dma_wait3A_603 = arith.constant 0 : i32
        %dma_wait3A_604 = tpu.memref_slice %arg6[%select_n3A_599, %dma_wait3A_603] : memref<8x64xi32, #tpu.memory_space<vmem>> -> memref<1x64xi32, #tpu.memory_space<vmem>>
        %dma_wait3A_605 = tpu.memref_squeeze %dma_wait3A_604 : memref<1x64xi32, #tpu.memory_space<vmem>> -> memref<64xi32, #tpu.memory_space<vmem>>
        %dma_wait3A_606 = tpu.memref_slice %arg3[%add3A_602] : memref<321536xi32, #tpu.memory_space<hbm>> -> memref<64xi32, #tpu.memory_space<hbm>>
        %dma_wait3A_607 = tpu.memref_slice %arg15[%select_n3A_599] : memref<8x!tpu.dma_semaphore, #tpu.memory_space<semaphore_mem>> -> memref<1x!tpu.dma_semaphore, #tpu.memory_space<semaphore_mem>>
        %dma_wait3A_608 = tpu.memref_squeeze %dma_wait3A_607 : memref<1x!tpu.dma_semaphore, #tpu.memory_space<semaphore_mem>> -> memref<!tpu.dma_semaphore, #tpu.memory_space<semaphore_mem>>
        %dma_wait3A_609 = arith.constant 0 : i32
        %dma_wait3A_610 = tpu.memref_slice %arg6[%select_n3A_599, %dma_wait3A_609] : memref<8x64xi32, #tpu.memory_space<vmem>> -> memref<1x64xi32, #tpu.memory_space<vmem>>
        %dma_wait3A_611 = tpu.memref_squeeze %dma_wait3A_610 : memref<1x64xi32, #tpu.memory_space<vmem>> -> memref<64xi32, #tpu.memory_space<vmem>>
        %dma_wait3A_612 = tpu.memref_slice %arg3[%add3A_602] : memref<321536xi32, #tpu.memory_space<hbm>> -> memref<64xi32, #tpu.memory_space<hbm>>
        tpu.wait_dma2 semaphore(%dma_wait3A_608 : memref<!tpu.dma_semaphore, #tpu.memory_space<semaphore_mem>>) src(%dma_wait3A_612 : memref<64xi32, #tpu.memory_space<hbm>>) dst(%dma_wait3A_611 : memref<64xi32, #tpu.memory_space<vmem>>)
        %mul3A_613 = arith.constant 64 : i32
        %mul3A_614 = arith.muli %add3A_583, %mul3A_613 : i32
        %add3A_615 = arith.addi %mul3A_55, %mul3A_614 : i32
        %dma_wait3A_616 = arith.constant 0 : i32
        %dma_wait3A_617 = tpu.memref_slice %arg7[%select_n3A_599, %dma_wait3A_616] : memref<8x64xi32, #tpu.memory_space<vmem>> -> memref<1x64xi32, #tpu.memory_space<vmem>>
        %dma_wait3A_618 = tpu.memref_squeeze %dma_wait3A_617 : memref<1x64xi32, #tpu.memory_space<vmem>> -> memref<64xi32, #tpu.memory_space<vmem>>
        %dma_wait3A_619 = tpu.memref_slice %arg4[%add3A_615] : memref<321536xi32, #tpu.memory_space<hbm>> -> memref<64xi32, #tpu.memory_space<hbm>>
        %dma_wait3A_620 = tpu.memref_slice %arg15[%select_n3A_599] : memref<8x!tpu.dma_semaphore, #tpu.memory_space<semaphore_mem>> -> memref<1x!tpu.dma_semaphore, #tpu.memory_space<semaphore_mem>>
        %dma_wait3A_621 = tpu.memref_squeeze %dma_wait3A_620 : memref<1x!tpu.dma_semaphore, #tpu.memory_space<semaphore_mem>> -> memref<!tpu.dma_semaphore, #tpu.memory_space<semaphore_mem>>
        %dma_wait3A_622 = arith.constant 0 : i32
        %dma_wait3A_623 = tpu.memref_slice %arg7[%select_n3A_599, %dma_wait3A_622] : memref<8x64xi32, #tpu.memory_space<vmem>> -> memref<1x64xi32, #tpu.memory_space<vmem>>
        %dma_wait3A_624 = tpu.memref_squeeze %dma_wait3A_623 : memref<1x64xi32, #tpu.memory_space<vmem>> -> memref<64xi32, #tpu.memory_space<vmem>>
        %dma_wait3A_625 = tpu.memref_slice %arg4[%add3A_615] : memref<321536xi32, #tpu.memory_space<hbm>> -> memref<64xi32, #tpu.memory_space<hbm>>
        tpu.wait_dma2 semaphore(%dma_wait3A_621 : memref<!tpu.dma_semaphore, #tpu.memory_space<semaphore_mem>>) src(%dma_wait3A_625 : memref<64xi32, #tpu.memory_space<hbm>>) dst(%dma_wait3A_624 : memref<64xi32, #tpu.memory_space<vmem>>)
        %add3A_626 = arith.constant 2 : i32
        %add3A_627 = arith.addi %mul3A_260, %add3A_626 : i32
        %add3A_628 = arith.constant 4 : i32
        %add3A_629 = arith.addi %add3A_627, %add3A_628 : i32
        %jit3A_630 = arith.constant 8 : i32
        %eq3A_631 = arith.constant 0 : i32
        %eq3A_632 = arith.cmpi eq, %jit3A_630, %eq3A_631 : i32
        %jit3A_633 = arith.constant 1 : i32
        %select_n3A_634 = arith.select %eq3A_632, %jit3A_633, %jit3A_630 : i32
        %rem3A_635 = arith.remsi %add3A_629, %select_n3A_634 : i32
        %ne3A_636 = arith.constant 0 : i32
        %ne3A_637 = arith.cmpi ne, %rem3A_635, %ne3A_636 : i32
        %lt3A_638 = arith.constant 0 : i32
        %lt3A_639 = arith.cmpi slt, %rem3A_635, %lt3A_638 : i32
        %lt3A_640 = arith.constant 0 : i32
        %lt3A_641 = arith.cmpi slt, %select_n3A_634, %lt3A_640 : i32
        %ne3A_642 = arith.xori %lt3A_639, %lt3A_641 : i1
        %and3A_643 = arith.andi %ne3A_642, %ne3A_637 : i1
        %add3A_644 = arith.addi %rem3A_635, %select_n3A_634 : i32
        %select_n3A_645 = arith.select %and3A_643, %add3A_644, %rem3A_635 : i32
        %dma_start3A_646 = arith.constant 2 : i32
        %dma_start3A_647 = arith.constant 0 : i32
        %dma_start3A_648 = tpu.memref_slice %arg6[%select_n3A_645, %dma_start3A_647] : memref<8x64xi32, #tpu.memory_space<vmem>> -> memref<1x64xi32, #tpu.memory_space<vmem>>
        %dma_start3A_649 = tpu.memref_squeeze %dma_start3A_648 : memref<1x64xi32, #tpu.memory_space<vmem>> -> memref<64xi32, #tpu.memory_space<vmem>>
        %dma_start3A_650 = arith.constant 0 : i32
        %dma_start3A_651 = arith.constant 0 : i32
        %dma_start3A_652 = tpu.memref_slice %arg2[%dma_start3A_650, %dma_start3A_651] : memref<10000x128xf32, #tpu.memory_space<hbm>> -> memref<10000x128xf32, #tpu.memory_space<hbm>>
        %dma_start3A_653 = tpu.memref_slice %arg13[%dma_start3A_646] : memref<4x!tpu.dma_semaphore, #tpu.memory_space<semaphore_mem>> -> memref<1x!tpu.dma_semaphore, #tpu.memory_space<semaphore_mem>>
        %dma_start3A_654 = tpu.memref_squeeze %dma_start3A_653 : memref<1x!tpu.dma_semaphore, #tpu.memory_space<semaphore_mem>> -> memref<!tpu.dma_semaphore, #tpu.memory_space<semaphore_mem>>
        tpu.enqueue_indirect_dma source(%dma_start3A_652 : memref<10000x128xf32, #tpu.memory_space<hbm>>) target(%arg10 : memref<64x128xf32, #tpu.memory_space<vmem>>) offsets(%dma_start3A_649 : memref<64xi32, #tpu.memory_space<vmem>>) semaphore(%dma_start3A_654 : memref<!tpu.dma_semaphore, #tpu.memory_space<semaphore_mem>>)
      } else {
      }
      %dma_wait3A_552 = arith.constant 3 : i32
      %dma_wait3A_553 = arith.constant 0 : i32
      %dma_wait3A_554 = tpu.memref_slice %arg7[%select_n3A_461, %dma_wait3A_553] : memref<8x64xi32, #tpu.memory_space<vmem>> -> memref<1x64xi32, #tpu.memory_space<vmem>>
      %dma_wait3A_555 = tpu.memref_squeeze %dma_wait3A_554 : memref<1x64xi32, #tpu.memory_space<vmem>> -> memref<64xi32, #tpu.memory_space<vmem>>
      %dma_wait3A_556 = arith.constant 0 : i32
      %dma_wait3A_557 = arith.constant 0 : i32
      %dma_wait3A_558 = tpu.memref_slice %arg12[%dma_wait3A_556, %dma_wait3A_557] : memref<10128x128xf32, #tpu.memory_space<vmem_shared>> -> memref<10128x128xf32, #tpu.memory_space<vmem_shared>>
      %dma_wait3A_559 = tpu.memref_slice %arg14[%dma_wait3A_552] : memref<4x!tpu.dma_semaphore, #tpu.memory_space<semaphore_mem>> -> memref<1x!tpu.dma_semaphore, #tpu.memory_space<semaphore_mem>>
      %dma_wait3A_560 = tpu.memref_squeeze %dma_wait3A_559 : memref<1x!tpu.dma_semaphore, #tpu.memory_space<semaphore_mem>> -> memref<!tpu.dma_semaphore, #tpu.memory_space<semaphore_mem>>
      tpu.wait_indirect_dma semaphore(%dma_wait3A_560 : memref<!tpu.dma_semaphore, #tpu.memory_space<semaphore_mem>>) src(%arg11 : memref<64x128xf32, #tpu.memory_space<vmem>>) dst(%dma_wait3A_558 : memref<10128x128xf32, #tpu.memory_space<vmem_shared>>)
      %add3A_561 = arith.constant 3 : i32
      %add3A_562 = arith.addi %mul3A_260, %add3A_561 : i32
      %add3A_563 = arith.constant 8 : i32
      %add3A_564 = arith.addi %add3A_562, %add3A_563 : i32
      %lt3A_565 = arith.constant 157 : i32
      %lt3A_566 = arith.cmpi slt, %add3A_564, %lt3A_565 : i32
      %convert_element_type3A_567 = arith.extui %lt3A_566 : i1 to i32
      %cond3A_568 = arith.constant 0 : i32
      %cond3A_569 = arith.cmpi ne, %convert_element_type3A_567, %cond3A_568 : i32
      scf.if %cond3A_569 {
        %add3A_580 = arith.constant 3 : i32
        %add3A_581 = arith.addi %mul3A_260, %add3A_580 : i32
        %add3A_582 = arith.constant 8 : i32
        %add3A_583 = arith.addi %add3A_581, %add3A_582 : i32
        %jit3A_584 = arith.constant 8 : i32
        %eq3A_585 = arith.constant 0 : i32
        %eq3A_586 = arith.cmpi eq, %jit3A_584, %eq3A_585 : i32
        %jit3A_587 = arith.constant 1 : i32
        %select_n3A_588 = arith.select %eq3A_586, %jit3A_587, %jit3A_584 : i32
        %rem3A_589 = arith.remsi %add3A_583, %select_n3A_588 : i32
        %ne3A_590 = arith.constant 0 : i32
        %ne3A_591 = arith.cmpi ne, %rem3A_589, %ne3A_590 : i32
        %lt3A_592 = arith.constant 0 : i32
        %lt3A_593 = arith.cmpi slt, %rem3A_589, %lt3A_592 : i32
        %lt3A_594 = arith.constant 0 : i32
        %lt3A_595 = arith.cmpi slt, %select_n3A_588, %lt3A_594 : i32
        %ne3A_596 = arith.xori %lt3A_593, %lt3A_595 : i1
        %and3A_597 = arith.andi %ne3A_596, %ne3A_591 : i1
        %add3A_598 = arith.addi %rem3A_589, %select_n3A_588 : i32
        %select_n3A_599 = arith.select %and3A_597, %add3A_598, %rem3A_589 : i32
        %mul3A_600 = arith.constant 64 : i32
        %mul3A_601 = arith.muli %add3A_583, %mul3A_600 : i32
        %add3A_602 = arith.addi %mul3A_55, %mul3A_601 : i32
        %dma_start3A_603 = arith.constant 0 : i32
        %dma_start3A_604 = tpu.memref_slice %arg6[%select_n3A_599, %dma_start3A_603] : memref<8x64xi32, #tpu.memory_space<vmem>> -> memref<1x64xi32, #tpu.memory_space<vmem>>
        %dma_start3A_605 = tpu.memref_squeeze %dma_start3A_604 : memref<1x64xi32, #tpu.memory_space<vmem>> -> memref<64xi32, #tpu.memory_space<vmem>>
        %dma_start3A_606 = tpu.memref_slice %arg3[%add3A_602] : memref<321536xi32, #tpu.memory_space<hbm>> -> memref<64xi32, #tpu.memory_space<hbm>>
        %dma_start3A_607 = tpu.memref_slice %arg15[%select_n3A_599] : memref<8x!tpu.dma_semaphore, #tpu.memory_space<semaphore_mem>> -> memref<1x!tpu.dma_semaphore, #tpu.memory_space<semaphore_mem>>
        %dma_start3A_608 = tpu.memref_squeeze %dma_start3A_607 : memref<1x!tpu.dma_semaphore, #tpu.memory_space<semaphore_mem>> -> memref<!tpu.dma_semaphore, #tpu.memory_space<semaphore_mem>>
        %dma_start3A_609 = arith.constant 0 : i32
        %dma_start3A_610 = tpu.memref_slice %arg6[%select_n3A_599, %dma_start3A_609] : memref<8x64xi32, #tpu.memory_space<vmem>> -> memref<1x64xi32, #tpu.memory_space<vmem>>
        %dma_start3A_611 = tpu.memref_squeeze %dma_start3A_610 : memref<1x64xi32, #tpu.memory_space<vmem>> -> memref<64xi32, #tpu.memory_space<vmem>>
        %dma_start3A_612 = tpu.memref_slice %arg3[%add3A_602] : memref<321536xi32, #tpu.memory_space<hbm>> -> memref<64xi32, #tpu.memory_space<hbm>>
        tpu.enqueue_dma source(%dma_start3A_612 : memref<64xi32, #tpu.memory_space<hbm>>) target(%dma_start3A_611 : memref<64xi32, #tpu.memory_space<vmem>>) target_semaphore(%dma_start3A_608 : memref<!tpu.dma_semaphore, #tpu.memory_space<semaphore_mem>>)
        %mul3A_613 = arith.constant 64 : i32
        %mul3A_614 = arith.muli %add3A_583, %mul3A_613 : i32
        %add3A_615 = arith.addi %mul3A_55, %mul3A_614 : i32
        %dma_start3A_616 = arith.constant 0 : i32
        %dma_start3A_617 = tpu.memref_slice %arg7[%select_n3A_599, %dma_start3A_616] : memref<8x64xi32, #tpu.memory_space<vmem>> -> memref<1x64xi32, #tpu.memory_space<vmem>>
        %dma_start3A_618 = tpu.memref_squeeze %dma_start3A_617 : memref<1x64xi32, #tpu.memory_space<vmem>> -> memref<64xi32, #tpu.memory_space<vmem>>
        %dma_start3A_619 = tpu.memref_slice %arg4[%add3A_615] : memref<321536xi32, #tpu.memory_space<hbm>> -> memref<64xi32, #tpu.memory_space<hbm>>
        %dma_start3A_620 = tpu.memref_slice %arg15[%select_n3A_599] : memref<8x!tpu.dma_semaphore, #tpu.memory_space<semaphore_mem>> -> memref<1x!tpu.dma_semaphore, #tpu.memory_space<semaphore_mem>>
        %dma_start3A_621 = tpu.memref_squeeze %dma_start3A_620 : memref<1x!tpu.dma_semaphore, #tpu.memory_space<semaphore_mem>> -> memref<!tpu.dma_semaphore, #tpu.memory_space<semaphore_mem>>
        %dma_start3A_622 = arith.constant 0 : i32
        %dma_start3A_623 = tpu.memref_slice %arg7[%select_n3A_599, %dma_start3A_622] : memref<8x64xi32, #tpu.memory_space<vmem>> -> memref<1x64xi32, #tpu.memory_space<vmem>>
        %dma_start3A_624 = tpu.memref_squeeze %dma_start3A_623 : memref<1x64xi32, #tpu.memory_space<vmem>> -> memref<64xi32, #tpu.memory_space<vmem>>
        %dma_start3A_625 = tpu.memref_slice %arg4[%add3A_615] : memref<321536xi32, #tpu.memory_space<hbm>> -> memref<64xi32, #tpu.memory_space<hbm>>
        tpu.enqueue_dma source(%dma_start3A_625 : memref<64xi32, #tpu.memory_space<hbm>>) target(%dma_start3A_624 : memref<64xi32, #tpu.memory_space<vmem>>) target_semaphore(%dma_start3A_621 : memref<!tpu.dma_semaphore, #tpu.memory_space<semaphore_mem>>)
      } else {
      }
      %add3A_570 = arith.constant 3 : i32
      %add3A_571 = arith.addi %mul3A_260, %add3A_570 : i32
      %add3A_572 = arith.constant 4 : i32
      %add3A_573 = arith.addi %add3A_571, %add3A_572 : i32
      %lt3A_574 = arith.constant 157 : i32
      %lt3A_575 = arith.cmpi slt, %add3A_573, %lt3A_574 : i32
      %convert_element_type3A_576 = arith.extui %lt3A_575 : i1 to i32
      %cond3A_577 = arith.constant 0 : i32
      %cond3A_578 = arith.cmpi ne, %convert_element_type3A_576, %cond3A_577 : i32
      scf.if %cond3A_578 {
        %add3A_580 = arith.constant 3 : i32
        %add3A_581 = arith.addi %mul3A_260, %add3A_580 : i32
        %add3A_582 = arith.constant 4 : i32
        %add3A_583 = arith.addi %add3A_581, %add3A_582 : i32
        %jit3A_584 = arith.constant 8 : i32
        %eq3A_585 = arith.constant 0 : i32
        %eq3A_586 = arith.cmpi eq, %jit3A_584, %eq3A_585 : i32
        %jit3A_587 = arith.constant 1 : i32
        %select_n3A_588 = arith.select %eq3A_586, %jit3A_587, %jit3A_584 : i32
        %rem3A_589 = arith.remsi %add3A_583, %select_n3A_588 : i32
        %ne3A_590 = arith.constant 0 : i32
        %ne3A_591 = arith.cmpi ne, %rem3A_589, %ne3A_590 : i32
        %lt3A_592 = arith.constant 0 : i32
        %lt3A_593 = arith.cmpi slt, %rem3A_589, %lt3A_592 : i32
        %lt3A_594 = arith.constant 0 : i32
        %lt3A_595 = arith.cmpi slt, %select_n3A_588, %lt3A_594 : i32
        %ne3A_596 = arith.xori %lt3A_593, %lt3A_595 : i1
        %and3A_597 = arith.andi %ne3A_596, %ne3A_591 : i1
        %add3A_598 = arith.addi %rem3A_589, %select_n3A_588 : i32
        %select_n3A_599 = arith.select %and3A_597, %add3A_598, %rem3A_589 : i32
        %mul3A_600 = arith.constant 64 : i32
        %mul3A_601 = arith.muli %add3A_583, %mul3A_600 : i32
        %add3A_602 = arith.addi %mul3A_55, %mul3A_601 : i32
        %dma_wait3A_603 = arith.constant 0 : i32
        %dma_wait3A_604 = tpu.memref_slice %arg6[%select_n3A_599, %dma_wait3A_603] : memref<8x64xi32, #tpu.memory_space<vmem>> -> memref<1x64xi32, #tpu.memory_space<vmem>>
        %dma_wait3A_605 = tpu.memref_squeeze %dma_wait3A_604 : memref<1x64xi32, #tpu.memory_space<vmem>> -> memref<64xi32, #tpu.memory_space<vmem>>
        %dma_wait3A_606 = tpu.memref_slice %arg3[%add3A_602] : memref<321536xi32, #tpu.memory_space<hbm>> -> memref<64xi32, #tpu.memory_space<hbm>>
        %dma_wait3A_607 = tpu.memref_slice %arg15[%select_n3A_599] : memref<8x!tpu.dma_semaphore, #tpu.memory_space<semaphore_mem>> -> memref<1x!tpu.dma_semaphore, #tpu.memory_space<semaphore_mem>>
        %dma_wait3A_608 = tpu.memref_squeeze %dma_wait3A_607 : memref<1x!tpu.dma_semaphore, #tpu.memory_space<semaphore_mem>> -> memref<!tpu.dma_semaphore, #tpu.memory_space<semaphore_mem>>
        %dma_wait3A_609 = arith.constant 0 : i32
        %dma_wait3A_610 = tpu.memref_slice %arg6[%select_n3A_599, %dma_wait3A_609] : memref<8x64xi32, #tpu.memory_space<vmem>> -> memref<1x64xi32, #tpu.memory_space<vmem>>
        %dma_wait3A_611 = tpu.memref_squeeze %dma_wait3A_610 : memref<1x64xi32, #tpu.memory_space<vmem>> -> memref<64xi32, #tpu.memory_space<vmem>>
        %dma_wait3A_612 = tpu.memref_slice %arg3[%add3A_602] : memref<321536xi32, #tpu.memory_space<hbm>> -> memref<64xi32, #tpu.memory_space<hbm>>
        tpu.wait_dma2 semaphore(%dma_wait3A_608 : memref<!tpu.dma_semaphore, #tpu.memory_space<semaphore_mem>>) src(%dma_wait3A_612 : memref<64xi32, #tpu.memory_space<hbm>>) dst(%dma_wait3A_611 : memref<64xi32, #tpu.memory_space<vmem>>)
        %mul3A_613 = arith.constant 64 : i32
        %mul3A_614 = arith.muli %add3A_583, %mul3A_613 : i32
        %add3A_615 = arith.addi %mul3A_55, %mul3A_614 : i32
        %dma_wait3A_616 = arith.constant 0 : i32
        %dma_wait3A_617 = tpu.memref_slice %arg7[%select_n3A_599, %dma_wait3A_616] : memref<8x64xi32, #tpu.memory_space<vmem>> -> memref<1x64xi32, #tpu.memory_space<vmem>>
        %dma_wait3A_618 = tpu.memref_squeeze %dma_wait3A_617 : memref<1x64xi32, #tpu.memory_space<vmem>> -> memref<64xi32, #tpu.memory_space<vmem>>
        %dma_wait3A_619 = tpu.memref_slice %arg4[%add3A_615] : memref<321536xi32, #tpu.memory_space<hbm>> -> memref<64xi32, #tpu.memory_space<hbm>>
        %dma_wait3A_620 = tpu.memref_slice %arg15[%select_n3A_599] : memref<8x!tpu.dma_semaphore, #tpu.memory_space<semaphore_mem>> -> memref<1x!tpu.dma_semaphore, #tpu.memory_space<semaphore_mem>>
        %dma_wait3A_621 = tpu.memref_squeeze %dma_wait3A_620 : memref<1x!tpu.dma_semaphore, #tpu.memory_space<semaphore_mem>> -> memref<!tpu.dma_semaphore, #tpu.memory_space<semaphore_mem>>
        %dma_wait3A_622 = arith.constant 0 : i32
        %dma_wait3A_623 = tpu.memref_slice %arg7[%select_n3A_599, %dma_wait3A_622] : memref<8x64xi32, #tpu.memory_space<vmem>> -> memref<1x64xi32, #tpu.memory_space<vmem>>
        %dma_wait3A_624 = tpu.memref_squeeze %dma_wait3A_623 : memref<1x64xi32, #tpu.memory_space<vmem>> -> memref<64xi32, #tpu.memory_space<vmem>>
        %dma_wait3A_625 = tpu.memref_slice %arg4[%add3A_615] : memref<321536xi32, #tpu.memory_space<hbm>> -> memref<64xi32, #tpu.memory_space<hbm>>
        tpu.wait_dma2 semaphore(%dma_wait3A_621 : memref<!tpu.dma_semaphore, #tpu.memory_space<semaphore_mem>>) src(%dma_wait3A_625 : memref<64xi32, #tpu.memory_space<hbm>>) dst(%dma_wait3A_624 : memref<64xi32, #tpu.memory_space<vmem>>)
        %add3A_626 = arith.constant 3 : i32
        %add3A_627 = arith.addi %mul3A_260, %add3A_626 : i32
        %add3A_628 = arith.constant 4 : i32
        %add3A_629 = arith.addi %add3A_627, %add3A_628 : i32
        %jit3A_630 = arith.constant 8 : i32
        %eq3A_631 = arith.constant 0 : i32
        %eq3A_632 = arith.cmpi eq, %jit3A_630, %eq3A_631 : i32
        %jit3A_633 = arith.constant 1 : i32
        %select_n3A_634 = arith.select %eq3A_632, %jit3A_633, %jit3A_630 : i32
        %rem3A_635 = arith.remsi %add3A_629, %select_n3A_634 : i32
        %ne3A_636 = arith.constant 0 : i32
        %ne3A_637 = arith.cmpi ne, %rem3A_635, %ne3A_636 : i32
        %lt3A_638 = arith.constant 0 : i32
        %lt3A_639 = arith.cmpi slt, %rem3A_635, %lt3A_638 : i32
        %lt3A_640 = arith.constant 0 : i32
        %lt3A_641 = arith.cmpi slt, %select_n3A_634, %lt3A_640 : i32
        %ne3A_642 = arith.xori %lt3A_639, %lt3A_641 : i1
        %and3A_643 = arith.andi %ne3A_642, %ne3A_637 : i1
        %add3A_644 = arith.addi %rem3A_635, %select_n3A_634 : i32
        %select_n3A_645 = arith.select %and3A_643, %add3A_644, %rem3A_635 : i32
        %dma_start3A_646 = arith.constant 3 : i32
        %dma_start3A_647 = arith.constant 0 : i32
        %dma_start3A_648 = tpu.memref_slice %arg6[%select_n3A_645, %dma_start3A_647] : memref<8x64xi32, #tpu.memory_space<vmem>> -> memref<1x64xi32, #tpu.memory_space<vmem>>
        %dma_start3A_649 = tpu.memref_squeeze %dma_start3A_648 : memref<1x64xi32, #tpu.memory_space<vmem>> -> memref<64xi32, #tpu.memory_space<vmem>>
        %dma_start3A_650 = arith.constant 0 : i32
        %dma_start3A_651 = arith.constant 0 : i32
        %dma_start3A_652 = tpu.memref_slice %arg2[%dma_start3A_650, %dma_start3A_651] : memref<10000x128xf32, #tpu.memory_space<hbm>> -> memref<10000x128xf32, #tpu.memory_space<hbm>>
        %dma_start3A_653 = tpu.memref_slice %arg13[%dma_start3A_646] : memref<4x!tpu.dma_semaphore, #tpu.memory_space<semaphore_mem>> -> memref<1x!tpu.dma_semaphore, #tpu.memory_space<semaphore_mem>>
        %dma_start3A_654 = tpu.memref_squeeze %dma_start3A_653 : memref<1x!tpu.dma_semaphore, #tpu.memory_space<semaphore_mem>> -> memref<!tpu.dma_semaphore, #tpu.memory_space<semaphore_mem>>
        tpu.enqueue_indirect_dma source(%dma_start3A_652 : memref<10000x128xf32, #tpu.memory_space<hbm>>) target(%arg11 : memref<64x128xf32, #tpu.memory_space<vmem>>) offsets(%dma_start3A_649 : memref<64xi32, #tpu.memory_space<vmem>>) semaphore(%dma_start3A_654 : memref<!tpu.dma_semaphore, #tpu.memory_space<semaphore_mem>>)
      } else {
      }
      %scan3A_579 = arith.constant 0 : i32
      scf.yield %scan3A_579 : i32
    }
    %scan3A_236 = arith.constant 39 : i32
    %dma_wait3A = arith.constant 4 : i32
    %dma_wait3A_237 = arith.constant 0 : i32
    %dma_wait3A_238 = arith.constant 0 : i32
    %dma_wait3A_239 = tpu.memref_slice %arg6[%dma_wait3A, %dma_wait3A_238] : memref<8x64xi32, #tpu.memory_space<vmem>> -> memref<1x64xi32, #tpu.memory_space<vmem>>
    %dma_wait3A_240 = tpu.memref_squeeze %dma_wait3A_239 : memref<1x64xi32, #tpu.memory_space<vmem>> -> memref<64xi32, #tpu.memory_space<vmem>>
    %dma_wait3A_241 = arith.constant 0 : i32
    %dma_wait3A_242 = arith.constant 0 : i32
    %dma_wait3A_243 = tpu.memref_slice %arg2[%dma_wait3A_241, %dma_wait3A_242] : memref<10000x128xf32, #tpu.memory_space<hbm>> -> memref<10000x128xf32, #tpu.memory_space<hbm>>
    %dma_wait3A_244 = tpu.memref_slice %arg13[%dma_wait3A_237] : memref<4x!tpu.dma_semaphore, #tpu.memory_space<semaphore_mem>> -> memref<1x!tpu.dma_semaphore, #tpu.memory_space<semaphore_mem>>
    %dma_wait3A_245 = tpu.memref_squeeze %dma_wait3A_244 : memref<1x!tpu.dma_semaphore, #tpu.memory_space<semaphore_mem>> -> memref<!tpu.dma_semaphore, #tpu.memory_space<semaphore_mem>>
    tpu.wait_indirect_dma semaphore(%dma_wait3A_245 : memref<!tpu.dma_semaphore, #tpu.memory_space<semaphore_mem>>) src(%dma_wait3A_243 : memref<10000x128xf32, #tpu.memory_space<hbm>>) dst(%arg8 : memref<64x128xf32, #tpu.memory_space<vmem>>)
    %run_scoped3A_246 = arith.constant 4 : i32
    "tpu.region"() ({
      %run_scoped3A_257 = tpu.sem_alloc : memref<!tpu.dma_semaphore, #tpu.memory_space<semaphore_mem>>
      %dma_start3A_258 = arith.constant 0 : i32
      %dma_start3A_259 = tpu.memref_slice %arg7[%run_scoped3A_246, %dma_start3A_258] : memref<8x64xi32, #tpu.memory_space<vmem>> -> memref<1x64xi32, #tpu.memory_space<vmem>>
      %dma_start3A_260 = tpu.memref_squeeze %dma_start3A_259 : memref<1x64xi32, #tpu.memory_space<vmem>> -> memref<64xi32, #tpu.memory_space<vmem>>
      %dma_start3A_261 = arith.constant 0 : i32
      %dma_start3A_262 = arith.constant 0 : i32
      %dma_start3A_263 = tpu.memref_slice %arg12[%dma_start3A_261, %dma_start3A_262] : memref<10128x128xf32, #tpu.memory_space<vmem_shared>> -> memref<10128x128xf32, #tpu.memory_space<vmem_shared>>
      tpu.enqueue_indirect_dma source(%arg8 : memref<64x128xf32, #tpu.memory_space<vmem>>) target(%dma_start3A_263 : memref<10128x128xf32, #tpu.memory_space<vmem_shared>>) offsets(%dma_start3A_260 : memref<64xi32, #tpu.memory_space<vmem>>) semaphore(%run_scoped3A_257 : memref<!tpu.dma_semaphore, #tpu.memory_space<semaphore_mem>>) {add = true}
      %dma_wait3A_264 = arith.constant 0 : i32
      %dma_wait3A_265 = tpu.memref_slice %arg7[%run_scoped3A_246, %dma_wait3A_264] : memref<8x64xi32, #tpu.memory_space<vmem>> -> memref<1x64xi32, #tpu.memory_space<vmem>>
      %dma_wait3A_266 = tpu.memref_squeeze %dma_wait3A_265 : memref<1x64xi32, #tpu.memory_space<vmem>> -> memref<64xi32, #tpu.memory_space<vmem>>
      %dma_wait3A_267 = arith.constant 0 : i32
      %dma_wait3A_268 = arith.constant 0 : i32
      %dma_wait3A_269 = tpu.memref_slice %arg12[%dma_wait3A_267, %dma_wait3A_268] : memref<10128x128xf32, #tpu.memory_space<vmem_shared>> -> memref<10128x128xf32, #tpu.memory_space<vmem_shared>>
      tpu.wait_indirect_dma semaphore(%run_scoped3A_257 : memref<!tpu.dma_semaphore, #tpu.memory_space<semaphore_mem>>) src(%arg8 : memref<64x128xf32, #tpu.memory_space<vmem>>) dst(%dma_wait3A_269 : memref<10128x128xf32, #tpu.memory_space<vmem_shared>>)
      tpu.yield
    }) : () -> ()
    %barrier3A_247 = arith.constant 0 : index
    tpu.barrier barrier_id(%barrier3A_247)
    %mul3A_248 = arith.constant 624 : i32
    %mul3A_249 = arith.muli %arg1, %mul3A_248 : i32
    %mul3A_250 = arith.constant 624 : i32
    %mul3A_251 = arith.muli %arg1, %mul3A_250 : i32
    "tpu.region"() ({
      %run_scoped3A_257 = tpu.sem_alloc : memref<!tpu.dma_semaphore, #tpu.memory_space<semaphore_mem>>
      %dma_start3A_258 = arith.constant 0 : i32
      %dma_start3A_259 = tpu.memref_slice %arg5[%arg0, %mul3A_251, %dma_start3A_258] : memref<2x10000x128xf32, #tpu.memory_space<hbm>> -> memref<1x624x128xf32, #tpu.memory_space<hbm>>
      %dma_start3A_260 = tpu.memref_squeeze %dma_start3A_259 : memref<1x624x128xf32, #tpu.memory_space<hbm>> -> memref<624x128xf32, #tpu.memory_space<hbm>>
      %dma_start3A_261 = arith.constant 0 : i32
      %dma_start3A_262 = tpu.memref_slice %arg12[%mul3A_249, %dma_start3A_261] : memref<10128x128xf32, #tpu.memory_space<vmem_shared>> -> memref<624x128xf32, #tpu.memory_space<vmem_shared>>
      tpu.enqueue_dma source(%dma_start3A_262 : memref<624x128xf32, #tpu.memory_space<vmem_shared>>) target(%dma_start3A_260 : memref<624x128xf32, #tpu.memory_space<hbm>>) target_semaphore(%run_scoped3A_257 : memref<!tpu.dma_semaphore, #tpu.memory_space<semaphore_mem>>)
      %dma_wait3A_263 = arith.constant 0 : i32
      %dma_wait3A_264 = tpu.memref_slice %arg5[%arg0, %mul3A_251, %dma_wait3A_263] : memref<2x10000x128xf32, #tpu.memory_space<hbm>> -> memref<1x624x128xf32, #tpu.memory_space<hbm>>
      %dma_wait3A_265 = tpu.memref_squeeze %dma_wait3A_264 : memref<1x624x128xf32, #tpu.memory_space<hbm>> -> memref<624x128xf32, #tpu.memory_space<hbm>>
      %dma_wait3A_266 = arith.constant 0 : i32
      %dma_wait3A_267 = tpu.memref_slice %arg12[%mul3A_249, %dma_wait3A_266] : memref<10128x128xf32, #tpu.memory_space<vmem_shared>> -> memref<624x128xf32, #tpu.memory_space<vmem_shared>>
      tpu.wait_dma2 semaphore(%run_scoped3A_257 : memref<!tpu.dma_semaphore, #tpu.memory_space<semaphore_mem>>) src(%dma_wait3A_267 : memref<624x128xf32, #tpu.memory_space<vmem_shared>>) dst(%dma_wait3A_265 : memref<624x128xf32, #tpu.memory_space<hbm>>)
      tpu.yield
    }) : () -> ()
    %eq3A_252 = arith.constant 15 : i32
    %eq3A_253 = arith.cmpi eq, %arg1, %eq3A_252 : i32
    %convert_element_type3A_254 = arith.extui %eq3A_253 : i1 to i32
    %cond3A_255 = arith.constant 0 : i32
    %cond3A_256 = arith.cmpi ne, %convert_element_type3A_254, %cond3A_255 : i32
    scf.if %cond3A_256 {
      "tpu.region"() ({
        %run_scoped3A_257 = tpu.sem_alloc : memref<!tpu.dma_semaphore, #tpu.memory_space<semaphore_mem>>
        %dma_start3A_258 = arith.constant 9984 : i32
        %dma_start3A_259 = arith.constant 0 : i32
        %dma_start3A_260 = tpu.memref_slice %arg5[%arg0, %dma_start3A_258, %dma_start3A_259] : memref<2x10000x128xf32, #tpu.memory_space<hbm>> -> memref<1x16x128xf32, #tpu.memory_space<hbm>>
        %dma_start3A_261 = tpu.memref_squeeze %dma_start3A_260 : memref<1x16x128xf32, #tpu.memory_space<hbm>> -> memref<16x128xf32, #tpu.memory_space<hbm>>
        %dma_start3A_262 = arith.constant 9984 : i32
        %dma_start3A_263 = arith.constant 0 : i32
        %dma_start3A_264 = tpu.memref_slice %arg12[%dma_start3A_262, %dma_start3A_263] : memref<10128x128xf32, #tpu.memory_space<vmem_shared>> -> memref<16x128xf32, #tpu.memory_space<vmem_shared>>
        tpu.enqueue_dma source(%dma_start3A_264 : memref<16x128xf32, #tpu.memory_space<vmem_shared>>) target(%dma_start3A_261 : memref<16x128xf32, #tpu.memory_space<hbm>>) target_semaphore(%run_scoped3A_257 : memref<!tpu.dma_semaphore, #tpu.memory_space<semaphore_mem>>)
        %dma_wait3A_265 = arith.constant 9984 : i32
        %dma_wait3A_266 = arith.constant 0 : i32
        %dma_wait3A_267 = tpu.memref_slice %arg5[%arg0, %dma_wait3A_265, %dma_wait3A_266] : memref<2x10000x128xf32, #tpu.memory_space<hbm>> -> memref<1x16x128xf32, #tpu.memory_space<hbm>>
        %dma_wait3A_268 = tpu.memref_squeeze %dma_wait3A_267 : memref<1x16x128xf32, #tpu.memory_space<hbm>> -> memref<16x128xf32, #tpu.memory_space<hbm>>
        %dma_wait3A_269 = arith.constant 9984 : i32
        %dma_wait3A_270 = arith.constant 0 : i32
        %dma_wait3A_271 = tpu.memref_slice %arg12[%dma_wait3A_269, %dma_wait3A_270] : memref<10128x128xf32, #tpu.memory_space<vmem_shared>> -> memref<16x128xf32, #tpu.memory_space<vmem_shared>>
        tpu.wait_dma2 semaphore(%run_scoped3A_257 : memref<!tpu.dma_semaphore, #tpu.memory_space<semaphore_mem>>) src(%dma_wait3A_271 : memref<16x128xf32, #tpu.memory_space<vmem_shared>>) dst(%dma_wait3A_268 : memref<16x128xf32, #tpu.memory_space<hbm>>)
        tpu.yield
      }) : () -> ()
    } else {
    }
    return
  }
}

#map = affine_map<(d0, d1) -> (0)>
#map1 = affine_map<(d0, d1) -> (0, 0)>
module attributes {stable_mosaic.version = 14 : i64} {
  func.func @_hist_body(%arg0: i32, %arg1: i32, %arg2: memref<320000xi32, #tpu.memory_space<hbm>>, %arg3: memref<320000xi32, #tpu.memory_space<hbm>>, %arg4: memref<32x10000xf32, #tpu.memory_space<hbm>>, %arg5: memref<321536xi32, #tpu.memory_space<hbm>>, %arg6: memref<321536xi32, #tpu.memory_space<hbm>>, %arg7: memref<10000xi32, #tpu.memory_space<vmem>>, %arg8: memref<10000xf32, #tpu.memory_space<vmem>>, %arg9: memref<10048xi32, #tpu.memory_space<vmem>>, %arg10: memref<10048xi32, #tpu.memory_space<vmem>>, %arg11: memref<!tpu.dma_semaphore, #tpu.memory_space<semaphore_mem>>, %arg12: memref<!tpu.dma_semaphore, #tpu.memory_space<semaphore_mem>>, %arg13: memref<!tpu.dma_semaphore, #tpu.memory_space<semaphore_mem>>) attributes {dimension_semantics = [#tpu.dimension_semantics<core_parallel>, #tpu.dimension_semantics<subcore_parallel>], iteration_bounds = array<i64: 2, 16>, scalar_prefetch = 0 : i64, scratch_operands = 7 : i64, tpu.core_type = #tpu.core_type<sc_vector_subcore>, window_params = [{transform_indices = #map}, {transform_indices = #map}, {transform_indices = #map1}, {transform_indices = #map}, {transform_indices = #map}]} {
    %mul3A = arith.constant 16 : i32
    %mul3A_0 = arith.muli %arg0, %mul3A : i32
    %add3A = arith.addi %mul3A_0, %arg1 : i32
    %mul3A_1 = arith.constant 10000 : i32
    %mul3A_2 = arith.muli %add3A, %mul3A_1 : i32
    %dma_start3A = tpu.memref_slice %arg3[%mul3A_2] : memref<320000xi32, #tpu.memory_space<hbm>> -> memref<10000xi32, #tpu.memory_space<hbm>>
    %dma_start3A_3 = tpu.memref_slice %arg3[%mul3A_2] : memref<320000xi32, #tpu.memory_space<hbm>> -> memref<10000xi32, #tpu.memory_space<hbm>>
    tpu.enqueue_dma source(%dma_start3A_3 : memref<10000xi32, #tpu.memory_space<hbm>>) target(%arg7 : memref<10000xi32, #tpu.memory_space<vmem>>) target_semaphore(%arg11 : memref<!tpu.dma_semaphore, #tpu.memory_space<semaphore_mem>>)
    %lt3A = arith.constant 31 : i32
    %lt3A_4 = arith.cmpi slt, %add3A, %lt3A : i32
    %convert_element_type3A = arith.extui %lt3A_4 : i1 to i32
    %cond3A = arith.constant 0 : i32
    %cond3A_5 = arith.cmpi ne, %convert_element_type3A, %cond3A : i32
    scf.if %cond3A_5 {
      %mul3A_41 = arith.constant 10048 : i32
      %mul3A_42 = arith.muli %add3A, %mul3A_41 : i32
      %dma_start3A_43 = tpu.memref_slice %arg2[%mul3A_42] : memref<320000xi32, #tpu.memory_space<hbm>> -> memref<10048xi32, #tpu.memory_space<hbm>>
      %dma_start3A_44 = tpu.memref_slice %arg2[%mul3A_42] : memref<320000xi32, #tpu.memory_space<hbm>> -> memref<10048xi32, #tpu.memory_space<hbm>>
      tpu.enqueue_dma source(%dma_start3A_44 : memref<10048xi32, #tpu.memory_space<hbm>>) target(%arg9 : memref<10048xi32, #tpu.memory_space<vmem>>) target_semaphore(%arg12 : memref<!tpu.dma_semaphore, #tpu.memory_space<semaphore_mem>>)
      %mul3A_45 = arith.constant 10048 : i32
      %mul3A_46 = arith.muli %add3A, %mul3A_45 : i32
      %dma_start3A_47 = tpu.memref_slice %arg3[%mul3A_46] : memref<320000xi32, #tpu.memory_space<hbm>> -> memref<10048xi32, #tpu.memory_space<hbm>>
      %dma_start3A_48 = tpu.memref_slice %arg3[%mul3A_46] : memref<320000xi32, #tpu.memory_space<hbm>> -> memref<10048xi32, #tpu.memory_space<hbm>>
      tpu.enqueue_dma source(%dma_start3A_48 : memref<10048xi32, #tpu.memory_space<hbm>>) target(%arg10 : memref<10048xi32, #tpu.memory_space<vmem>>) target_semaphore(%arg13 : memref<!tpu.dma_semaphore, #tpu.memory_space<semaphore_mem>>)
    } else {
    }
    %eq3A = arith.constant 31 : i32
    %eq3A_6 = arith.cmpi eq, %add3A, %eq3A : i32
    %convert_element_type3A_7 = arith.extui %eq3A_6 : i1 to i32
    %cond3A_8 = arith.constant 0 : i32
    %cond3A_9 = arith.cmpi ne, %convert_element_type3A_7, %cond3A_8 : i32
    scf.if %cond3A_9 {
      %dma_start3A_41 = arith.constant 0 : i32
      %dma_start3A_42 = tpu.memref_slice %arg9[%dma_start3A_41] : memref<10048xi32, #tpu.memory_space<vmem>> -> memref<8512xi32, #tpu.memory_space<vmem>>
      %dma_start3A_43 = arith.constant 311488 : i32
      %dma_start3A_44 = tpu.memref_slice %arg2[%dma_start3A_43] : memref<320000xi32, #tpu.memory_space<hbm>> -> memref<8512xi32, #tpu.memory_space<hbm>>
      %dma_start3A_45 = arith.constant 0 : i32
      %dma_start3A_46 = tpu.memref_slice %arg9[%dma_start3A_45] : memref<10048xi32, #tpu.memory_space<vmem>> -> memref<8512xi32, #tpu.memory_space<vmem>>
      %dma_start3A_47 = arith.constant 311488 : i32
      %dma_start3A_48 = tpu.memref_slice %arg2[%dma_start3A_47] : memref<320000xi32, #tpu.memory_space<hbm>> -> memref<8512xi32, #tpu.memory_space<hbm>>
      tpu.enqueue_dma source(%dma_start3A_48 : memref<8512xi32, #tpu.memory_space<hbm>>) target(%dma_start3A_46 : memref<8512xi32, #tpu.memory_space<vmem>>) target_semaphore(%arg12 : memref<!tpu.dma_semaphore, #tpu.memory_space<semaphore_mem>>)
      %dma_start3A_49 = arith.constant 0 : i32
      %dma_start3A_50 = tpu.memref_slice %arg10[%dma_start3A_49] : memref<10048xi32, #tpu.memory_space<vmem>> -> memref<8512xi32, #tpu.memory_space<vmem>>
      %dma_start3A_51 = arith.constant 311488 : i32
      %dma_start3A_52 = tpu.memref_slice %arg3[%dma_start3A_51] : memref<320000xi32, #tpu.memory_space<hbm>> -> memref<8512xi32, #tpu.memory_space<hbm>>
      %dma_start3A_53 = arith.constant 0 : i32
      %dma_start3A_54 = tpu.memref_slice %arg10[%dma_start3A_53] : memref<10048xi32, #tpu.memory_space<vmem>> -> memref<8512xi32, #tpu.memory_space<vmem>>
      %dma_start3A_55 = arith.constant 311488 : i32
      %dma_start3A_56 = tpu.memref_slice %arg3[%dma_start3A_55] : memref<320000xi32, #tpu.memory_space<hbm>> -> memref<8512xi32, #tpu.memory_space<hbm>>
      tpu.enqueue_dma source(%dma_start3A_56 : memref<8512xi32, #tpu.memory_space<hbm>>) target(%dma_start3A_54 : memref<8512xi32, #tpu.memory_space<vmem>>) target_semaphore(%arg13 : memref<!tpu.dma_semaphore, #tpu.memory_space<semaphore_mem>>)
    } else {
    }
    %scan3A = arith.constant 0 : i32
    %scan3A_10 = arith.constant 0 : i32
    %scan3A_11 = arith.constant 625 : i32
    %scan3A_12 = arith.addi %scan3A_10, %scan3A_11 : i32
    %scan3A_13 = arith.constant 1 : i32
    %scan3A_14 = scf.for %scan3A_41 = %scan3A_10 to %scan3A_12 step %scan3A_13 iter_args(%scan3A_42 = %scan3A) -> (i32)  : i32 {
      %broadcast_in_dim3A_43 = arith.constant 0.000000e+00 : f32
      %broadcast_in_dim3A_44 = vector.broadcast %broadcast_in_dim3A_43 : f32 to vector<16xf32>
      %mul3A_45 = arith.constant 16 : i32
      %mul3A_46 = arith.muli %scan3A_41, %mul3A_45 : i32
      %swap3A = arith.index_cast %mul3A_46 : i32 to index
      %swap3A_47 = tpu.vector_load %arg8[%swap3A] {strides = array<i32>} : memref<10000xf32, #tpu.memory_space<vmem>>, vector<16xf32>,
      tpu.vector_store %arg8[%swap3A], %broadcast_in_dim3A_44 {strides = array<i32>} : memref<10000xf32, #tpu.memory_space<vmem>>, vector<16xf32>,
      %scan3A_48 = arith.constant 0 : i32
      scf.yield %scan3A_48 : i32
    }
    %scan3A_15 = arith.constant 625 : i32
    %mul3A_16 = arith.constant 10000 : i32
    %mul3A_17 = arith.muli %add3A, %mul3A_16 : i32
    %dma_wait3A = tpu.memref_slice %arg3[%mul3A_17] : memref<320000xi32, #tpu.memory_space<hbm>> -> memref<10000xi32, #tpu.memory_space<hbm>>
    %dma_wait3A_18 = tpu.memref_slice %arg3[%mul3A_17] : memref<320000xi32, #tpu.memory_space<hbm>> -> memref<10000xi32, #tpu.memory_space<hbm>>
    tpu.wait_dma2 semaphore(%arg11 : memref<!tpu.dma_semaphore, #tpu.memory_space<semaphore_mem>>) src(%dma_wait3A_18 : memref<10000xi32, #tpu.memory_space<hbm>>) dst(%arg7 : memref<10000xi32, #tpu.memory_space<vmem>>)
    %broadcast_in_dim3A = arith.constant 1.000000e+00 : f32
    %broadcast_in_dim3A_19 = vector.broadcast %broadcast_in_dim3A : f32 to vector<16xf32>
    %scan3A_20 = arith.constant 0 : i32
    %scan3A_21 = arith.constant 0 : i32
    %scan3A_22 = arith.constant 625 : i32
    %scan3A_23 = arith.addi %scan3A_21, %scan3A_22 : i32
    %scan3A_24 = arith.constant 1 : i32
    %scan3A_25 = scf.for %scan3A_41 = %scan3A_21 to %scan3A_23 step %scan3A_24 iter_args(%scan3A_42 = %scan3A_20) -> (i32)  : i32 {
      %mul3A_43 = arith.constant 16 : i32
      %mul3A_44 = arith.muli %scan3A_41, %mul3A_43 : i32
      %get3A = arith.index_cast %mul3A_44 : i32 to index
      %get3A_45 = tpu.vector_load %arg7[%get3A] {strides = array<i32>} : memref<10000xi32, #tpu.memory_space<vmem>>, vector<16xi32>,
      tpu.vector_store_idx %arg8[%get3A_45], %broadcast_in_dim3A_19 {add = true} : memref<10000xf32, #tpu.memory_space<vmem>>[vector<16xi32>], vector<16xf32>,
      %scan3A_46 = arith.constant 0 : i32
      scf.yield %scan3A_46 : i32
    }
    %scan3A_26 = arith.constant 625 : i32
    "tpu.region"() ({
      %run_scoped3A = tpu.sem_alloc : memref<!tpu.dma_semaphore, #tpu.memory_space<semaphore_mem>>
      %dma_start3A_41 = arith.constant 0 : i32
      %dma_start3A_42 = tpu.memref_slice %arg4[%add3A, %dma_start3A_41] : memref<32x10000xf32, #tpu.memory_space<hbm>> -> memref<1x10000xf32, #tpu.memory_space<hbm>>
      %dma_start3A_43 = tpu.memref_squeeze %dma_start3A_42 : memref<1x10000xf32, #tpu.memory_space<hbm>> -> memref<10000xf32, #tpu.memory_space<hbm>>
      %dma_start3A_44 = arith.constant 0 : i32
      %dma_start3A_45 = tpu.memref_slice %arg4[%add3A, %dma_start3A_44] : memref<32x10000xf32, #tpu.memory_space<hbm>> -> memref<1x10000xf32, #tpu.memory_space<hbm>>
      %dma_start3A_46 = tpu.memref_squeeze %dma_start3A_45 : memref<1x10000xf32, #tpu.memory_space<hbm>> -> memref<10000xf32, #tpu.memory_space<hbm>>
      tpu.enqueue_dma source(%arg8 : memref<10000xf32, #tpu.memory_space<vmem>>) target(%dma_start3A_46 : memref<10000xf32, #tpu.memory_space<hbm>>) target_semaphore(%run_scoped3A : memref<!tpu.dma_semaphore, #tpu.memory_space<semaphore_mem>>)
      %dma_wait3A_47 = arith.constant 0 : i32
      %dma_wait3A_48 = tpu.memref_slice %arg4[%add3A, %dma_wait3A_47] : memref<32x10000xf32, #tpu.memory_space<hbm>> -> memref<1x10000xf32, #tpu.memory_space<hbm>>
      %dma_wait3A_49 = tpu.memref_squeeze %dma_wait3A_48 : memref<1x10000xf32, #tpu.memory_space<hbm>> -> memref<10000xf32, #tpu.memory_space<hbm>>
      %dma_wait3A_50 = arith.constant 0 : i32
      %dma_wait3A_51 = tpu.memref_slice %arg4[%add3A, %dma_wait3A_50] : memref<32x10000xf32, #tpu.memory_space<hbm>> -> memref<1x10000xf32, #tpu.memory_space<hbm>>
      %dma_wait3A_52 = tpu.memref_squeeze %dma_wait3A_51 : memref<1x10000xf32, #tpu.memory_space<hbm>> -> memref<10000xf32, #tpu.memory_space<hbm>>
      tpu.wait_dma2 semaphore(%run_scoped3A : memref<!tpu.dma_semaphore, #tpu.memory_space<semaphore_mem>>) src(%arg8 : memref<10000xf32, #tpu.memory_space<vmem>>) dst(%dma_wait3A_52 : memref<10000xf32, #tpu.memory_space<hbm>>)
      tpu.yield
    }) : () -> ()
    %lt3A_27 = arith.constant 31 : i32
    %lt3A_28 = arith.cmpi slt, %add3A, %lt3A_27 : i32
    %convert_element_type3A_29 = arith.extui %lt3A_28 : i1 to i32
    %cond3A_30 = arith.constant 0 : i32
    %cond3A_31 = arith.cmpi ne, %convert_element_type3A_29, %cond3A_30 : i32
    scf.if %cond3A_31 {
      %mul3A_41 = arith.constant 10048 : i32
      %mul3A_42 = arith.muli %add3A, %mul3A_41 : i32
      %dma_wait3A_43 = tpu.memref_slice %arg2[%mul3A_42] : memref<320000xi32, #tpu.memory_space<hbm>> -> memref<10048xi32, #tpu.memory_space<hbm>>
      %dma_wait3A_44 = tpu.memref_slice %arg2[%mul3A_42] : memref<320000xi32, #tpu.memory_space<hbm>> -> memref<10048xi32, #tpu.memory_space<hbm>>
      tpu.wait_dma2 semaphore(%arg12 : memref<!tpu.dma_semaphore, #tpu.memory_space<semaphore_mem>>) src(%dma_wait3A_44 : memref<10048xi32, #tpu.memory_space<hbm>>) dst(%arg9 : memref<10048xi32, #tpu.memory_space<vmem>>)
      %mul3A_45 = arith.constant 10048 : i32
      %mul3A_46 = arith.muli %add3A, %mul3A_45 : i32
      %dma_wait3A_47 = tpu.memref_slice %arg3[%mul3A_46] : memref<320000xi32, #tpu.memory_space<hbm>> -> memref<10048xi32, #tpu.memory_space<hbm>>
      %dma_wait3A_48 = tpu.memref_slice %arg3[%mul3A_46] : memref<320000xi32, #tpu.memory_space<hbm>> -> memref<10048xi32, #tpu.memory_space<hbm>>
      tpu.wait_dma2 semaphore(%arg13 : memref<!tpu.dma_semaphore, #tpu.memory_space<semaphore_mem>>) src(%dma_wait3A_48 : memref<10048xi32, #tpu.memory_space<hbm>>) dst(%arg10 : memref<10048xi32, #tpu.memory_space<vmem>>)
    } else {
    }
    %eq3A_32 = arith.constant 31 : i32
    %eq3A_33 = arith.cmpi eq, %add3A, %eq3A_32 : i32
    %convert_element_type3A_34 = arith.extui %eq3A_33 : i1 to i32
    %cond3A_35 = arith.constant 0 : i32
    %cond3A_36 = arith.cmpi ne, %convert_element_type3A_34, %cond3A_35 : i32
    scf.if %cond3A_36 {
      %dma_wait3A_41 = arith.constant 0 : i32
      %dma_wait3A_42 = tpu.memref_slice %arg9[%dma_wait3A_41] : memref<10048xi32, #tpu.memory_space<vmem>> -> memref<8512xi32, #tpu.memory_space<vmem>>
      %dma_wait3A_43 = arith.constant 311488 : i32
      %dma_wait3A_44 = tpu.memref_slice %arg2[%dma_wait3A_43] : memref<320000xi32, #tpu.memory_space<hbm>> -> memref<8512xi32, #tpu.memory_space<hbm>>
      %dma_wait3A_45 = arith.constant 0 : i32
      %dma_wait3A_46 = tpu.memref_slice %arg9[%dma_wait3A_45] : memref<10048xi32, #tpu.memory_space<vmem>> -> memref<8512xi32, #tpu.memory_space<vmem>>
      %dma_wait3A_47 = arith.constant 311488 : i32
      %dma_wait3A_48 = tpu.memref_slice %arg2[%dma_wait3A_47] : memref<320000xi32, #tpu.memory_space<hbm>> -> memref<8512xi32, #tpu.memory_space<hbm>>
      tpu.wait_dma2 semaphore(%arg12 : memref<!tpu.dma_semaphore, #tpu.memory_space<semaphore_mem>>) src(%dma_wait3A_48 : memref<8512xi32, #tpu.memory_space<hbm>>) dst(%dma_wait3A_46 : memref<8512xi32, #tpu.memory_space<vmem>>)
      %dma_wait3A_49 = arith.constant 0 : i32
      %dma_wait3A_50 = tpu.memref_slice %arg10[%dma_wait3A_49] : memref<10048xi32, #tpu.memory_space<vmem>> -> memref<8512xi32, #tpu.memory_space<vmem>>
      %dma_wait3A_51 = arith.constant 311488 : i32
      %dma_wait3A_52 = tpu.memref_slice %arg3[%dma_wait3A_51] : memref<320000xi32, #tpu.memory_space<hbm>> -> memref<8512xi32, #tpu.memory_space<hbm>>
      %dma_wait3A_53 = arith.constant 0 : i32
      %dma_wait3A_54 = tpu.memref_slice %arg10[%dma_wait3A_53] : memref<10048xi32, #tpu.memory_space<vmem>> -> memref<8512xi32, #tpu.memory_space<vmem>>
      %dma_wait3A_55 = arith.constant 311488 : i32
      %dma_wait3A_56 = tpu.memref_slice %arg3[%dma_wait3A_55] : memref<320000xi32, #tpu.memory_space<hbm>> -> memref<8512xi32, #tpu.memory_space<hbm>>
      tpu.wait_dma2 semaphore(%arg13 : memref<!tpu.dma_semaphore, #tpu.memory_space<semaphore_mem>>) src(%dma_wait3A_56 : memref<8512xi32, #tpu.memory_space<hbm>>) dst(%dma_wait3A_54 : memref<8512xi32, #tpu.memory_space<vmem>>)
      %scan3A_57 = arith.constant 0 : i32
      %scan3A_58 = arith.constant 0 : i32
      %scan3A_59 = arith.constant 96 : i32
      %scan3A_60 = arith.addi %scan3A_58, %scan3A_59 : i32
      %scan3A_61 = arith.constant 1 : i32
      %scan3A_62 = scf.for %scan3A_64 = %scan3A_58 to %scan3A_60 step %scan3A_61 iter_args(%scan3A_65 = %scan3A_57) -> (i32)  : i32 {
        %mul3A_66 = arith.constant 16 : i32
        %mul3A_67 = arith.muli %scan3A_64, %mul3A_66 : i32
        %iota3A = tpu.iota {dimensions = array<i32: 0>} : vector<16xi32>
        %add3A_68 = vector.broadcast %mul3A_67 : i32 to vector<16xi32>
        %add3A_69 = arith.addi %add3A_68, %iota3A : vector<16xi32>
        %mul3A_70 = arith.constant 16 : i32
        %mul3A_71 = arith.muli %scan3A_64, %mul3A_70 : i32
        %add3A_72 = arith.constant 8512 : i32
        %add3A_73 = arith.addi %add3A_72, %mul3A_71 : i32
        %swap3A = arith.index_cast %add3A_73 : i32 to index
        %swap3A_74 = tpu.vector_load %arg9[%swap3A] {strides = array<i32>} : memref<10048xi32, #tpu.memory_space<vmem>>, vector<16xi32>,
        tpu.vector_store %arg9[%swap3A], %add3A_69 {strides = array<i32>} : memref<10048xi32, #tpu.memory_space<vmem>>, vector<16xi32>,
        %rem3A = arith.constant 128 : i32
        %rem3A_75 = vector.broadcast %rem3A : i32 to vector<16xi32>
        %rem3A_76 = arith.remsi %add3A_69, %rem3A_75 : vector<16xi32>
        %add3A_77 = arith.constant 10000 : i32
        %add3A_78 = vector.broadcast %add3A_77 : i32 to vector<16xi32>
        %add3A_79 = arith.addi %add3A_78, %rem3A_76 : vector<16xi32>
        %mul3A_80 = arith.constant 16 : i32
        %mul3A_81 = arith.muli %scan3A_64, %mul3A_80 : i32
        %add3A_82 = arith.constant 8512 : i32
        %add3A_83 = arith.addi %add3A_82, %mul3A_81 : i32
        %swap3A_84 = arith.index_cast %add3A_83 : i32 to index
        %swap3A_85 = tpu.vector_load %arg10[%swap3A_84] {strides = array<i32>} : memref<10048xi32, #tpu.memory_space<vmem>>, vector<16xi32>,
        tpu.vector_store %arg10[%swap3A_84], %add3A_79 {strides = array<i32>} : memref<10048xi32, #tpu.memory_space<vmem>>, vector<16xi32>,
        %scan3A_86 = arith.constant 0 : i32
        scf.yield %scan3A_86 : i32
      }
      %scan3A_63 = arith.constant 96 : i32
    } else {
    }
    %mul3A_37 = arith.constant 10048 : i32
    %mul3A_38 = arith.muli %add3A, %mul3A_37 : i32
    "tpu.region"() ({
      %run_scoped3A = tpu.sem_alloc : memref<!tpu.dma_semaphore, #tpu.memory_space<semaphore_mem>>
      %dma_start3A_41 = tpu.memref_slice %arg5[%mul3A_38] : memref<321536xi32, #tpu.memory_space<hbm>> -> memref<10048xi32, #tpu.memory_space<hbm>>
      %dma_start3A_42 = tpu.memref_slice %arg5[%mul3A_38] : memref<321536xi32, #tpu.memory_space<hbm>> -> memref<10048xi32, #tpu.memory_space<hbm>>
      tpu.enqueue_dma source(%arg9 : memref<10048xi32, #tpu.memory_space<vmem>>) target(%dma_start3A_42 : memref<10048xi32, #tpu.memory_space<hbm>>) target_semaphore(%run_scoped3A : memref<!tpu.dma_semaphore, #tpu.memory_space<semaphore_mem>>)
      %dma_wait3A_43 = tpu.memref_slice %arg5[%mul3A_38] : memref<321536xi32, #tpu.memory_space<hbm>> -> memref<10048xi32, #tpu.memory_space<hbm>>
      %dma_wait3A_44 = tpu.memref_slice %arg5[%mul3A_38] : memref<321536xi32, #tpu.memory_space<hbm>> -> memref<10048xi32, #tpu.memory_space<hbm>>
      tpu.wait_dma2 semaphore(%run_scoped3A : memref<!tpu.dma_semaphore, #tpu.memory_space<semaphore_mem>>) src(%arg9 : memref<10048xi32, #tpu.memory_space<vmem>>) dst(%dma_wait3A_44 : memref<10048xi32, #tpu.memory_space<hbm>>)
      tpu.yield
    }) : () -> ()
    %mul3A_39 = arith.constant 10048 : i32
    %mul3A_40 = arith.muli %add3A, %mul3A_39 : i32
    "tpu.region"() ({
      %run_scoped3A = tpu.sem_alloc : memref<!tpu.dma_semaphore, #tpu.memory_space<semaphore_mem>>
      %dma_start3A_41 = tpu.memref_slice %arg6[%mul3A_40] : memref<321536xi32, #tpu.memory_space<hbm>> -> memref<10048xi32, #tpu.memory_space<hbm>>
      %dma_start3A_42 = tpu.memref_slice %arg6[%mul3A_40] : memref<321536xi32, #tpu.memory_space<hbm>> -> memref<10048xi32, #tpu.memory_space<hbm>>
      tpu.enqueue_dma source(%arg10 : memref<10048xi32, #tpu.memory_space<vmem>>) target(%dma_start3A_42 : memref<10048xi32, #tpu.memory_space<hbm>>) target_semaphore(%run_scoped3A : memref<!tpu.dma_semaphore, #tpu.memory_space<semaphore_mem>>)
      %dma_wait3A_43 = tpu.memref_slice %arg6[%mul3A_40] : memref<321536xi32, #tpu.memory_space<hbm>> -> memref<10048xi32, #tpu.memory_space<hbm>>
      %dma_wait3A_44 = tpu.memref_slice %arg6[%mul3A_40] : memref<321536xi32, #tpu.memory_space<hbm>> -> memref<10048xi32, #tpu.memory_space<hbm>>
      tpu.wait_dma2 semaphore(%run_scoped3A : memref<!tpu.dma_semaphore, #tpu.memory_space<semaphore_mem>>) src(%arg10 : memref<10048xi32, #tpu.memory_space<vmem>>) dst(%dma_wait3A_44 : memref<10048xi32, #tpu.memory_space<hbm>>)
      tpu.yield
    }) : () -> ()
    return
  }
}

module attributes {stable_mosaic.version = 14 : i64} {
  func.func @_final_body(%arg0: i32, %arg1: memref<2x2000x128xf32, #tpu.memory_space<vmem>>, %arg2: memref<2000x128xf32, #tpu.memory_space<vmem>>, %arg3: memref<2000x32xf32, #tpu.memory_space<vmem>>, %arg4: memref<1x128xf32, #tpu.memory_space<vmem>>, %arg5: memref<1x128xf32, #tpu.memory_space<vmem>>, %arg6: memref<2000x128xf32, #tpu.memory_space<vmem>>) attributes {dimension_semantics = [#tpu.dimension_semantics<arbitrary>], iteration_bounds = array<i64: 5>, scalar_prefetch = 0 : i64, scratch_operands = 0 : i64, tpu.core_type = #tpu.core_type<tc>, window_params = [{transform_indices = @transform_0, window_bounds = array<i64: 2, 2000, 128>}, {transform_indices = @transform_1, window_bounds = array<i64: 2000, 128>}, {transform_indices = @transform_2, window_bounds = array<i64: 2000, 32>}, {pipeline_mode = #tpu.pipeline_mode<synchronous>, transform_indices = @transform_3, window_bounds = array<i64: 1, 128>}, {pipeline_mode = #tpu.pipeline_mode<synchronous>, transform_indices = @transform_4, window_bounds = array<i64: 1, 128>}, {transform_indices = @transform_5, window_bounds = array<i64: 2000, 128>}]} {
    %get3A = arith.constant 0 : index
    %get3A_0 = arith.constant 0 : index
    %get3A_1 = vector.load %arg3[%get3A, %get3A_0] : memref<2000x32xf32, #tpu.memory_space<vmem>>, vector<2000x32xf32>
    %reduce_sum3A = arith.constant dense<0.000000e+00> : vector<2000xf32>
    %reduce_sum3A_2 = vector.multi_reduction <add>, %get3A_1, %reduce_sum3A [1] : vector<2000x32xf32> to vector<2000xf32>
    %add3A = arith.constant 1.000000e+00 : f32
    %add3A_3 = vector.broadcast %add3A : f32 to vector<2000xf32>
    %add3A_4 = arith.addf %add3A_3, %reduce_sum3A_2 : vector<2000xf32>
    %rsqrt3A = math.rsqrt %add3A_4 : vector<2000xf32>
    %get3A_5 = arith.constant 0 : index
    %get3A_6 = arith.constant 0 : index
    %get3A_7 = arith.constant 0 : index
    %get3A_8 = vector.load %arg1[%get3A_5, %get3A_6, %get3A_7] : memref<2x2000x128xf32, #tpu.memory_space<vmem>>, vector<1x2000x128xf32>
    %get3A_9 = vector.shape_cast %get3A_8 : vector<1x2000x128xf32> to vector<2000x128xf32>
    %get3A_10 = arith.constant 1 : index
    %get3A_11 = arith.constant 0 : index
    %get3A_12 = arith.constant 0 : index
    %get3A_13 = vector.load %arg1[%get3A_10, %get3A_11, %get3A_12] : memref<2x2000x128xf32, #tpu.memory_space<vmem>>, vector<1x2000x128xf32>
    %get3A_14 = vector.shape_cast %get3A_13 : vector<1x2000x128xf32> to vector<2000x128xf32>
    %add3A_15 = arith.addf %get3A_9, %get3A_14 : vector<2000x128xf32>
    %get3A_16 = arith.constant 0 : index
    %get3A_17 = arith.constant 0 : index
    %get3A_18 = vector.load %arg2[%get3A_16, %get3A_17] : memref<2000x128xf32, #tpu.memory_space<vmem>>, vector<2000x128xf32>
    %add3A_19 = arith.addf %add3A_15, %get3A_18 : vector<2000x128xf32>
    %broadcast_in_dim3A = vector.shape_cast %rsqrt3A : vector<2000xf32> to vector<2000x1xf32>
    %mul3A = vector.broadcast %broadcast_in_dim3A : vector<2000x1xf32> to vector<2000x128xf32>
    %mul3A_20 = arith.mulf %add3A_19, %mul3A : vector<2000x128xf32>
    %get3A_21 = arith.constant 0 : index
    %get3A_22 = arith.constant 0 : index
    %get3A_23 = vector.load %arg4[%get3A_21, %get3A_22] : memref<1x128xf32, #tpu.memory_space<vmem>>, vector<1x128xf32>
    %add3A_24 = vector.broadcast %get3A_23 : vector<1x128xf32> to vector<2000x128xf32>
    %add3A_25 = arith.addf %mul3A_20, %add3A_24 : vector<2000x128xf32>
    %ge3A = arith.constant 0.000000e+00 : f32
    %ge3A_26 = vector.broadcast %ge3A : f32 to vector<2000x128xf32>
    %ge3A_27 = arith.cmpf oge, %add3A_25, %ge3A_26 : vector<2000x128xf32>
    %get3A_28 = arith.constant 0 : index
    %get3A_29 = arith.constant 0 : index
    %get3A_30 = vector.load %arg5[%get3A_28, %get3A_29] : memref<1x128xf32, #tpu.memory_space<vmem>>, vector<1x128xf32>
    %mul3A_31 = vector.broadcast %get3A_30 : vector<1x128xf32> to vector<2000x128xf32>
    %mul3A_32 = arith.mulf %mul3A_31, %add3A_25 : vector<2000x128xf32>
    %select_n3A = arith.select %ge3A_27, %add3A_25, %mul3A_32 : vector<2000x128xi1>, vector<2000x128xf32>
    %swap3A = arith.constant 0 : index
    %swap3A_33 = arith.constant 0 : index
    %swap3A_34 = vector.load %arg6[%swap3A, %swap3A_33] : memref<2000x128xf32, #tpu.memory_space<vmem>>, vector<2000x128xf32>
    tpu.vector_store %arg6[%swap3A, %swap3A_33], %select_n3A {strides = array<i32>} : memref<2000x128xf32, #tpu.memory_space<vmem>>, vector<2000x128xf32>,
    return
  }
  func.func @transform_0(%arg0: i32) -> (i32, i32, i32) {
    %c0_i32 = arith.constant 0 : i32
    %c0_i32_0 = arith.constant 0 : i32
    %c0_i32_1 = arith.constant 0 : i32
    return %c0_i32, %arg0, %c0_i32_0 : i32, i32, i32
  }
  func.func @transform_1(%arg0: i32) -> (i32, i32) {
    %c0_i32 = arith.constant 0 : i32
    %c0_i32_0 = arith.constant 0 : i32
    return %arg0, %c0_i32 : i32, i32
  }
  func.func @transform_2(%arg0: i32) -> (i32, i32) {
    %c0_i32 = arith.constant 0 : i32
    %c0_i32_0 = arith.constant 0 : i32
    return %arg0, %c0_i32 : i32, i32
  }
  func.func @transform_3(%arg0: i32) -> (i32, i32) {
    %c0_i32 = arith.constant 0 : i32
    %c0_i32_0 = arith.constant 0 : i32
    %c0_i32_1 = arith.constant 0 : i32
    return %c0_i32, %c0_i32_0 : i32, i32
  }
  func.func @transform_4(%arg0: i32) -> (i32, i32) {
    %c0_i32 = arith.constant 0 : i32
    %c0_i32_0 = arith.constant 0 : i32
    %c0_i32_1 = arith.constant 0 : i32
    return %c0_i32, %c0_i32_0 : i32, i32
  }
  func.func @transform_5(%arg0: i32) -> (i32, i32) {
    %c0_i32 = arith.constant 0 : i32
    %c0_i32_0 = arith.constant 0 : i32
    return %arg0, %c0_i32 : i32, i32
  }
}

module attributes {stable_mosaic.version = 14 : i64} {
  func.func @_matmul_body(%arg0: i32, %arg1: memref<2000x128xf32, #tpu.memory_space<vmem>>, %arg2: memref<128x128xf32, #tpu.memory_space<vmem>>, %arg3: memref<2000x32xf32, #tpu.memory_space<vmem>>, %arg4: memref<2000x128xf32, #tpu.memory_space<vmem>>) attributes {dimension_semantics = [#tpu.dimension_semantics<arbitrary>], iteration_bounds = array<i64: 5>, scalar_prefetch = 0 : i64, scratch_operands = 0 : i64, tpu.core_type = #tpu.core_type<tc>, window_params = [{transform_indices = @transform_0, window_bounds = array<i64: 2000, 128>}, {pipeline_mode = #tpu.pipeline_mode<synchronous>, transform_indices = @transform_1, window_bounds = array<i64: 128, 128>}, {transform_indices = @transform_2, window_bounds = array<i64: 2000, 32>}, {transform_indices = @transform_3, window_bounds = array<i64: 2000, 128>}]} {
    %get3A = arith.constant 0 : index
    %get3A_0 = arith.constant 0 : index
    %get3A_1 = vector.load %arg1[%get3A, %get3A_0] : memref<2000x128xf32, #tpu.memory_space<vmem>>, vector<2000x128xf32>
    %get3A_2 = arith.constant 0 : index
    %get3A_3 = arith.constant 0 : index
    %get3A_4 = vector.load %arg2[%get3A_2, %get3A_3] : memref<128x128xf32, #tpu.memory_space<vmem>>, vector<128x128xf32>
    %dot_general3A = arith.constant dense<0.000000e+00> : vector<2000x128xf32>
    %dot_general3A_5 = tpu.matmul %get3A_1, %get3A_4, %dot_general3A {dimension_numbers = #tpu.dot_dimension_numbers<[1], [0], [0], [1], [0, 0, 1, 1], [], []>, transpose_lhs_hint = false} : vector<2000x128xf32>, vector<128x128xf32>, vector<2000x128xf32> -> vector<2000x128xf32>
    %get3A_6 = arith.constant 0 : index
    %get3A_7 = arith.constant 0 : index
    %get3A_8 = vector.load %arg3[%get3A_6, %get3A_7] : memref<2000x32xf32, #tpu.memory_space<vmem>>, vector<2000x32xf32>
    %reduce_sum3A = arith.constant dense<0.000000e+00> : vector<2000xf32>
    %reduce_sum3A_9 = vector.multi_reduction <add>, %get3A_8, %reduce_sum3A [1] : vector<2000x32xf32> to vector<2000xf32>
    %add3A = arith.constant 1.000000e+00 : f32
    %add3A_10 = vector.broadcast %add3A : f32 to vector<2000xf32>
    %add3A_11 = arith.addf %add3A_10, %reduce_sum3A_9 : vector<2000xf32>
    %rsqrt3A = math.rsqrt %add3A_11 : vector<2000xf32>
    %broadcast_in_dim3A = vector.shape_cast %rsqrt3A : vector<2000xf32> to vector<2000x1xf32>
    %mul3A = vector.broadcast %broadcast_in_dim3A : vector<2000x1xf32> to vector<2000x128xf32>
    %mul3A_12 = arith.mulf %dot_general3A_5, %mul3A : vector<2000x128xf32>
    %swap3A = arith.constant 0 : index
    %swap3A_13 = arith.constant 0 : index
    %swap3A_14 = vector.load %arg4[%swap3A, %swap3A_13] : memref<2000x128xf32, #tpu.memory_space<vmem>>, vector<2000x128xf32>
    tpu.vector_store %arg4[%swap3A, %swap3A_13], %mul3A_12 {strides = array<i32>} : memref<2000x128xf32, #tpu.memory_space<vmem>>, vector<2000x128xf32>,
    return
  }
  func.func @transform_0(%arg0: i32) -> (i32, i32) {
    %c0_i32 = arith.constant 0 : i32
    %c0_i32_0 = arith.constant 0 : i32
    return %arg0, %c0_i32 : i32, i32
  }
  func.func @transform_1(%arg0: i32) -> (i32, i32) {
    %c0_i32 = arith.constant 0 : i32
    %c0_i32_0 = arith.constant 0 : i32
    %c0_i32_1 = arith.constant 0 : i32
    return %c0_i32, %c0_i32_0 : i32, i32
  }
  func.func @transform_2(%arg0: i32) -> (i32, i32) {
    %c0_i32 = arith.constant 0 : i32
    %c0_i32_0 = arith.constant 0 : i32
    return %arg0, %c0_i32 : i32, i32
  }
  func.func @transform_3(%arg0: i32) -> (i32, i32) {
    %c0_i32 = arith.constant 0 : i32
    %c0_i32_0 = arith.constant 0 : i32
    return %arg0, %c0_i32 : i32, i32
  }
}

</mosaic_0001>

<sc_bundles>
// kernel: kernel.6.cloned.1.call-start
scs
__scs_entry_jumppad:
0x0: {  	(pc) =	sbr.rel $0x88, $3  }
0x1: {  	(tag) =	ssettag $0x0;
	lr =	simm.s32 $0x1  }
0x2: {  	[smem:$0x3F9C] =	sst lr;
	_ =	strace $0xD0000000  }
0x3: {  	_ = 	snop  }
0x4: {  	_ = 	snop  }
0x5: {  	_ = 	snop  }
0x6: {  	_ = 	snop  }
0x7: {  	_ = 	snop  }
__scs_overlays_trampoline_lowered:
0x8: {  	[smem:$0x3FAB] =	sst s0  }
0x9: {  	[smem:$0x3FAC] =	sst s1  }
0xa: {  	[smem:$0x3FAD] =	sst s2  }
0xb: {  	[smem:$0x3FAE] =	sst s3  }
0xc: {  	[smem:$0x3FAF] =	sst s4  }
0xd: {  	[smem:$0x3FB0] =	sst s5  }
0xe: {  	[smem:$0x3FB1] =	sst s6  }
0xf: {  	[smem:$0x3FB2] =	sst s7  }
0x10: {  	[smem:$0x3FB3] =	sst s8  }
0x11: {  	[smem:$0x3FB4] =	sst s9;
	s0 =	simm.s32 @!p0 $0x0  }
0x12: {  	s1 =	sld [smem:$0x3F9A];
	s0 =	simm.s32 @p0 $0x1  }
0x13: {  	[smem:$0x3FB5] =	sst s0;
	s0 =	simm.s32 @!p1 $0x0  }
0x14: {  	s2 =	sld [smem:$0x3F99];
	s0 =	simm.s32 @p1 $0x1  }
0x15: {  	[smem:$0x3FB6] =	sst s0;
	s0 =	simm.s32 @!p2 $0x0  }
0x16: {  	s3 =	sld [smem:$0x3FDB];
	s0 =	simm.s32 @p2 $0x1  }
0x17: {  	s4 =	simm.s32 $0x1BF5;
	[smem:$0x3FB8] =	sst s0  }
0x18: {  	s0 =	sld [smem:$0x3F9B];
	_ =	swait.ge [sflag:s4], $0x0  }
0x19: {  	s7 =	sld [smem:$0x3F9C]  }
0x1a: {  	s8 =	sadd.s32 $0xFFFFE003, lr  }
0x1b: {  	s9 =	sadd.s32 $0xFFFFFEF7, lr;
	s5 =	simm.s32 $0xFFFFFFFF;
	p2 =	slt.u32 s8, $0xFFFFF086  }
0x1c: {  	p1 =	slt.u32 s9, $0xF7A;
	s5 =	simm.s32 @!p2 $0x0  }
0x1d: {  	s5 =	simm.s32 @p1 $0x1;
	p0 =	seq.s32 s7, s2  }
0x1e: {  	s7 =	smul.u32 @!p0 $0xF7A, s2;
	p2 =	seq.s32 @!p0 s5, $0x0  }
0x1f: {  	s9 =	smul.u32 $0xF7A, s1;
	s8 =	simm.s32 @!p0 $0x1BF5;
	p2 =	por !p2, p0  }
0x20: {  	[sflag:s8] =	ssyncset.s32 @!p0 $0xFFFFF086;
	s6 =	sadd.s32 @!p0 s3, s7;
	s7 =	simm.s32 @!p0 $0x108  }
0x21: {  	s3 =	sadd.s32 s3, s9;
	s6 =	sadd.s32 @!p0 $0x88, s6;
	s7 =	simm.s32 @p2 $0x1082  }
0x22: {  	[simem:s7], [sflag:s8] =	dma.local @!p0 [hbm:s6], $0xF7A  }
0x23: {  	s9 =	sor.u32 $0xD0000000, s2;
	s6 =	simm.s32 $0x108;
	_ =	swait.ge @!p0 [sflag:s8], $0x0  }
0x24: {  	s3 =	sadd.s32 $0x88, s3;
	s6 =	simm.s32 @!p1 $0x1082;
	[sflag:s4] =	ssyncset.s32 $0xFFFFF086  }
0x25: {  	[simem:s6], [sflag:s4] =	dma.local [hbm:s3], $0xF7A  }
0x26: {  	[smem:$0x3F9C] =	sst s1;
	(tag) =	ssettag s2;
	_ =	strace s9  }
0x27: {  	s1 =	sld [smem:$0x3FAC]  }
0x28: {  	s2 =	sld [smem:$0x3FAD]  }
0x29: {  	s4 =	sld [smem:$0x3FAF]  }
0x2a: {  	p0 =	seq.s32 s5, $0x0;
	s5 =	sld [smem:$0x3FB0]  }
0x2b: {  	s6 =	sld [smem:$0x3FB1]  }
0x2c: {  	s7 =	sld [smem:$0x3FB2]  }
0x2d: {  	s3 =	simm.s32 $0x108;
	s8 =	sld [smem:$0x3FB3]  }
0x2e: {  	s3 =	simm.s32 @!p0 $0x1082;
	s9 =	sld [smem:$0x3FB4]  }
0x2f: {  	lr =	sadd.s32 s0, s3;
	s0 =	sld [smem:$0x3FAB]  }
0x30: {  	s3 =	sld [smem:$0x3FAE]  }
0x31: {  	[smem:$0x3FB7] =	sst s10  }
0x32: {  	s10 =	sld [smem:$0x3FB5];
	_ =	sdelay $0x3  }
0x33: {  	p0 =	seq.s32 s10, $0x1;
	s10 =	sld [smem:$0x3FB7];
	_ =	sdelay $0x3  }
0x34: {  	[smem:$0x3FB7] =	sst s10  }
0x35: {  	s10 =	sld [smem:$0x3FB6];
	_ =	sdelay $0x3  }
0x36: {  	p1 =	seq.s32 s10, $0x1;
	s10 =	sld [smem:$0x3FB7];
	_ =	sdelay $0x3  }
0x37: {  	[smem:$0x3FB7] =	sst s10  }
0x38: {  	s10 =	sld [smem:$0x3FB8]  }
0x39: {  	_ = 	snop;
	(pc) =	sbr.ind lr, $3  }
0x3a: {  	_ = 	snop  }
0x3b: {  	_ = 	snop  }
0x3c: {  	p2 =	seq.s32 s10, $0x1;
	s10 =	sld [smem:$0x3FB7]  }
0x3d: {  	_ =	shalt  }
0x3e: {  	_ =	shalt  }
0x3f: {  	_ =	shalt  }
0x40: {  	_ =	shalt  }
0x41: {  	_ =	shalt  }
0x42: {  	_ =	shalt  }
0x43: {  	_ =	shalt  }
0x44: {  	_ =	shalt  }
0x45: {  	_ =	shalt  }
0x46: {  	_ =	shalt  }
0x47: {  	_ =	shalt  }
0x48: {  	_ =	shalt  }
0x49: {  	_ =	shalt  }
0x4a: {  	_ =	shalt  }
0x4b: {  	_ =	shalt  }
0x4c: {  	_ =	shalt  }
0x4d: {  	_ =	shalt  }
0x4e: {  	_ =	shalt  }
0x4f: {  	_ =	shalt  }
0x50: {  	_ =	shalt  }
0x51: {  	_ =	shalt  }
0x52: {  	_ =	shalt  }
0x53: {  	_ =	shalt  }
0x54: {  	_ =	shalt  }
0x55: {  	_ =	shalt  }
0x56: {  	_ =	shalt  }
0x57: {  	_ =	shalt  }
0x58: {  	_ =	shalt  }
0x59: {  	_ =	shalt  }
0x5a: {  	_ =	shalt  }
0x5b: {  	_ =	shalt  }
0x5c: {  	_ =	shalt  }
0x5d: {  	_ =	shalt  }
0x5e: {  	_ =	shalt  }
0x5f: {  	_ =	shalt  }
0x60: {  	_ =	shalt  }
0x61: {  	_ =	shalt  }
0x62: {  	_ =	shalt  }
0x63: {  	_ =	shalt  }
0x64: {  	_ =	shalt  }
0x65: {  	_ =	shalt  }
0x66: {  	_ =	shalt  }
0x67: {  	_ =	shalt  }
0x68: {  	_ =	shalt  }
0x69: {  	_ =	shalt  }
0x6a: {  	_ =	shalt  }
0x6b: {  	_ =	shalt  }
0x6c: {  	_ =	shalt  }
0x6d: {  	_ =	shalt  }
0x6e: {  	_ =	shalt  }
0x6f: {  	_ =	shalt  }
0x70: {  	_ =	shalt  }
0x71: {  	_ =	shalt  }
0x72: {  	_ =	shalt  }
0x73: {  	_ =	shalt  }
0x74: {  	_ =	shalt  }
0x75: {  	_ =	shalt  }
0x76: {  	_ =	shalt  }
0x77: {  	_ =	shalt  }
0x78: {  	_ =	shalt  }
0x79: {  	_ =	shalt  }
0x7a: {  	_ =	shalt  }
0x7b: {  	_ =	shalt  }
0x7c: {  	_ =	shalt  }
0x7d: {  	_ =	shalt  }
0x7e: {  	_ =	shalt  }
0x7f: {  	_ =	shalt  }
0x80: {  	_ =	shalt  }
0x81: {  	_ =	shalt  }
0x82: {  	_ =	shalt  }
0x83: {  	_ =	shalt  }
0x84: {  	_ =	shalt  }
0x85: {  	_ =	shalt  }
0x86: {  	_ =	shalt  }
0x87: {  	_ =	shalt  }
.Lfunc_end0:
.L_simem_size_0:
called_computation_lowered:
.L_overlay_start_0:
0x88: {  	s2 =	sld [smem:$0x3FD9]  }
0x89: {  	s3 =	sld [smem:$0x3FFE];
	_ =	sdelay $0x1  }
0x8a: {  	s1 =	srdreg.scid  }
0x8b: {  	s0 =	sand.u32 $0x1, s1  }
0x8c: {  	s17 =	sshll.u32 s0, $0xA;
	s2 =	sadd.s32 s3, s2  }
0x8d: {  	s2 =	sadd.s32 s2, s17  }
0x8e: {  	[smem:$0x3FC3] =	sst s2  }
0x8f: {  	_ = 	snop  }
0x90: {  	s2 =	sld [smem:$0x3FD0];
	(tm) =	ssettm $0x1  }
0x91: {  	s18 =	sld [smem:$0x3FFB];
	_ =	sdelay $0x3  }
0x92: {  	_ =	strace s18  }
0x93: {  	s3 =	sld [smem:$0x3FFC];
	_ =	sdelay $0x3  }
0x94: {  	_ =	strace s3  }
0x95: {  	s3 =	sld [smem:$0x3FFD];
	_ =	sdelay $0x3  }
0x96: {  	_ =	strace s3  }
0x97: {  	_ =	strace $0x8FFFFFFF  }
0x98: {  	s19 =	sld [smem:$0x3FDB];
	_ =	sdelay $0x1  }
0x99: {  	s4 =	simm.s32 $_scs_section_size  }
0x9a: {  	s5 =	simm.s32 $_size__tile_overlayer_lowered;
	s6 =	simm.s32 $_tile_overlayer_lowered  }
0x9b: {  	s22 =	simm.s32 $0x1BFF;
	s21 =	sshll.u32 s6, $0x1;
	s3 =	sadd.s32 s4, s19  }
0x9c: {  	s7 =	simm.s32 $0x0;
	s20 =	sshll.u32 s5, $0x1;
	s5 =	sadd.s32 s21, s3  }
0x9d: {  	[timem:s7], [sflag:s22] =	dma.local [hbm:s5], s20  }
0x9e: {  	_ =	swait.ge [sflag:s22], s20  }
0x9f: {  	s4 =	ssub.s32 $0x0, s20;
	[sflag:s22] =	ssyncset.done $0x0  }
0xa0: {  	[sflag:s22] =	ssyncadd.s32 s4;
	_ =	sdelay $0x1  }
0xa1: {  	s23 =	simm.s32 $0x1B8B  }
0xa2: {  	_ =	swait.ge [sflag:s23], $0x1  }
0xa3: {  	[sflag:s23] =	ssyncset.done $0x0  }
0xa4: {  	s25 =	simm.s32 $0x1B8E;
	s24 =	sld [smem:$0x3FFE];
	[sflag:s23] =	ssyncadd.s32 $0xFFFFFFFF  }
0xa5: {  	s26 =	simm.s32 $execute0_lowered;
	[smem:$0x3FD2] =	sst s25  }
0xa6: {  	s5 =	sshll.u32 s26, $0x1;
	_ =	strace $0x80000046;
	[dreg:$0x1] =	wrdreg $0xFFFFFFFF  }
0xa7: {  	s28 =	simm.s32 $_size_execute0_lowered;
	s3 =	sadd.s32 s3, s5;
	[dreg:$0x0] =	wrdreg $0x0  }
0xa8: {  	s5 =	sshll.u32 s28, $0x1;
	[dreg:$0x2] =	wrdreg s3  }
0xa9: {  	[dreg:$0x3] =	wrdreg s5  }
0xaa: {  	[dreg:$0x4] =	wrdreg $0xC0  }
0xab: {  	_ =	task [dreg:s7], $0x5FFFF  }
0xac: {  	[dreg:$0x1] =	wrdreg $0xFFFFFFFF  }
0xad: {  	[dreg:$0x0] =	wrdreg $0x60  }
0xae: {  	[dreg:$0x2] =	wrdreg s24  }
0xaf: {  	[dreg:$0x3] =	wrdreg s2  }
0xb0: {  	[dreg:$0x4] =	wrdreg $0x9  }
0xb1: {  	_ =	task.clear_ibuf [dreg:s7], $0x5FFFF;
	_ =	strace $0x90000046  }
0xb2: {  	s29 =	simm.s32 $0x9;
	_ =	strace $0x80000048  }
0xb3: {  	_ =	swait.ge [sflag:s29], $0x1  }
0xb4: {  	[sflag:s29] =	ssyncadd.s32 $0xFFFFFFFF  }
0xb5: {  	_ =	strace $0x90000048  }
0xb6: {  	_ =	sfence  }
0xb7: {  	s30 =	sld [smem:$0x0];
	_ =	sdelay $0x2  }
0xb8: {  	s31 =	sshll.u32 s1, $0xD;
	s1 =	sshrl.u32 s1, $0x2  }
0xb9: {  	s3 =	sand.u32 $0x4000, s31;
	s1 =	sadd.s32 s1, s30  }
0xba: {  	s0 =	sor.u32 s3, s0;
	s1 =	sshll.u32 s1, $0x11  }
0xbb: {  	s0 =	sor.u32 s1, s0  }
0xbc: {  	s0 =	sadd.s32 $0x8F2B, s0  }
0xbd: {  	[sflag:s0] =	ssyncadd.remote.s32 $0x1  }
0xbe: {  	_ =	sfence.sel $0xFFFF  }
0xbf: {  	[dreg:$0x0] =	wrdreg $0xFFFFFFFF;
	(pc) =	sbr.abs _section_cstart, $3  }
0xc0: {  	[dreg:$0x1] =	wrdreg $0xFFFFFFFF  }
0xc1: {  	_ =	task.clear_ibuf [dreg:s7], $0x2FFFF;
	_ =	strace $0x9FFFFFFF  }
0xc2: {  	(tm) =	ssettm $0x7FFFFFFF  }
0xc3: {  	_ =	shalt  }
tec
execute0_lowered:
.L_overlay_start_1:
0x0: {  	(tag) =	ssettag $0x1  }
0x1: {  	s7 =	rddreg [dreg:$0x0]  }
0x2: {  	s0 =	srdreg.scid;
	s8 =	rddreg [dreg:$0x1]  }
0x3: {  	s2 =	simm.s32 $0x0;
	s14 =	simm.s32 $0x80;
	s15 =	simm.s32 $0x400  }
0x4: {  	s16 =	simm.s32 $0x4;
	s17 =	simm.s32 $0x2;
	s18 =	simm.s32 $0x3  }
0x5: {  	s19 =	simm.s32 $0x4F00;
	s20 =	simm.s32 $0x7680;
	s21 =	simm.s32 $0x0  }
0x6: {  	s3 =	sand.u32 $0x1, s0;
	s0 =	stileid.u32;
	[smem:$0x7FF] =	sst s2  }
0x7: {  	s6 =	sadd.s32 $0x1E00, s7;
	s1 =	sshll.u32 s3, $0x4;
	s3 =	ssub.s32 $0x2, s3  }
0x8: {  	s13 =	sshll.u32 s0, $0x7;
	s12 =	sor.u32 s0, s1;
	s1 =	rddreg [dreg:$0x2]  }
0x9: {  	_ =	strace $0x80000047;
	s11 =	sshrl.u32 s3, $0x1;
	s5 =	smul.u32 $0x4E8, s12  }
0xa: {  	s13 =	sand.u32 $0x380, s13;
	s4 =	smul.u32 $0x4E2, s12;
	s9 =	sshrl.u32 s12, $0x3  }
0xb: {  	s11 =	ssub.s32 s3, s11;
	p0 =	seq.s32 s12, $0x1F;
	s9 =	smul.u32 $0x13C00, s9  }
.Ltmp0:
0xc: {  	s12 =	simm.s32 $0x1;
	s11 =	smax.u32 s11, $0x1;
	(pc) =	sbr.rel .LBB2_1-.Ltmp0, $4  }
0xd: {  	s10 =	sadd.s32 s5, s7;
	s3 =	sadd.s32 s6, s4;
	s5 =	sadd.s32 s6, s5  }
0xe: {  	s6 =	sadd.s32 $0x15418, s7;
	s7 =	sadd.s32 $0xB618, s7;
	s9 =	sor.u32 s13, s9  }
0xf: {  	s4 =	sadd.s32 $0xBC00, s10;
	s13 =	simm.s32 $0x2780;
	s9 =	sshrl.u32 s9, $0x3  }
0x10: {  	v0 =	vimm.f32 $0.0e+00;
	v1 =	vimm.f32 $1.000000000e+00;
	v2 =	vlaneseq.u32;
	s8 =	sadd.s32 s8, s9;
	s9 =	sadd.s32 $0x15A00, s10;
	s10 =	sadd.s32 $0x1F800, s10  }
.LBB2_6:
0x11: {  	_ =	swait.ge [sflag:s17], $0x2740  }
0x12: {  	[sflag:s17] =	ssyncset.done $0x0  }
0x13: {  	[sflag:s17] =	ssyncadd.s32 $0xFFFFD8C0  }
0x14: {  	_ =	swait.ge [sflag:s18], $0x2740  }
0x15: {  	[sflag:s18] =	ssyncset.done $0x0  }
0x16: {  	[sflag:s18] =	ssyncadd.s32 $0xFFFFD8C0  }
.LBB2_9:
0x17: {  	[hbm4b:s9+s2] =	stream.linear.scatter [tilespmem:s19], [sflag:$0x4], $0x2740, $0x38;
	[tilespmem:$0x9E00] =	vst v63  }
0x18: {  	s21 =	sadd.s32 $0x1, s21;
	_ =	swait.ge [sflag:s16], $0x2740  }
0x19: {  	p1 =	sne.s32 s21, s11;
	[sflag:s16] =	ssyncset.done $0x0  }
.Ltmp1:
0x1a: {  	[sflag:s16] =	ssyncadd.s32 $0xFFFFD8C0;
	(pc) =	sbr.rel @!p1 .LBB2_10-.Ltmp1, $4  }
0x1b: {  	[hbm4b:s10+s2] =	stream.linear.scatter [tilespmem:s20], [sflag:$0x4], $0x2740, $0x38;
	[tilespmem:$0x9E00] =	vst v63  }
0x1c: {  	_ =	swait.ge [sflag:s16], $0x2740  }
0x1d: {  	[sflag:s16] =	ssyncset.done $0x0  }
0x1e: {  	[sflag:s16] =	ssyncadd.s32 $0xFFFFD8C0  }
.LBB2_1:
0x1f: {  	[tilespmem:s2], [sflag:$0x1] =	stream.linear.gather [hbm4b:s3+s2], $0x2710, $0x38;
	[tilespmem:$0x9E00] =	vst v63  }
0x20: {  	s22 =	simm.s32 @p0 $0x0;
	s23 =	simm.s32 @p0 $0x4F00  }
0x21: {  	[tilespmem:s23], [sflag:$0x2] =	stream.linear.gather @p0 [hbm4b:s6+s22], $0x2140, $0x38;
	[tilespmem:$0x9E00] =	vst v63  }
0x22: {  	s23 =	simm.s32 @p0 $0x7680  }
0x23: {  	[tilespmem:s23], [sflag:$0x3] =	stream.linear.gather @p0 [hbm4b:s7+s22], $0x2140, $0x38;
	[tilespmem:$0x9E00] =	vst v63  }
0x24: {  	s22 =	simm.s32 @!p0 $0x0;
	s23 =	simm.s32 @!p0 $0x4F00  }
0x25: {  	[tilespmem:s23], [sflag:$0x2] =	stream.linear.gather @!p0 [hbm4b:s4+s22], $0x2740, $0x38;
	[tilespmem:$0x9E00] =	vst v63  }
0x26: {  	s23 =	simm.s32 @!p0 $0x7680  }
0x27: {  	[tilespmem:s23], [sflag:$0x3] =	stream.linear.gather @!p0 [hbm4b:s5+s22], $0x2740, $0x38;
	[tilespmem:$0x9E00] =	vst v63  }
0x28: {  	s22 =	simm.s32 $0x40;
	s23 =	simm.s32 $0x0  }
.LBB2_2:
0x29: {  	p1 =	sne.s32 s22, $0x9C00;
	[tilespmem:s23+$0x2780] =	vst v0;
	s23 =	smov.u32 s22;
	s22 =	sadd.s32 $0x40, s22  }
.Ltmp2:
0x2a: {  	(pc) =	sbr.rel @p1 .LBB2_2-.Ltmp2, $2  }
0x2b: {  	_ =	sdelay $0x2  }
0x2c: {  	s23 =	sshra.s32 s23, $0x2  }
0x2d: {  	[tilespmem:s23+$0x2780] =	vst v0  }
0x2e: {  	_ =	swait.ge [sflag:s12], $0x2710  }
0x2f: {  	[sflag:s12] =	ssyncset.done $0x0  }
0x30: {  	s23 =	simm.s32 $0x0;
	s22 =	simm.s32 $0x40;
	[sflag:s12] =	ssyncadd.s32 $0xFFFFD8F0  }
.LBB2_4:
0x31: {  	p1 =	sne.s32 s22, $0x9C00;
	v3 =	vld [tilespmem:s23+$0x0];
	_ =	sdelay $0x3  }
.Ltmp3:
0x32: {  	(pc) =	sbr.rel @p1 .LBB2_4-.Ltmp3, $2  }
0x33: {  	_ =	sdelay $0x2  }
0x34: {  	s23 =	sshra.s32 s22, $0x2;
	s22 =	sadd.s32 $0x40, s22;
	[tilespmem:v3+s13+$0x0] =	vst.idx.add.f32.msk $0xffff, v1  }
0x35: {  	v3 =	vld [tilespmem:s23+$0x0];
	_ =	sdelay $0x7  }
.Ltmp4:
0x36: {  	[tilespmem:v3+s13+$0x0] =	vst.idx.add.f32.msk $0xffff, v1;
	(pc) =	sbr.rel @!p0 .LBB2_6-.Ltmp4, $4  }
0x37: {  	[hbm4b:s8+s14] =	stream.strided.scatter [tilespmem:s13], [sflag:$0x4], $0x2780, s15, s14, $0x38;
	[tilespmem:$0x9E00] =	vst v63  }
0x38: {  	_ =	swait.ge [sflag:s16], $0x2780  }
0x39: {  	[sflag:s16] =	ssyncset.done $0x0  }
0x3a: {  	[sflag:s16] =	ssyncadd.s32 $0xFFFFD880  }
0x3b: {  	_ =	swait.ge [sflag:s17], $0x2140  }
0x3c: {  	[sflag:s17] =	ssyncset.done $0x0  }
0x3d: {  	[sflag:s17] =	ssyncadd.s32 $0xFFFFDEC0  }
0x3e: {  	s22 =	simm.s32 $0x0;
	_ =	swait.ge [sflag:s18], $0x2140  }
0x3f: {  	v3 =	vor.u32 s22, v2;
	[sflag:s18] =	ssyncset.done $0x0  }
0x40: {  	s22 =	simm.s32 $0x7040;
	v4 =	vand.u32 $0x7F, v3;
	[sflag:s18] =	ssyncadd.s32 $0xFFFFDEC0  }
0x41: {  	s23 =	simm.s32 $0x97C0;
	[tilespmem:s22+$0x0] =	vst v3;
	v3 =	vadd.s32 $0x2710, v4  }
0x42: {  	s24 =	simm.s32 $0x10;
	[tilespmem:s23+$0x0] =	vst v3  }
.LBB2_8:
0x43: {  	p1 =	sne.s32 s24, $0x5F0  }
.Ltmp5:
0x44: {  	_ = 	snop;
	(pc) =	sbr.rel @p1 .LBB2_8-.Ltmp5, $4  }
0x45: {  	v3 =	vor.u32 s24, v2  }
0x46: {  	s22 =	sadd.s32 $0x10, s22;
	v4 =	vand.u32 $0x7F, v3  }
0x47: {  	s23 =	sadd.s32 $0x10, s23;
	[tilespmem:s22+$0x0] =	vst v3;
	v3 =	vadd.s32 $0x2710, v4  }
0x48: {  	s24 =	sadd.s32 $0x10, s24;
	[tilespmem:s23+$0x0] =	vst v3  }
.Ltmp6:
0x49: {  	_ = 	snop;
	(pc) =	sbr.rel .LBB2_9-.Ltmp6, $1  }
0x4a: {  	_ =	sdelay $0x3  }
.LBB2_10:
0x4b: {  	_ =	sfence.sel $0x180000  }
0x4c: {  	[bflag:$0x0] =	sbarrier.arrive $0xFFFF  }
0x4d: {  	p0 =	sne.s32 s0, $0x0;
	_ =	strace $0x90000047  }
0x4e: {  	s0 =	sadd.s32 @!p0 $0x100000, s1;
	[bflag:$0x2] =	sbarrier.arrive $0xFFFF  }
0x4f: {  	[sflag:s0] =	ssyncadd.tile.s32 @!p0 $0x1;
	_ =	shalt  }
.Lfunc_end2:
_tile_overlayer_lowered:
.L_overlay_start_2:
0x50: {  	(tag) =	ssettag $0x2  }
0x51: {  	s0 =	rddreg [dreg:$0x0];
	s2 =	stileid.u32  }
0x52: {  	s1 =	rddreg [dreg:$0x1];
	p0 =	sne.s32 s2, $0x0  }
0x53: {  	s3 =	rddreg [dreg:$0x2];
	[bflag:$0x3] =	sbarrier.arrive $0xFFFF;
	s2 =	simm.s32 @!p0 $0x1C04  }
0x54: {  	[timem:s3], [sflag:s2] =	dma.local @!p0 [hbm:s0], s1  }
0x55: {  	s0 =	simm.s32 @!p0 $0x4  }
0x56: {  	_ =	swait.ge @!p0 [sflag:s0], s1  }
0x57: {  	s1 =	ssub.s32 @!p0 $0x0, s1;
	[sflag:s0] =	ssyncset.done @!p0 $0x0  }
0x58: {  	[sflag:s0] =	ssyncadd.s32 @!p0 s1  }
0x59: {  	[bflag:$0x3] =	sbarrier.arrive $0xFFFF  }
0x5a: {  	_ =	shalt  }

// kernel: kernel.9.cloned.1.call-start
scs
__scs_entry_jumppad:
0x0: {  	(pc) =	sbr.rel $0x88, $3  }
0x1: {  	(tag) =	ssettag $0x0;
	lr =	simm.s32 $0x1  }
0x2: {  	[smem:$0x3F9C] =	sst lr;
	_ =	strace $0xD0000000  }
0x3: {  	_ = 	snop  }
0x4: {  	_ = 	snop  }
0x5: {  	_ = 	snop  }
0x6: {  	_ = 	snop  }
0x7: {  	_ = 	snop  }
__scs_overlays_trampoline_lowered:
0x8: {  	[smem:$0x3FAB] =	sst s0  }
0x9: {  	[smem:$0x3FAC] =	sst s1  }
0xa: {  	[smem:$0x3FAD] =	sst s2  }
0xb: {  	[smem:$0x3FAE] =	sst s3  }
0xc: {  	[smem:$0x3FAF] =	sst s4  }
0xd: {  	[smem:$0x3FB0] =	sst s5  }
0xe: {  	[smem:$0x3FB1] =	sst s6  }
0xf: {  	[smem:$0x3FB2] =	sst s7  }
0x10: {  	[smem:$0x3FB3] =	sst s8  }
0x11: {  	[smem:$0x3FB4] =	sst s9;
	s0 =	simm.s32 @!p0 $0x0  }
0x12: {  	s1 =	sld [smem:$0x3F9A];
	s0 =	simm.s32 @p0 $0x1  }
0x13: {  	[smem:$0x3FB5] =	sst s0;
	s0 =	simm.s32 @!p1 $0x0  }
0x14: {  	s2 =	sld [smem:$0x3F99];
	s0 =	simm.s32 @p1 $0x1  }
0x15: {  	[smem:$0x3FB6] =	sst s0;
	s0 =	simm.s32 @!p2 $0x0  }
0x16: {  	s3 =	sld [smem:$0x3FDB];
	s0 =	simm.s32 @p2 $0x1  }
0x17: {  	s4 =	simm.s32 $0x1BF5;
	[smem:$0x3FB8] =	sst s0  }
0x18: {  	s0 =	sld [smem:$0x3F9B];
	_ =	swait.ge [sflag:s4], $0x0  }
0x19: {  	s7 =	sld [smem:$0x3F9C]  }
0x1a: {  	s8 =	sadd.s32 $0xFFFFE003, lr  }
0x1b: {  	s9 =	sadd.s32 $0xFFFFFEF7, lr;
	s5 =	simm.s32 $0xFFFFFFFF;
	p2 =	slt.u32 s8, $0xFFFFF086  }
0x1c: {  	p1 =	slt.u32 s9, $0xF7A;
	s5 =	simm.s32 @!p2 $0x0  }
0x1d: {  	s5 =	simm.s32 @p1 $0x1;
	p0 =	seq.s32 s7, s2  }
0x1e: {  	s7 =	smul.u32 @!p0 $0xF7A, s2;
	p2 =	seq.s32 @!p0 s5, $0x0  }
0x1f: {  	s9 =	smul.u32 $0xF7A, s1;
	s8 =	simm.s32 @!p0 $0x1BF5;
	p2 =	por !p2, p0  }
0x20: {  	[sflag:s8] =	ssyncset.s32 @!p0 $0xFFFFF086;
	s6 =	sadd.s32 @!p0 s3, s7;
	s7 =	simm.s32 @!p0 $0x108  }
0x21: {  	s3 =	sadd.s32 s3, s9;
	s6 =	sadd.s32 @!p0 $0x88, s6;
	s7 =	simm.s32 @p2 $0x1082  }
0x22: {  	[simem:s7], [sflag:s8] =	dma.local @!p0 [hbm:s6], $0xF7A  }
0x23: {  	s9 =	sor.u32 $0xD0000000, s2;
	s6 =	simm.s32 $0x108;
	_ =	swait.ge @!p0 [sflag:s8], $0x0  }
0x24: {  	s3 =	sadd.s32 $0x88, s3;
	s6 =	simm.s32 @!p1 $0x1082;
	[sflag:s4] =	ssyncset.s32 $0xFFFFF086  }
0x25: {  	[simem:s6], [sflag:s4] =	dma.local [hbm:s3], $0xF7A  }
0x26: {  	[smem:$0x3F9C] =	sst s1;
	(tag) =	ssettag s2;
	_ =	strace s9  }
0x27: {  	s1 =	sld [smem:$0x3FAC]  }
0x28: {  	s2 =	sld [smem:$0x3FAD]  }
0x29: {  	s4 =	sld [smem:$0x3FAF]  }
0x2a: {  	p0 =	seq.s32 s5, $0x0;
	s5 =	sld [smem:$0x3FB0]  }
0x2b: {  	s6 =	sld [smem:$0x3FB1]  }
0x2c: {  	s7 =	sld [smem:$0x3FB2]  }
0x2d: {  	s3 =	simm.s32 $0x108;
	s8 =	sld [smem:$0x3FB3]  }
0x2e: {  	s3 =	simm.s32 @!p0 $0x1082;
	s9 =	sld [smem:$0x3FB4]  }
0x2f: {  	lr =	sadd.s32 s0, s3;
	s0 =	sld [smem:$0x3FAB]  }
0x30: {  	s3 =	sld [smem:$0x3FAE]  }
0x31: {  	[smem:$0x3FB7] =	sst s10  }
0x32: {  	s10 =	sld [smem:$0x3FB5];
	_ =	sdelay $0x3  }
0x33: {  	p0 =	seq.s32 s10, $0x1;
	s10 =	sld [smem:$0x3FB7];
	_ =	sdelay $0x3  }
0x34: {  	[smem:$0x3FB7] =	sst s10  }
0x35: {  	s10 =	sld [smem:$0x3FB6];
	_ =	sdelay $0x3  }
0x36: {  	p1 =	seq.s32 s10, $0x1;
	s10 =	sld [smem:$0x3FB7];
	_ =	sdelay $0x3  }
0x37: {  	[smem:$0x3FB7] =	sst s10  }
0x38: {  	s10 =	sld [smem:$0x3FB8]  }
0x39: {  	_ = 	snop;
	(pc) =	sbr.ind lr, $3  }
0x3a: {  	_ = 	snop  }
0x3b: {  	_ = 	snop  }
0x3c: {  	p2 =	seq.s32 s10, $0x1;
	s10 =	sld [smem:$0x3FB7]  }
0x3d: {  	_ =	shalt  }
0x3e: {  	_ =	shalt  }
0x3f: {  	_ =	shalt  }
0x40: {  	_ =	shalt  }
0x41: {  	_ =	shalt  }
0x42: {  	_ =	shalt  }
0x43: {  	_ =	shalt  }
0x44: {  	_ =	shalt  }
0x45: {  	_ =	shalt  }
0x46: {  	_ =	shalt  }
0x47: {  	_ =	shalt  }
0x48: {  	_ =	shalt  }
0x49: {  	_ =	shalt  }
0x4a: {  	_ =	shalt  }
0x4b: {  	_ =	shalt  }
0x4c: {  	_ =	shalt  }
0x4d: {  	_ =	shalt  }
0x4e: {  	_ =	shalt  }
0x4f: {  	_ =	shalt  }
0x50: {  	_ =	shalt  }
0x51: {  	_ =	shalt  }
0x52: {  	_ =	shalt  }
0x53: {  	_ =	shalt  }
0x54: {  	_ =	shalt  }
0x55: {  	_ =	shalt  }
0x56: {  	_ =	shalt  }
0x57: {  	_ =	shalt  }
0x58: {  	_ =	shalt  }
0x59: {  	_ =	shalt  }
0x5a: {  	_ =	shalt  }
0x5b: {  	_ =	shalt  }
0x5c: {  	_ =	shalt  }
0x5d: {  	_ =	shalt  }
0x5e: {  	_ =	shalt  }
0x5f: {  	_ =	shalt  }
0x60: {  	_ =	shalt  }
0x61: {  	_ =	shalt  }
0x62: {  	_ =	shalt  }
0x63: {  	_ =	shalt  }
0x64: {  	_ =	shalt  }
0x65: {  	_ =	shalt  }
0x66: {  	_ =	shalt  }
0x67: {  	_ =	shalt  }
0x68: {  	_ =	shalt  }
0x69: {  	_ =	shalt  }
0x6a: {  	_ =	shalt  }
0x6b: {  	_ =	shalt  }
0x6c: {  	_ =	shalt  }
0x6d: {  	_ =	shalt  }
0x6e: {  	_ =	shalt  }
0x6f: {  	_ =	shalt  }
0x70: {  	_ =	shalt  }
0x71: {  	_ =	shalt  }
0x72: {  	_ =	shalt  }
0x73: {  	_ =	shalt  }
0x74: {  	_ =	shalt  }
0x75: {  	_ =	shalt  }
0x76: {  	_ =	shalt  }
0x77: {  	_ =	shalt  }
0x78: {  	_ =	shalt  }
0x79: {  	_ =	shalt  }
0x7a: {  	_ =	shalt  }
0x7b: {  	_ =	shalt  }
0x7c: {  	_ =	shalt  }
0x7d: {  	_ =	shalt  }
0x7e: {  	_ =	shalt  }
0x7f: {  	_ =	shalt  }
0x80: {  	_ =	shalt  }
0x81: {  	_ =	shalt  }
0x82: {  	_ =	shalt  }
0x83: {  	_ =	shalt  }
0x84: {  	_ =	shalt  }
0x85: {  	_ =	shalt  }
0x86: {  	_ =	shalt  }
0x87: {  	_ =	shalt  }
.Lfunc_end0:
.L_simem_size_0:
called_computation.1_lowered:
.L_overlay_start_0:
0x88: {  	s2 =	sld [smem:$0x3FD9]  }
0x89: {  	s3 =	sld [smem:$0x3FFE];
	_ =	sdelay $0x1  }
0x8a: {  	s1 =	srdreg.scid  }
0x8b: {  	s0 =	sand.u32 $0x1, s1  }
0x8c: {  	s17 =	sshll.u32 s0, $0xA;
	s2 =	sadd.s32 s3, s2  }
0x8d: {  	s2 =	sadd.s32 s2, s17  }
0x8e: {  	[smem:$0x3FC3] =	sst s2  }
0x8f: {  	_ = 	snop  }
0x90: {  	s2 =	sld [smem:$0x3FD0];
	(tm) =	ssettm $0x1  }
0x91: {  	s18 =	sld [smem:$0x3FFB];
	_ =	sdelay $0x3  }
0x92: {  	_ =	strace s18  }
0x93: {  	s3 =	sld [smem:$0x3FFC];
	_ =	sdelay $0x3  }
0x94: {  	_ =	strace s3  }
0x95: {  	s3 =	sld [smem:$0x3FFD];
	_ =	sdelay $0x3  }
0x96: {  	_ =	strace s3  }
0x97: {  	_ =	strace $0x8FFFFFFF  }
0x98: {  	s19 =	sld [smem:$0x3FDB];
	_ =	sdelay $0x1  }
0x99: {  	s4 =	simm.s32 $_scs_section_size  }
0x9a: {  	s5 =	simm.s32 $_size__tile_overlayer_lowered;
	s6 =	simm.s32 $_tile_overlayer_lowered  }
0x9b: {  	s22 =	simm.s32 $0x1BFF;
	s21 =	sshll.u32 s6, $0x1;
	s3 =	sadd.s32 s4, s19  }
0x9c: {  	s7 =	simm.s32 $0x0;
	s20 =	sshll.u32 s5, $0x1;
	s5 =	sadd.s32 s21, s3  }
0x9d: {  	[timem:s7], [sflag:s22] =	dma.local [hbm:s5], s20  }
0x9e: {  	_ =	swait.ge [sflag:s22], s20  }
0x9f: {  	s4 =	ssub.s32 $0x0, s20;
	[sflag:s22] =	ssyncset.done $0x0  }
0xa0: {  	[sflag:s22] =	ssyncadd.s32 s4;
	_ =	sdelay $0x1  }
0xa1: {  	s23 =	simm.s32 $0x1B8B  }
0xa2: {  	_ =	swait.ge [sflag:s23], $0x1  }
0xa3: {  	[sflag:s23] =	ssyncset.done $0x0  }
0xa4: {  	s25 =	simm.s32 $0x1B8E;
	s24 =	sld [smem:$0x3FFE];
	[sflag:s23] =	ssyncadd.s32 $0xFFFFFFFF  }
0xa5: {  	s26 =	simm.s32 $execute0_lowered;
	[smem:$0x3FD2] =	sst s25  }
0xa6: {  	s5 =	sshll.u32 s26, $0x1;
	_ =	strace $0x80000049;
	[dreg:$0x1] =	wrdreg $0xFFFFFFFF  }
0xa7: {  	s28 =	simm.s32 $_size_execute0_lowered;
	s3 =	sadd.s32 s3, s5;
	[dreg:$0x0] =	wrdreg $0x0  }
0xa8: {  	s5 =	sshll.u32 s28, $0x1;
	[dreg:$0x2] =	wrdreg s3  }
0xa9: {  	[dreg:$0x3] =	wrdreg s5  }
0xaa: {  	[dreg:$0x4] =	wrdreg $0xC0  }
0xab: {  	_ =	task [dreg:s7], $0x5FFFF  }
0xac: {  	[dreg:$0x1] =	wrdreg $0xFFFFFFFF  }
0xad: {  	[dreg:$0x0] =	wrdreg $0x60  }
0xae: {  	[dreg:$0x2] =	wrdreg s2  }
0xaf: {  	[dreg:$0x3] =	wrdreg s24  }
0xb0: {  	[dreg:$0x4] =	wrdreg $0x88000  }
0xb1: {  	[dreg:$0x5] =	wrdreg $0x9  }
0xb2: {  	_ =	task.clear_ibuf [dreg:s7], $0x6FFFF;
	_ =	strace $0x90000049  }
0xb3: {  	s29 =	simm.s32 $0x9;
	_ =	strace $0x8000004B  }
0xb4: {  	_ =	swait.ge [sflag:s29], $0x1  }
0xb5: {  	[sflag:s29] =	ssyncadd.s32 $0xFFFFFFFF  }
0xb6: {  	_ =	strace $0x9000004B  }
0xb7: {  	_ =	sfence  }
0xb8: {  	s30 =	sld [smem:$0x0];
	_ =	sdelay $0x2  }
0xb9: {  	s31 =	sshll.u32 s1, $0xD;
	s1 =	sshrl.u32 s1, $0x2  }
0xba: {  	s3 =	sand.u32 $0x4000, s31;
	s1 =	sadd.s32 s1, s30  }
0xbb: {  	s0 =	sor.u32 s3, s0;
	s1 =	sshll.u32 s1, $0x11  }
0xbc: {  	s0 =	sor.u32 s1, s0  }
0xbd: {  	s0 =	sadd.s32 $0x8F2B, s0  }
0xbe: {  	[sflag:s0] =	ssyncadd.remote.s32 $0x1  }
0xbf: {  	_ =	sfence.sel $0xFFFF  }
0xc0: {  	[dreg:$0x0] =	wrdreg $0xFFFFFFFF;
	(pc) =	sbr.abs _section_cstart, $3  }
0xc1: {  	[dreg:$0x1] =	wrdreg $0xFFFFFFFF  }
0xc2: {  	_ =	task.clear_ibuf [dreg:s7], $0x2FFFF;
	_ =	strace $0x9FFFFFFF  }
0xc3: {  	(tm) =	ssettm $0x7FFFFFFF  }
tec
execute0_lowered:
.L_overlay_start_1:
0x0: {  	(tag) =	ssettag $0x1  }
0x1: {  	s0 =	srdreg.scid;
	s3 =	rddreg [dreg:$0x1]  }
0x2: {  	s1 =	stileid.u32;
	s4 =	simm.s32 $0x0;
	s28 =	rddreg [dreg:$0x2]  }
0x3: {  	s0 =	sand.u32 $0x1, s0;
	[smem:$0x7FF] =	sst s4;
	s4 =	sadd.s32 $0x15A00, s3  }
0x4: {  	s5 =	sadd.s32 $0x1F800, s3;
	s3 =	sadd.s32 $0x29600, s3;
	s17 =	smul.u32 $0x2740, s1  }
0x5: {  	p0 =	seq.s32 s1, $0x0;
	s2 =	sshll.u32 s0, $0x4;
	s14 =	smul.u32 $0x138800, s0  }
0x6: {  	s6 =	ssub.s32 $0x2, s0;
	s0 =	smul.u32 $0x27400, s0;
	s2 =	sor.u32 s1, s2  }
0x7: {  	p2 =	sne.s32 s1, $0xF;
	p1 =	sne.s32 @!p0 s1, $0xF;
	s2 =	smul.u32 $0x2740, s2  }
0x8: {  	s7 =	sshrl.u32 s6, $0x1;
	p1 =	por p1, p0;
	s0 =	sadd.s32 s17, s0  }
0x9: {  	s6 =	ssub.s32 s6, s7;
	s20 =	sadd.s32 $0x200, s0;
	s2 =	sshrl.u32 s2, $0x3  }
0xa: {  	s23 =	sadd.s32 $0x240, s0;
	s22 =	sshrl.u32 s20, $0x3;
	s24 =	sadd.s32 s4, s2  }
0xb: {  	s25 =	sadd.s32 $0x8, s2;
	s8 =	sadd.s32 s5, s2;
	[dreg:$0x4] =	wrdreg s24  }
0xc: {  	s31 =	sadd.s32 $0x10, s2;
	[dreg:$0x5] =	wrdreg s8;
	s26 =	sadd.s32 s4, s25  }
0xd: {  	s10 =	sadd.s32 $0x18, s2;
	s7 =	sadd.s32 s5, s25;
	[dreg:$0x6] =	wrdreg s26  }
0xe: {  	s12 =	sadd.s32 $0x20, s2;
	s9 =	sadd.s32 s4, s31;
	[dreg:$0x7] =	wrdreg s7  }
0xf: {  	s15 =	sadd.s32 $0x28, s2;
	s8 =	sadd.s32 s5, s31;
	[dreg:$0x8] =	wrdreg s9  }
0x10: {  	s16 =	sadd.s32 $0x30, s2;
	s11 =	sadd.s32 s4, s10;
	[dreg:$0x9] =	wrdreg s8  }
0x11: {  	s2 =	sadd.s32 $0x38, s2;
	s13 =	sadd.s32 s4, s12;
	[dreg:$0xa] =	wrdreg s11  }
0x12: {  	s20 =	sadd.s32 s22, s4;
	s18 =	sadd.s32 s4, s2;
	[dreg:$0xc] =	wrdreg s13  }
0x13: {  	s2 =	sadd.s32 s5, s2;
	s24 =	sadd.s32 $0x280, s0;
	[dreg:$0x12] =	wrdreg s18  }
0x14: {  	s25 =	sshrl.u32 s23, $0x3;
	s7 =	sadd.s32 s5, s10;
	[dreg:$0x13] =	wrdreg s2  }
0x15: {  	s0 =	sadd.s32 $0x2C0, s0;
	s8 =	sadd.s32 s5, s12;
	[dreg:$0xb] =	wrdreg s7  }
0x16: {  	s9 =	smul.u32 $0x13800, s1;
	s10 =	sadd.s32 s4, s15;
	[dreg:$0xd] =	wrdreg s8  }
0x17: {  	s11 =	sadd.s32 s4, s16;
	s26 =	sshrl.u32 s24, $0x3;
	[dreg:$0xe] =	wrdreg s10  }
0x18: {  	s31 =	sadd.s32 s25, s5;
	s0 =	sshrl.u32 s0, $0x3;
	[dreg:$0x10] =	wrdreg s11  }
0x19: {  	s8 =	sadd.s32 s5, s15;
	s7 =	sshrl.u32 s14, $0x3;
	[dreg:$0x15] =	wrdreg s31  }
0x1a: {  	s23 =	sadd.s32 s26, s5;
	s24 =	sadd.s32 s26, s4;
	s26 =	rddreg [dreg:$0x0]  }
0x1b: {  	s29 =	sadd.s32 s0, s5;
	s30 =	sadd.s32 s0, s4;
	s19 =	sadd.s32 s9, s14  }
0x1c: {  	[dreg:$0xf] =	wrdreg s8;
	s8 =	sadd.s32 s5, s16;
	s2 =	sshrl.u32 s19, $0x3  }
0x1d: {  	s10 =	smax.u32 s6, $0x1;
	[dreg:$0x11] =	wrdreg s8;
	s2 =	sadd.s32 s3, s2  }
0x1e: {  	s21 =	sadd.s32 s3, s7;
	s3 =	sadd.s32 s25, s4;
	[dreg:$0x14] =	wrdreg s2  }
0x1f: {  	s31 =	sadd.s32 $0x13A800, s28;
	s9 =	sadd.s32 $0x27000, s21;
	[dreg:$0x16] =	wrdreg s3  }
0x20: {  	s7 =	smul.u32 $0x4E000, s1;
	_ =	strace $0x8000004A;
	[dreg:$0x18] =	wrdreg s9  }
0x21: {  	s19 =	sadd.s32 s22, s5;
	s22 =	sadd.s32 $0x138800, s28;
	[dreg:$0x19] =	wrdreg s10  }
0x22: {  	s0 =	simm.s32 $0x40;
	s8 =	sshrl.u32 s7, $0x2;
	[smem:$0x7FA] =	sst s22  }
0x23: {  	s6 =	simm.s32 $0x2;
	s18 =	sadd.s32 s8, s28;
	[smem:$0x7FC] =	sst s31  }
0x24: {  	s5 =	simm.s32 $0x1;
	s11 =	sadd.s32 $0x2000, s18;
	[dreg:$0x17] =	wrdreg s18  }
0x25: {  	s4 =	simm.s32 $0x6800;
	s12 =	sadd.s32 $0x4000, s18;
	[dreg:$0x1a] =	wrdreg s11  }
0x26: {  	s7 =	simm.s32 $0x3;
	s13 =	sadd.s32 $0x6000, s18;
	[dreg:$0x1b] =	wrdreg s12  }
0x27: {  	s2 =	simm.s32 $0x2800;
	s14 =	sadd.s32 $0x8000, s18;
	[dreg:$0x1c] =	wrdreg s13  }
0x28: {  	s3 =	simm.s32 $0x4800;
	s15 =	sadd.s32 $0xA000, s18;
	[dreg:$0x1d] =	wrdreg s14  }
0x29: {  	s8 =	simm.s32 $0x4;
	s16 =	sadd.s32 $0xC000, s18;
	[dreg:$0x1e] =	wrdreg s15  }
0x2a: {  	s17 =	sadd.s32 $0xE000, s18;
	s21 =	sadd.s32 $0x10000, s18;
	[dreg:$0x1f] =	wrdreg s16  }
.Ltmp0:
0x2b: {  	s25 =	sadd.s32 $0x12000, s18;
	[smem:$0x7F8] =	sst s17;
	(pc) =	sbr.rel .LBB2_1-.Ltmp0, $4  }
0x2c: {  	s22 =	simm.s32 $0x600;
	s9 =	simm.s32 $0x5;
	[smem:$0x7F9] =	sst s21  }
0x2d: {  	s10 =	simm.s32 $0x6;
	[smem:$0x7FB] =	sst s25;
	s21 =	sadd.s32 $0x138000, s28  }
0x2e: {  	s14 =	simm.s32 $0x800;
	s15 =	simm.s32 $0x11;
	s11 =	simm.s32 $0x7  }
0x2f: {  	v0 =	vimm.f32 $0.0e+00;
	s16 =	simm.s32 $0x8;
	s13 =	simm.s32 $0x0;
	[smem:$0x7FD] =	sst s21  }
.LBB2_8:
0x30: {  	_ =	swait.ge [sflag:s5], $0x2000  }
0x31: {  	[sflag:s5] =	ssyncset.done $0x0  }
0x32: {  	s22 =	simm.s32 $0x600;
	[sflag:s5] =	ssyncadd.s32 $0xFFFFE000  }
0x33: {  	[spmem:s28] =	stream.indirect.scatter.add.f32 [tilespmem:s14], [sflag:$0x11], $0x80, s22, s0, $0xb8;
	[tilespmem:$0x1C480] =	vst v63  }
0x34: {  	_ =	swait.ge [sflag:s15], $0x2000  }
0x35: {  	[sflag:s15] =	ssyncset.done $0x0  }
0x36: {  	[sflag:s15] =	ssyncadd.s32 $0xFFFFE000  }
0x37: {  	s1 =	stileid.u32;
	[bflag:$0x0] =	sbarrier.arrive $0xFFFF  }
0x38: {  	s1 =	sshll.u32 s1, $0x6;
	s18 =	rddreg [dreg:$0x17]  }
0x39: {  	s1 =	sor.u32 $0x1C11, s1;
	s13 =	rddreg [dreg:$0x14];
	s12 =	sshrl.u32 s18, $0x3  }
0x3a: {  	[hbm:s13], [sflag:s1] =	dma.local [spmem:s12], $0x2700  }
0x3b: {  	_ =	swait.ge [sflag:s15], $0x2700  }
0x3c: {  	s21 =	sld [smem:$0x7FD];
	_ =	sdelay $0x1  }
0x3d: {  	[sflag:s15] =	ssyncset.done $0x0  }
0x3e: {  	s13 =	rddreg [dreg:$0x18];
	[sflag:s15] =	ssyncadd.s32 $0xFFFFD900;
	s12 =	sshrl.u32 @!p2 s21, $0x3  }
0x3f: {  	[hbm:s13], [sflag:s1] =	dma.local @!p2 [spmem:s12], $0x100  }
0x40: {  	s1 =	simm.s32 @!p2 $0x11  }
0x41: {  	_ =	swait.ge @!p2 [sflag:s1], $0x100  }
0x42: {  	s25 =	sld [smem:$0x7F7];
	_ =	sdelay $0x2  }
0x43: {  	s31 =	rddreg [dreg:$0x19];
	s13 =	sadd.s32 $0x1, s25  }
0x44: {  	p3 =	sne.s32 s13, s31  }
.Ltmp1:
0x45: {  	_ = 	snop;
	(pc) =	sbr.rel @!p3 .LBB2_9-.Ltmp1, $3  }
0x46: {  	_ =	sdelay $0x1  }
0x47: {  	[sflag:s1] =	ssyncset.done @!p2 $0x0  }
0x48: {  	[sflag:s1] =	ssyncadd.s32 @!p2 $0xFFFFFF00  }
.LBB2_1:
0x49: {  	[smem:$0x7F7] =	sst s13;
	s13 =	simm.s32 $0x0;
	s17 =	simm.s32 $0x200  }
.LBB2_2:
0x4a: {  	p3 =	sne.s32 s17, $0x7E00;
	[tilespmem:s13+$0x870] =	vst v0  }
0x4b: {  	[tilespmem:s13+$0x800] =	vst v0  }
0x4c: {  	[tilespmem:s13+$0x810] =	vst v0  }
.Ltmp2:
0x4d: {  	[tilespmem:s13+$0x820] =	vst v0;
	(pc) =	sbr.rel @p3 .LBB2_2-.Ltmp2, $4  }
0x4e: {  	[tilespmem:s13+$0x830] =	vst v0  }
0x4f: {  	[tilespmem:s13+$0x840] =	vst v0  }
0x50: {  	[tilespmem:s13+$0x850] =	vst v0  }
0x51: {  	[tilespmem:s13+$0x860] =	vst v0;
	s13 =	sshra.s32 s17, $0x2;
	s17 =	sadd.s32 $0x200, s17  }
0x52: {  	[tilespmem:s13+$0x870] =	vst v0  }
0x53: {  	[tilespmem:s13+$0x800] =	vst v0  }
0x54: {  	[tilespmem:s13+$0x810] =	vst v0  }
0x55: {  	[tilespmem:s13+$0x820] =	vst v0  }
0x56: {  	[tilespmem:s13+$0x830] =	vst v0  }
0x57: {  	[tilespmem:s13+$0x840] =	vst v0  }
0x58: {  	[tilespmem:s13+$0x850] =	vst v0  }
0x59: {  	[tilespmem:s13+$0x860] =	vst v0  }
0x5a: {  	[spmem:s18] =	stream.linear.scatter [tilespmem:s14], [sflag:$0x11], $0x2000, $0x38;
	[tilespmem:$0x1C480] =	vst v63  }
0x5b: {  	_ =	swait.ge [sflag:s15], $0x2000  }
0x5c: {  	[sflag:s15] =	ssyncset.done $0x0  }
0x5d: {  	s1 =	rddreg [dreg:$0x1a];
	[sflag:s15] =	ssyncadd.s32 $0xFFFFE000  }
0x5e: {  	[spmem:s1] =	stream.linear.scatter [tilespmem:s14], [sflag:$0x11], $0x2000, $0x38;
	[tilespmem:$0x1C480] =	vst v63  }
0x5f: {  	_ =	swait.ge [sflag:s15], $0x2000  }
0x60: {  	[sflag:s15] =	ssyncset.done $0x0  }
0x61: {  	s17 =	rddreg [dreg:$0x1b];
	[sflag:s15] =	ssyncadd.s32 $0xFFFFE000  }
0x62: {  	[spmem:s17] =	stream.linear.scatter [tilespmem:s14], [sflag:$0x11], $0x2000, $0x38;
	[tilespmem:$0x1C480] =	vst v63  }
0x63: {  	_ =	swait.ge [sflag:s15], $0x2000  }
0x64: {  	[sflag:s15] =	ssyncset.done $0x0  }
0x65: {  	s18 =	rddreg [dreg:$0x1c];
	[sflag:s15] =	ssyncadd.s32 $0xFFFFE000  }
0x66: {  	[spmem:s18] =	stream.linear.scatter [tilespmem:s14], [sflag:$0x11], $0x2000, $0x38;
	[tilespmem:$0x1C480] =	vst v63  }
0x67: {  	_ =	swait.ge [sflag:s15], $0x2000  }
0x68: {  	[sflag:s15] =	ssyncset.done $0x0  }
0x69: {  	s25 =	rddreg [dreg:$0x1d];
	[sflag:s15] =	ssyncadd.s32 $0xFFFFE000  }
0x6a: {  	[spmem:s25] =	stream.linear.scatter [tilespmem:s14], [sflag:$0x11], $0x2000, $0x38;
	[tilespmem:$0x1C480] =	vst v63  }
0x6b: {  	_ =	swait.ge [sflag:s15], $0x2000  }
0x6c: {  	[sflag:s15] =	ssyncset.done $0x0  }
0x6d: {  	s31 =	rddreg [dreg:$0x1e];
	[sflag:s15] =	ssyncadd.s32 $0xFFFFE000  }
0x6e: {  	[spmem:s31] =	stream.linear.scatter [tilespmem:s14], [sflag:$0x11], $0x2000, $0x38;
	[tilespmem:$0x1C480] =	vst v63  }
0x6f: {  	_ =	swait.ge [sflag:s15], $0x2000  }
0x70: {  	[sflag:s15] =	ssyncset.done $0x0  }
0x71: {  	s12 =	rddreg [dreg:$0x1f];
	[sflag:s15] =	ssyncadd.s32 $0xFFFFE000  }
0x72: {  	[spmem:s12] =	stream.linear.scatter [tilespmem:s14], [sflag:$0x11], $0x2000, $0x38;
	[tilespmem:$0x1C480] =	vst v63  }
0x73: {  	_ =	swait.ge [sflag:s15], $0x2000  }
0x74: {  	s13 =	sld [smem:$0x7F8]  }
0x75: {  	[sflag:s15] =	ssyncset.done $0x0  }
0x76: {  	[sflag:s15] =	ssyncadd.s32 $0xFFFFE000  }
0x77: {  	[spmem:s13] =	stream.linear.scatter [tilespmem:s14], [sflag:$0x11], $0x2000, $0x38;
	[tilespmem:$0x1C480] =	vst v63  }
0x78: {  	_ =	swait.ge [sflag:s15], $0x2000  }
0x79: {  	s17 =	sld [smem:$0x7F9]  }
0x7a: {  	[sflag:s15] =	ssyncset.done $0x0  }
0x7b: {  	[sflag:s15] =	ssyncadd.s32 $0xFFFFE000  }
0x7c: {  	[spmem:s17] =	stream.linear.scatter [tilespmem:s14], [sflag:$0x11], $0x2000, $0x38;
	[tilespmem:$0x1C480] =	vst v63  }
0x7d: {  	_ =	swait.ge [sflag:s15], $0x2000  }
0x7e: {  	s18 =	sld [smem:$0x7FB]  }
0x7f: {  	[sflag:s15] =	ssyncset.done $0x0  }
0x80: {  	[sflag:s15] =	ssyncadd.s32 $0xFFFFE000  }
0x81: {  	[spmem:s18] =	stream.linear.scatter [tilespmem:s14], [sflag:$0x11], $0x1800, $0x38;
	[tilespmem:$0x1C480] =	vst v63  }
0x82: {  	_ =	swait.ge [sflag:s15], $0x1800  }
0x83: {  	s1 =	sld [smem:$0x7FA]  }
0x84: {  	[sflag:s15] =	ssyncset.done $0x0  }
0x85: {  	s13 =	simm.s32 @p0 $0x800;
	s17 =	simm.s32 @p0 $0x11;
	[sflag:s15] =	ssyncadd.s32 $0xFFFFE800  }
0x86: {  	[spmem:s1] =	stream.linear.scatter @p0 [tilespmem:s13], [sflag:$0x11], $0x2000, $0x38;
	[tilespmem:$0x1C480] =	vst v63  }
0x87: {  	_ =	swait.ge @p0 [sflag:s17], $0x2000  }
0x88: {  	s1 =	sld [smem:$0x7FC]  }
0x89: {  	[sflag:s17] =	ssyncset.done @p0 $0x0  }
0x8a: {  	[sflag:s17] =	ssyncadd.s32 @p0 $0xFFFFE000  }
0x8b: {  	[spmem:s1] =	stream.linear.scatter @p0 [tilespmem:s13], [sflag:$0x11], $0x2000, $0x38;
	[tilespmem:$0x1C480] =	vst v63  }
0x8c: {  	_ =	swait.ge @p0 [sflag:s17], $0x2000  }
0x8d: {  	[sflag:s17] =	ssyncset.done @p0 $0x0  }
0x8e: {  	s13 =	simm.s32 @!p1 $0x800;
	[sflag:s17] =	ssyncadd.s32 @p0 $0xFFFFE000  }
0x8f: {  	[spmem:s21] =	stream.linear.scatter @!p1 [tilespmem:s13], [sflag:$0x11], $0x800, $0x38;
	[tilespmem:$0x1C480] =	vst v63  }
0x90: {  	s13 =	simm.s32 @!p1 $0x11  }
0x91: {  	_ =	swait.ge @!p1 [sflag:s13], $0x800  }
0x92: {  	[sflag:s13] =	ssyncset.done @!p1 $0x0  }
0x93: {  	[sflag:s13] =	ssyncadd.s32 @!p1 $0xFFFFF800  }
0x94: {  	[bflag:$0x0] =	sbarrier.arrive $0xFFFF  }
0x95: {  	s17 =	simm.s32 $0x0;
	s21 =	rddreg [dreg:$0x4]  }
0x96: {  	[tilespmem:s17], [sflag:$0x11] =	stream.linear.gather [hbm4b:s21+s17], $0x40, $0x38;
	[tilespmem:$0x1C480] =	vst v63  }
0x97: {  	_ =	swait.ge [sflag:s15], $0x40  }
0x98: {  	[sflag:s15] =	ssyncset.done $0x0  }
0x99: {  	s12 =	simm.s32 $0x400;
	s25 =	rddreg [dreg:$0x5];
	[sflag:s15] =	ssyncadd.s32 $0xFFFFFFC0  }
0x9a: {  	[tilespmem:s12], [sflag:$0x11] =	stream.linear.gather [hbm4b:s25+s17], $0x40, $0x38;
	[tilespmem:$0x1C480] =	vst v63  }
0x9b: {  	_ =	swait.ge [sflag:s15], $0x40  }
0x9c: {  	[sflag:s15] =	ssyncset.done $0x0  }
0x9d: {  	s12 =	simm.s32 $0x80;
	s31 =	rddreg [dreg:$0x6];
	[sflag:s15] =	ssyncadd.s32 $0xFFFFFFC0  }
0x9e: {  	[tilespmem:s12], [sflag:$0x11] =	stream.linear.gather [hbm4b:s31+s17], $0x40, $0x38;
	[tilespmem:$0x1C480] =	vst v63  }
0x9f: {  	_ =	swait.ge [sflag:s15], $0x40  }
0xa0: {  	[sflag:s15] =	ssyncset.done $0x0  }
0xa1: {  	s18 =	simm.s32 $0x480;
	s13 =	rddreg [dreg:$0x7];
	[sflag:s15] =	ssyncadd.s32 $0xFFFFFFC0  }
0xa2: {  	[tilespmem:s18], [sflag:$0x11] =	stream.linear.gather [hbm4b:s13+s17], $0x40, $0x38;
	[tilespmem:$0x1C480] =	vst v63  }
0xa3: {  	_ =	swait.ge [sflag:s15], $0x40  }
0xa4: {  	[sflag:s15] =	ssyncset.done $0x0  }
0xa5: {  	s13 =	simm.s32 $0x100;
	s21 =	rddreg [dreg:$0x8];
	[sflag:s15] =	ssyncadd.s32 $0xFFFFFFC0  }
0xa6: {  	[tilespmem:s13], [sflag:$0x11] =	stream.linear.gather [hbm4b:s21+s17], $0x40, $0x38;
	[tilespmem:$0x1C480] =	vst v63  }
0xa7: {  	_ =	swait.ge [sflag:s15], $0x40  }
0xa8: {  	[sflag:s15] =	ssyncset.done $0x0  }
0xa9: {  	s31 =	simm.s32 $0x500;
	s25 =	rddreg [dreg:$0x9];
	[sflag:s15] =	ssyncadd.s32 $0xFFFFFFC0  }
0xaa: {  	[tilespmem:s31], [sflag:$0x11] =	stream.linear.gather [hbm4b:s25+s17], $0x40, $0x38;
	[tilespmem:$0x1C480] =	vst v63  }
0xab: {  	_ =	swait.ge [sflag:s15], $0x40  }
0xac: {  	[sflag:s15] =	ssyncset.done $0x0  }
0xad: {  	s18 =	simm.s32 $0x180;
	s21 =	rddreg [dreg:$0xa];
	[sflag:s15] =	ssyncadd.s32 $0xFFFFFFC0  }
0xae: {  	[tilespmem:s18], [sflag:$0x11] =	stream.linear.gather [hbm4b:s21+s17], $0x40, $0x38;
	[tilespmem:$0x1C480] =	vst v63  }
0xaf: {  	_ =	swait.ge [sflag:s15], $0x40  }
0xb0: {  	[sflag:s15] =	ssyncset.done $0x0  }
0xb1: {  	s31 =	simm.s32 $0x580;
	s25 =	rddreg [dreg:$0xb];
	[sflag:s15] =	ssyncadd.s32 $0xFFFFFFC0  }
0xb2: {  	[tilespmem:s31], [sflag:$0x11] =	stream.linear.gather [hbm4b:s25+s17], $0x40, $0x38;
	[tilespmem:$0x1C480] =	vst v63  }
0xb3: {  	_ =	swait.ge [sflag:s15], $0x40  }
0xb4: {  	[sflag:s15] =	ssyncset.done $0x0  }
0xb5: {  	s25 =	simm.s32 $0x200;
	s21 =	rddreg [dreg:$0xc];
	[sflag:s15] =	ssyncadd.s32 $0xFFFFFFC0  }
0xb6: {  	[tilespmem:s25], [sflag:$0xD] =	stream.linear.gather [hbm4b:s21+s17], $0x40, $0x38;
	[tilespmem:$0x1C480] =	vst v63  }
0xb7: {  	s31 =	rddreg [dreg:$0xd]  }
0xb8: {  	[tilespmem:s22], [sflag:$0xD] =	stream.linear.gather [hbm4b:s31+s17], $0x40, $0x38;
	[tilespmem:$0x1C480] =	vst v63  }
0xb9: {  	s21 =	rddreg [dreg:$0xe];
	s22 =	simm.s32 $0x280  }
0xba: {  	[tilespmem:s22], [sflag:$0xE] =	stream.linear.gather [hbm4b:s21+s17], $0x40, $0x38;
	[tilespmem:$0x1C480] =	vst v63  }
0xbb: {  	s25 =	rddreg [dreg:$0xf];
	s31 =	simm.s32 $0x680  }
0xbc: {  	[tilespmem:s31], [sflag:$0xE] =	stream.linear.gather [hbm4b:s25+s17], $0x40, $0x38;
	[tilespmem:$0x1C480] =	vst v63  }
0xbd: {  	s21 =	rddreg [dreg:$0x10];
	s22 =	simm.s32 $0x300  }
0xbe: {  	[tilespmem:s22], [sflag:$0xF] =	stream.linear.gather [hbm4b:s21+s17], $0x40, $0x38;
	[tilespmem:$0x1C480] =	vst v63  }
0xbf: {  	s25 =	rddreg [dreg:$0x11];
	s31 =	simm.s32 $0x700  }
0xc0: {  	[tilespmem:s31], [sflag:$0xF] =	stream.linear.gather [hbm4b:s25+s17], $0x40, $0x38;
	[tilespmem:$0x1C480] =	vst v63  }
0xc1: {  	s21 =	rddreg [dreg:$0x12];
	s22 =	simm.s32 $0x380  }
0xc2: {  	[tilespmem:s22], [sflag:$0x10] =	stream.linear.gather [hbm4b:s21+s17], $0x40, $0x38;
	[tilespmem:$0x1C480] =	vst v63  }
0xc3: {  	s25 =	rddreg [dreg:$0x13];
	s31 =	simm.s32 $0x780  }
0xc4: {  	[tilespmem:s31], [sflag:$0x10] =	stream.linear.gather [hbm4b:s25+s17], $0x40, $0x38;
	[tilespmem:$0x1C480] =	vst v63  }
0xc5: {  	_ = 	snop  }
0xc6: {  	[tilespmem:s14], [sflag:$0x1] =	stream.indirect.gather [hbm4b:s26+s0], $0x80, s17, s0, $0xb8;
	[tilespmem:$0x1C480] =	vst v63  }
0xc7: {  	_ = 	snop  }
0xc8: {  	[tilespmem:s2], [sflag:$0x2] =	stream.indirect.gather [hbm4b:s26+s0], $0x80, s12, s0, $0xb8;
	[tilespmem:$0x1C480] =	vst v63  }
.Ltmp3:
0xc9: {  	_ = 	snop;
	(pc) =	sbr.rel .LBB2_4-.Ltmp3, $4  }
0xca: {  	[tilespmem:s3], [sflag:$0x3] =	stream.indirect.gather [hbm4b:s26+s0], $0x80, s13, s0, $0xb8;
	[tilespmem:$0x1C480] =	vst v63  }
0xcb: {  	_ = 	snop  }
0xcc: {  	[tilespmem:s4], [sflag:$0x4] =	stream.indirect.gather [hbm4b:s26+s0], $0x80, s18, s0, $0xb8;
	[tilespmem:$0x1C480] =	vst v63  }
0xcd: {  	s25 =	simm.s32 $0x0;
	s13 =	simm.s32 $0x0;
	s18 =	simm.s32 $0x0  }
.LBB2_5:
0xce: {  	s1 =	sadd.s32 $0x9, s17;
	s21 =	rddreg [dreg:$0x16]  }
0xcf: {  	s22 =	simm.s32 $0x0;
	s31 =	rddreg [dreg:$0x15];
	s1 =	sand.u32 $0x5, s1  }
0xd0: {  	s21 =	sadd.s32 s25, s21;
	s12 =	sadd.s32 $0x9, s1;
	s1 =	sshll.u32 s1, $0x7  }
0xd1: {  	[tilespmem:s1], [sflag:s12] =	stream.linear.gather [hbm4b:s21+s22], $0x40, $0x38;
	[tilespmem:$0x1C480] =	vst v63  }
0xd2: {  	s1 =	sor.u32 $0x400, s1;
	s21 =	sadd.s32 s25, s31  }
0xd3: {  	[tilespmem:s1], [sflag:s12] =	stream.linear.gather [hbm4b:s21+s22], $0x40, $0x38;
	[tilespmem:$0x1C480] =	vst v63  }
.LBB2_7:
0xd4: {  	s1 =	sadd.s32 $0x5, s17  }
0xd5: {  	s1 =	sand.u32 $0x5, s1  }
0xd6: {  	s12 =	sadd.s32 $0x9, s1  }
0xd7: {  	_ =	swait.ge [sflag:s12], $0x40  }
0xd8: {  	[sflag:s12] =	ssyncset.done $0x0  }
0xd9: {  	[sflag:s12] =	ssyncadd.s32 $0xFFFFFFC0  }
0xda: {  	_ =	swait.ge [sflag:s12], $0x40  }
0xdb: {  	[sflag:s12] =	ssyncset.done $0x0  }
0xdc: {  	s1 =	sshll.u32 s1, $0x7;
	[sflag:s12] =	ssyncadd.s32 $0xFFFFFFC0  }
0xdd: {  	[tilespmem:s2], [sflag:$0x2] =	stream.indirect.gather [hbm4b:s26+s0], $0x80, s1, s0, $0xb8;
	[tilespmem:$0x1C480] =	vst v63  }
0xde: {  	s21 =	sadd.s32 @!p3 s25, s24;
	s1 =	sadd.s32 @!p3 $0xA, s17;
	_ =	swait.ge [sflag:s11], $0x2000  }
0xdf: {  	s22 =	simm.s32 @!p3 $0x0;
	s1 =	sand.u32 @!p3 $0x6, s1;
	[sflag:s11] =	ssyncset.done $0x0  }
0xe0: {  	s12 =	sor.u32 @!p3 $0x9, s1;
	s1 =	sshll.u32 @!p3 s1, $0x7;
	[sflag:s11] =	ssyncadd.s32 $0xFFFFE000  }
0xe1: {  	[tilespmem:s1], [sflag:s12] =	stream.linear.gather @!p3 [hbm4b:s21+s22], $0x40, $0x38;
	[tilespmem:$0x1C480] =	vst v63  }
0xe2: {  	s1 =	sor.u32 @!p3 $0x400, s1;
	s21 =	sadd.s32 @!p3 s25, s23  }
0xe3: {  	[tilespmem:s1], [sflag:s12] =	stream.linear.gather @!p3 [hbm4b:s21+s22], $0x40, $0x38;
	[tilespmem:$0x1C480] =	vst v63  }
0xe4: {  	s12 =	sadd.s32 $0x6, s17  }
0xe5: {  	s1 =	sand.u32 $0x6, s12  }
0xe6: {  	s21 =	sor.u32 $0x9, s1  }
0xe7: {  	_ =	swait.ge [sflag:s21], $0x40  }
0xe8: {  	[sflag:s21] =	ssyncset.done $0x0  }
0xe9: {  	[sflag:s21] =	ssyncadd.s32 $0xFFFFFFC0  }
0xea: {  	_ =	swait.ge [sflag:s21], $0x40  }
0xeb: {  	[sflag:s21] =	ssyncset.done $0x0  }
0xec: {  	s1 =	sshll.u32 s1, $0x7;
	[sflag:s21] =	ssyncadd.s32 $0xFFFFFFC0  }
0xed: {  	[tilespmem:s3], [sflag:$0x3] =	stream.indirect.gather [hbm4b:s26+s0], $0x80, s1, s0, $0xb8;
	[tilespmem:$0x1C480] =	vst v63  }
0xee: {  	s1 =	sadd.s32 @!p3 $0xB, s17;
	_ =	swait.ge [sflag:s16], $0x2000  }
0xef: {  	s21 =	sadd.s32 @!p3 s25, s30;
	s1 =	sand.u32 @!p3 $0x7, s1;
	[sflag:s16] =	ssyncset.done $0x0  }
0xf0: {  	s12 =	sadd.s32 @!p3 $0x9, s1;
	s1 =	sshll.u32 @!p3 s1, $0x7;
	[sflag:s16] =	ssyncadd.s32 $0xFFFFE000  }
0xf1: {  	[tilespmem:s1], [sflag:s12] =	stream.linear.gather @!p3 [hbm4b:s21+s22], $0x40, $0x38;
	[tilespmem:$0x1C480] =	vst v63  }
0xf2: {  	s1 =	sor.u32 @!p3 $0x400, s1;
	s21 =	sadd.s32 @!p3 s25, s29  }
0xf3: {  	[tilespmem:s1], [sflag:s12] =	stream.linear.gather @!p3 [hbm4b:s21+s22], $0x40, $0x38;
	[tilespmem:$0x1C480] =	vst v63  }
0xf4: {  	s22 =	sadd.s32 $0xFFFFFFFF, s17  }
0xf5: {  	s1 =	sand.u32 $0x7, s22  }
0xf6: {  	s31 =	sadd.s32 $0x9, s1  }
0xf7: {  	s25 =	sadd.s32 $0x20, s25;
	_ =	swait.ge [sflag:s31], $0x40  }
0xf8: {  	p3 =	sne.s32 s25, $0x4E0;
	[sflag:s31] =	ssyncset.done $0x0  }
.Ltmp4:
0xf9: {  	[sflag:s31] =	ssyncadd.s32 $0xFFFFFFC0;
	(pc) =	sbr.rel @!p3 .LBB2_8-.Ltmp4, $4  }
0xfa: {  	_ =	swait.ge [sflag:s31], $0x40  }
0xfb: {  	s13 =	sadd.s32 $0x1, s13;
	s18 =	sadd.s32 $0x200, s18;
	[sflag:s31] =	ssyncset.done $0x0  }
0xfc: {  	s17 =	sadd.s32 $0x4, s17;
	s1 =	sshll.u32 s1, $0x7;
	[sflag:s31] =	ssyncadd.s32 $0xFFFFFFC0  }
0xfd: {  	[tilespmem:s4], [sflag:$0x4] =	stream.indirect.gather [hbm4b:s26+s0], $0x80, s1, s0, $0xb8;
	[tilespmem:$0x1C480] =	vst v63  }
.LBB2_4:
0xfe: {  	_ =	swait.ge [sflag:s5], $0x2000  }
0xff: {  	s31 =	sand.u32 $0x200, s18;
	[sflag:s5] =	ssyncset.done $0x0  }
0x100: {  	s12 =	sor.u32 $0x400, s31;
	[sflag:s5] =	ssyncadd.s32 $0xFFFFE000  }
0x101: {  	[spmem:s28] =	stream.indirect.scatter.add.f32 [tilespmem:s14], [sflag:$0x5], $0x80, s12, s0, $0xb8;
	[tilespmem:$0x1C480] =	vst v63  }
0x102: {  	_ =	swait.ge [sflag:s6], $0x2000  }
0x103: {  	[sflag:s6] =	ssyncset.done $0x0  }
0x104: {  	s1 =	sor.u32 $0x480, s31;
	[sflag:s6] =	ssyncadd.s32 $0xFFFFE000  }
0x105: {  	[spmem:s28] =	stream.indirect.scatter.add.f32 [tilespmem:s2], [sflag:$0x6], $0x80, s1, s0, $0xb8;
	[tilespmem:$0x1C480] =	vst v63  }
0x106: {  	_ =	swait.ge [sflag:s7], $0x2000  }
0x107: {  	[sflag:s7] =	ssyncset.done $0x0  }
0x108: {  	s21 =	sor.u32 $0x500, s31;
	[sflag:s7] =	ssyncadd.s32 $0xFFFFE000  }
0x109: {  	[spmem:s28] =	stream.indirect.scatter.add.f32 [tilespmem:s3], [sflag:$0x7], $0x80, s21, s0, $0xb8;
	[tilespmem:$0x1C480] =	vst v63  }
0x10a: {  	_ =	swait.ge [sflag:s8], $0x2000  }
0x10b: {  	[sflag:s8] =	ssyncset.done $0x0  }
0x10c: {  	p4 =	seq.s32 s25, $0x4C0;
	s22 =	sor.u32 $0x580, s31;
	[sflag:s8] =	ssyncadd.s32 $0xFFFFE000  }
0x10d: {  	[spmem:s28] =	stream.indirect.scatter.add.f32 [tilespmem:s4], [sflag:$0x8], $0x80, s22, s0, $0xb8;
	[tilespmem:$0x1C480] =	vst v63  }
0x10e: {  	s12 =	sand.u32 @!p4 $0x4, s17;
	_ =	swait.ge [sflag:s9], $0x2000  }
0x10f: {  	s31 =	sor.u32 @!p4 $0x9, s12;
	s1 =	sshll.u32 @!p4 s12, $0x7;
	[sflag:s9] =	ssyncset.done $0x0  }
0x110: {  	s21 =	sadd.s32 @!p4 s25, s20;
	s22 =	simm.s32 @!p4 $0x0;
	[sflag:s9] =	ssyncadd.s32 $0xFFFFE000  }
0x111: {  	[tilespmem:s1], [sflag:s31] =	stream.linear.gather @!p4 [hbm4b:s21+s22], $0x40, $0x38;
	[tilespmem:$0x1C480] =	vst v63  }
0x112: {  	s1 =	sor.u32 @!p4 $0x400, s1;
	s21 =	sadd.s32 @!p4 s25, s19  }
0x113: {  	[tilespmem:s1], [sflag:s31] =	stream.linear.gather @!p4 [hbm4b:s21+s22], $0x40, $0x38;
	[tilespmem:$0x1C480] =	vst v63  }
0x114: {  	s1 =	sxor.u32 @!p4 $0x4, s12  }
0x115: {  	s1 =	simm.s32 @p4 $0x4  }
0x116: {  	s31 =	sadd.s32 $0x9, s1  }
0x117: {  	_ =	swait.ge [sflag:s31], $0x40  }
0x118: {  	[sflag:s31] =	ssyncset.done $0x0  }
0x119: {  	[sflag:s31] =	ssyncadd.s32 $0xFFFFFFC0  }
0x11a: {  	_ =	swait.ge [sflag:s31], $0x40  }
0x11b: {  	p3 =	sgt.u32 s13, $0x24;
	[sflag:s31] =	ssyncset.done $0x0  }
.Ltmp5:
0x11c: {  	s1 =	sshll.u32 s1, $0x7;
	[sflag:s31] =	ssyncadd.s32 $0xFFFFFFC0;
	(pc) =	sbr.rel @!p3 .LBB2_5-.Ltmp5, $4  }
0x11d: {  	[tilespmem:s14], [sflag:$0x1] =	stream.indirect.gather [hbm4b:s26+s0], $0x80, s1, s0, $0xb8;
	[tilespmem:$0x1C480] =	vst v63  }
0x11e: {  	_ =	swait.ge [sflag:s10], $0x2000  }
0x11f: {  	[sflag:s10] =	ssyncset.done $0x0  }
0x120: {  	[sflag:s10] =	ssyncadd.s32 $0xFFFFE000  }
.Ltmp6:
0x121: {  	(pc) =	sbr.rel @!p4 .LBB2_7-.Ltmp6, $1  }
0x122: {  	_ =	sdelay $0x3  }
0x123: {  	_ =	swait.ge [sflag:s11], $0x2000  }
.Ltmp7:
0x124: {  	[sflag:s11] =	ssyncset.done $0x0;
	(pc) =	sbr.rel .LBB2_8-.Ltmp7, $4  }
0x125: {  	[sflag:s11] =	ssyncadd.s32 $0xFFFFE000  }
0x126: {  	_ =	swait.ge [sflag:s16], $0x2000  }
0x127: {  	[sflag:s16] =	ssyncset.done $0x0  }
0x128: {  	[sflag:s16] =	ssyncadd.s32 $0xFFFFE000  }
.LBB2_9:
0x129: {  	_ =	sfence.sel $0x180000  }
0x12a: {  	[bflag:$0x0] =	sbarrier.arrive $0xFFFF  }
0x12b: {  	_ =	strace $0x9000004A  }
0x12c: {  	s0 =	stileid.u32;
	[bflag:$0x2] =	sbarrier.arrive $0xFFFF  }
0x12d: {  	p0 =	sne.s32 s0, $0x0;
	s0 =	rddreg [dreg:$0x3]  }
0x12e: {  	s0 =	sadd.s32 @!p0 $0x100000, s0  }
0x12f: {  	[sflag:s0] =	ssyncadd.tile.s32 @!p0 $0x1;
	_ =	shalt  }
.Lfunc_end2:
_tile_overlayer_lowered:
.L_overlay_start_2:
0x130: {  	(tag) =	ssettag $0x2  }
0x131: {  	s0 =	rddreg [dreg:$0x0];
	s2 =	stileid.u32  }
0x132: {  	s1 =	rddreg [dreg:$0x1];
	p0 =	sne.s32 s2, $0x0  }
0x133: {  	s3 =	rddreg [dreg:$0x2];
	[bflag:$0x3] =	sbarrier.arrive $0xFFFF;
	s2 =	simm.s32 @!p0 $0x1C11  }
0x134: {  	[timem:s3], [sflag:s2] =	dma.local @!p0 [hbm:s0], s1  }
0x135: {  	s0 =	simm.s32 @!p0 $0x11  }
0x136: {  	_ =	swait.ge @!p0 [sflag:s0], s1  }
0x137: {  	s1 =	ssub.s32 @!p0 $0x0, s1;
	[sflag:s0] =	ssyncset.done @!p0 $0x0  }
0x138: {  	[sflag:s0] =	ssyncadd.s32 @!p0 s1  }
0x139: {  	[bflag:$0x3] =	sbarrier.arrive $0xFFFF  }
0x13a: {  	_ =	shalt  }

</sc_bundles>
